<compile_context>
chip_gen: v7x
topology: tpu7x:2x2x1
jax: 0.10.2.dev20260603
libtpu: 0.0.44.dev20260713+nightly
codegen_flags: <defaults>
</compile_context>

<pallas_src>
import functools

import jax
import jax.numpy as jnp
from jax import lax
from jax.experimental import pallas as pl
from jax.experimental.pallas import tpu as pltpu
from jax.experimental.pallas import tpu_sc as plsc

B = 16384
N_CONT = 13
N_CAT = 26
V = 100001
D = 32
N_OUT = N_CONT + N_CAT
EPS = 1e-5

NW = 32
BPT = B // NW
NB = 64
NR = NB * N_CAT
NCHUNK = BPT // NB
NBT = 512
CATL = 128
CAT_ROWS = B * N_CAT * D // CATL


def _stats_body(x_ref, g_ref, beta_ref, o_ref):
    x = x_ref[...]
    mean = jnp.mean(x, axis=0)
    var = jnp.mean((x - mean) ** 2, axis=0)
    scale = g_ref[...] * lax.rsqrt(var + EPS)
    shift = beta_ref[...] - mean * scale
    o_ref[...] = jnp.stack([scale, shift])


def _cont_body(x_ref, ss_ref, w_ref, b_ref, o_ref):
    xn = x_ref[...] * ss_ref[0][None, :] + ss_ref[1][None, :]
    o_ref[...] = w_ref[...][None] * xn[:, :, None] + b_ref[...][None]


_mesh = plsc.VectorSubcoreMesh(core_axis_name="c", subcore_axis_name="s")


@functools.partial(
    pl.kernel,
    mesh=_mesh,
    compiler_params=pltpu.CompilerParams(
        needs_layout_passes=False, use_tc_tiling_on_sc=False),
    out_type=jax.ShapeDtypeStruct((B * N_CAT, D), jnp.float32),
    name="sc_embedding_gather",
    scratch_types=[
        pltpu.VMEM((NB, N_CAT), jnp.int32),
        pltpu.VMEM((N_CAT, NB), jnp.int32),
        pltpu.VMEM((NR, D), jnp.float32),
        pltpu.VMEM((NR, D), jnp.float32),
        pltpu.SemaphoreType.DMA,
    ],
)
def _sc_gather(cat2_hbm, *rest):
    tabs = rest[:N_CAT]
    out_hbm = rest[N_CAT]
    idbuf, idxf, cat_fm, cat_bm, sem = rest[N_CAT + 1:]
    wid = lax.axis_index("s") * 2 + lax.axis_index("c")
    lanes = lax.iota(jnp.int32, 16)

    def chunk_body(ci, carry):
        base = wid * BPT + ci * NB
        pltpu.sync_copy(cat2_hbm.at[pl.ds(base, NB)], idbuf)
        for f in range(N_CAT):
            fv = jnp.full((16,), f, jnp.int32)
            for k in range(NB // 16):
                b16 = lanes + k * 16
                v = plsc.load_gather(idbuf, [b16, fv])
                plsc.store_scatter(idxf, [fv, b16], v)
        cps = []
        for f in range(N_CAT):
            cps.append(pltpu.async_copy(
                tabs[f].at[idxf.at[f]],
                cat_fm.at[pl.ds(f * NB, NB)],
                sem))
        for cp in cps:
            cp.wait()
        def rint_body(b, carry2):
            for f in range(N_CAT):
                sv = jnp.full((16,), f * NB + b, jnp.int32)
                dv = jnp.full((16,), b * N_CAT + f, jnp.int32)
                v0 = plsc.load_gather(cat_fm, [sv, lanes])
                v1 = plsc.load_gather(cat_fm, [sv, lanes + 16])
                plsc.store_scatter(cat_bm, [dv, lanes], v0)
                plsc.store_scatter(cat_bm, [dv, lanes + 16], v1)
            return carry2

        lax.fori_loop(0, NB, rint_body, 0)
        pltpu.sync_copy(cat_bm, out_hbm.at[pl.ds(base * N_CAT, NR)])
        return carry

    lax.fori_loop(0, NCHUNK, chunk_body, 0)


def kernel(x, categorical, gamma, beta, W, b, tables):
    ss = pl.pallas_call(
        _stats_body,
        out_shape=jax.ShapeDtypeStruct((2, N_CONT), jnp.float32),
    )(x, gamma, beta)
    xcat = _sc_gather(categorical.astype(jnp.int32),
                      *[tables[f] for f in range(N_CAT)])
    xcont = pl.pallas_call(
        _cont_body,
        grid=(B // NBT,),
        in_specs=[
            pl.BlockSpec((NBT, N_CONT), lambda i: (i, 0)),
            pl.BlockSpec((2, N_CONT), lambda i: (0, 0)),
            pl.BlockSpec((N_CONT, D), lambda i: (0, 0)),
            pl.BlockSpec((N_CONT, D), lambda i: (0, 0)),
        ],
        out_specs=pl.BlockSpec((NBT, N_CONT, D), lambda i: (i, 0, 0)),
        out_shape=jax.ShapeDtypeStruct((B, N_CONT, D), jnp.float32),
    )(x, ss, W, b)
    return jnp.concatenate([xcont, xcat.reshape(B, N_CAT, D)], axis=1)

# --- scband reference (transcript-rebuilt; emitter-appended) ---
"""Pipeline reference for scband-embedding-13872744366864 (READ-ONLY COPY).

The authoritative reference and input builder live on the scoring server;
editing this copy changes nothing except your own understanding.
"""

import jax, jax.numpy as jnp
import numpy as np

B = 16384
N_CONT = 13
N_CAT = 26
V = 100001  # num_unique + 1 (padding_idx=0)
D = 32


def setup_inputs(seed: int = 0) -> dict:
    key = jax.random.key(seed)
    k1, k2, k3, k4, k5 = jax.random.split(key, 5)
    x = jax.random.normal(k1, (B, N_CONT), dtype=jnp.float32)
    categorical = jax.random.randint(k2, (B, N_CAT), 0, 100000)
    # BatchNorm1d affine params
    gamma = jnp.ones((N_CONT,), dtype=jnp.float32)
    beta = jnp.zeros((N_CONT,), dtype=jnp.float32)
    # kaiming_uniform_(a=sqrt(5)) on [n_inputs, embedding_dim] -> bound = sqrt(6/((1+5)*fan_in)) = 1/sqrt(fan_in)
    bound = 1.0 / np.sqrt(D)
    W = jax.random.uniform(k3, (N_CONT, D), minval=-bound, maxval=bound, dtype=jnp.float32)
    b = jax.random.uniform(k4, (N_CONT, D), minval=-bound, maxval=bound, dtype=jnp.float32)
    # 26 embedding tables stacked: [N_CAT, V, D]; padding row 0 zeroed (padding_idx=0)
    tables = jax.random.normal(k5, (N_CAT, V, D), dtype=jnp.float32) * 0.05
    tables = tables.at[:, 0, :].set(0.0)
    return {"x": x, "categorical": categorical, "gamma": gamma, "beta": beta, "W": W, "b": b, "tables": tables}


def reference(x, categorical, gamma, beta, W, b, tables):
    eps = 1e-5
    # BatchNorm1d (training-mode batch statistics, biased variance as in torch forward)
    mean = jnp.mean(x, axis=0)
    var = jnp.var(x, axis=0)
    xn = (x - mean) / jnp.sqrt(var + eps) * gamma + beta
    # continuous embedding: W.unsqueeze(0) * xn.unsqueeze(2) + b.unsqueeze(0)
    x_cont = W[None, :, :] * xn[:, :, None] + b[None, :, :]  # [B, N_CONT, D]
    # dropout is identity at inference
    # categorical embeddings: per-field table gather
    field_idx = jnp.arange(N_CAT)[None, :]  # [1, N_CAT]
    x_cat = tables[field_idx, categorical]  # [B, N_CAT, D]
    x_res = jnp.concatenate([x_cont, x_cat], axis=1)  # [B, N_CONT + N_CAT, D]
    return x_res

if __name__ == "__main__":
    import jax
    _d = setup_inputs()
    print(jax.jit(kernel)(*tuple(_d.values())))

</pallas_src>

<mosaic_0001>
#map = affine_map<(d0, d1) -> (0, 0)>
module attributes {stable_mosaic.version = 14 : i64} {
  func.func @sc_embedding_gather(%arg0: i32, %arg1: i32, %arg2: memref<16384x26xi32, #tpu.memory_space<hbm>>, %arg3: memref<100001x32xf32, #tpu.memory_space<hbm>>, %arg4: memref<100001x32xf32, #tpu.memory_space<hbm>>, %arg5: memref<100001x32xf32, #tpu.memory_space<hbm>>, %arg6: memref<100001x32xf32, #tpu.memory_space<hbm>>, %arg7: memref<100001x32xf32, #tpu.memory_space<hbm>>, %arg8: memref<100001x32xf32, #tpu.memory_space<hbm>>, %arg9: memref<100001x32xf32, #tpu.memory_space<hbm>>, %arg10: memref<100001x32xf32, #tpu.memory_space<hbm>>, %arg11: memref<100001x32xf32, #tpu.memory_space<hbm>>, %arg12: memref<100001x32xf32, #tpu.memory_space<hbm>>, %arg13: memref<100001x32xf32, #tpu.memory_space<hbm>>, %arg14: memref<100001x32xf32, #tpu.memory_space<hbm>>, %arg15: memref<100001x32xf32, #tpu.memory_space<hbm>>, %arg16: memref<100001x32xf32, #tpu.memory_space<hbm>>, %arg17: memref<100001x32xf32, #tpu.memory_space<hbm>>, %arg18: memref<100001x32xf32, #tpu.memory_space<hbm>>, %arg19: memref<100001x32xf32, #tpu.memory_space<hbm>>, %arg20: memref<100001x32xf32, #tpu.memory_space<hbm>>, %arg21: memref<100001x32xf32, #tpu.memory_space<hbm>>, %arg22: memref<100001x32xf32, #tpu.memory_space<hbm>>, %arg23: memref<100001x32xf32, #tpu.memory_space<hbm>>, %arg24: memref<100001x32xf32, #tpu.memory_space<hbm>>, %arg25: memref<100001x32xf32, #tpu.memory_space<hbm>>, %arg26: memref<100001x32xf32, #tpu.memory_space<hbm>>, %arg27: memref<100001x32xf32, #tpu.memory_space<hbm>>, %arg28: memref<100001x32xf32, #tpu.memory_space<hbm>>, %arg29: memref<425984x32xf32, #tpu.memory_space<hbm>>, %arg30: memref<64x26xi32, #tpu.memory_space<vmem>>, %arg31: memref<26x64xi32, #tpu.memory_space<vmem>>, %arg32: memref<1664x32xf32, #tpu.memory_space<vmem>>, %arg33: memref<1664x32xf32, #tpu.memory_space<vmem>>, %arg34: memref<!tpu.dma_semaphore, #tpu.memory_space<semaphore_mem>>) attributes {dimension_semantics = [#tpu.dimension_semantics<core_parallel>, #tpu.dimension_semantics<subcore_parallel>], iteration_bounds = array<i64: 2, 16>, scalar_prefetch = 0 : i64, scratch_operands = 5 : i64, tpu.core_type = #tpu.core_type<sc_vector_subcore>, window_params = [{transform_indices = #map}, {transform_indices = #map}, {transform_indices = #map}, {transform_indices = #map}, {transform_indices = #map}, {transform_indices = #map}, {transform_indices = #map}, {transform_indices = #map}, {transform_indices = #map}, {transform_indices = #map}, {transform_indices = #map}, {transform_indices = #map}, {transform_indices = #map}, {transform_indices = #map}, {transform_indices = #map}, {transform_indices = #map}, {transform_indices = #map}, {transform_indices = #map}, {transform_indices = #map}, {transform_indices = #map}, {transform_indices = #map}, {transform_indices = #map}, {transform_indices = #map}, {transform_indices = #map}, {transform_indices = #map}, {transform_indices = #map}, {transform_indices = #map}, {transform_indices = #map}]} {
    %mul3A = arith.constant 2 : i32
    %mul3A_0 = arith.muli %arg1, %mul3A : i32
    %add3A = arith.addi %mul3A_0, %arg0 : i32
    %iota3A = tpu.iota {dimensions = array<i32: 0>} : vector<16xi32>
    %scan3A = arith.constant 0 : i32
    %scan3A_1 = arith.constant 0 : i32
    %scan3A_2 = arith.constant 8 : i32
    %scan3A_3 = arith.addi %scan3A_1, %scan3A_2 : i32
    %scan3A_4 = arith.constant 1 : i32
    scf.for %scan3A_6 = %scan3A_1 to %scan3A_3 step %scan3A_4  : i32 {
      %mul3A_7 = arith.constant 512 : i32
      %mul3A_8 = arith.muli %add3A, %mul3A_7 : i32
      %mul3A_9 = arith.constant 64 : i32
      %mul3A_10 = arith.muli %scan3A_6, %mul3A_9 : i32
      %add3A_11 = arith.addi %mul3A_8, %mul3A_10 : i32
      "tpu.region"() ({
        %run_scoped3A = tpu.sem_alloc : memref<!tpu.dma_semaphore, #tpu.memory_space<semaphore_mem>>
        %dma_start3A_1004 = arith.constant 0 : i32
        %dma_start3A_1005 = tpu.memref_slice %arg2[%add3A_11, %dma_start3A_1004] : memref<16384x26xi32, #tpu.memory_space<hbm>> -> memref<64x26xi32, #tpu.memory_space<hbm>>
        %dma_start3A_1006 = arith.constant 0 : i32
        %dma_start3A_1007 = tpu.memref_slice %arg2[%add3A_11, %dma_start3A_1006] : memref<16384x26xi32, #tpu.memory_space<hbm>> -> memref<64x26xi32, #tpu.memory_space<hbm>>
        tpu.enqueue_dma source(%dma_start3A_1007 : memref<64x26xi32, #tpu.memory_space<hbm>>) target(%arg30 : memref<64x26xi32, #tpu.memory_space<vmem>>) target_semaphore(%run_scoped3A : memref<!tpu.dma_semaphore, #tpu.memory_space<semaphore_mem>>)
        %dma_wait3A_1008 = arith.constant 0 : i32
        %dma_wait3A_1009 = tpu.memref_slice %arg2[%add3A_11, %dma_wait3A_1008] : memref<16384x26xi32, #tpu.memory_space<hbm>> -> memref<64x26xi32, #tpu.memory_space<hbm>>
        %dma_wait3A_1010 = arith.constant 0 : i32
        %dma_wait3A_1011 = tpu.memref_slice %arg2[%add3A_11, %dma_wait3A_1010] : memref<16384x26xi32, #tpu.memory_space<hbm>> -> memref<64x26xi32, #tpu.memory_space<hbm>>
        tpu.wait_dma2 semaphore(%run_scoped3A : memref<!tpu.dma_semaphore, #tpu.memory_space<semaphore_mem>>) src(%dma_wait3A_1011 : memref<64x26xi32, #tpu.memory_space<hbm>>) dst(%arg30 : memref<64x26xi32, #tpu.memory_space<vmem>>)
        tpu.yield
      }) : () -> ()
      %broadcast_in_dim3A = arith.constant 0 : i32
      %broadcast_in_dim3A_12 = vector.broadcast %broadcast_in_dim3A : i32 to vector<16xi32>
      %add3A_13 = arith.constant 0 : i32
      %add3A_14 = vector.broadcast %add3A_13 : i32 to vector<16xi32>
      %add3A_15 = arith.addi %iota3A, %add3A_14 : vector<16xi32>
      %gather3A = tpu.vector_load_idx %arg30[%add3A_15, %broadcast_in_dim3A_12] : memref<64x26xi32, #tpu.memory_space<vmem>>[vector<16xi32>, vector<16xi32>], vector<16xi32>,
      tpu.vector_store_idx %arg31[%broadcast_in_dim3A_12, %add3A_15], %gather3A : memref<26x64xi32, #tpu.memory_space<vmem>>[vector<16xi32>, vector<16xi32>], vector<16xi32>,
      %add3A_16 = arith.constant 16 : i32
      %add3A_17 = vector.broadcast %add3A_16 : i32 to vector<16xi32>
      %add3A_18 = arith.addi %iota3A, %add3A_17 : vector<16xi32>
      %gather3A_19 = tpu.vector_load_idx %arg30[%add3A_18, %broadcast_in_dim3A_12] : memref<64x26xi32, #tpu.memory_space<vmem>>[vector<16xi32>, vector<16xi32>], vector<16xi32>,
      tpu.vector_store_idx %arg31[%broadcast_in_dim3A_12, %add3A_18], %gather3A_19 : memref<26x64xi32, #tpu.memory_space<vmem>>[vector<16xi32>, vector<16xi32>], vector<16xi32>,
      %add3A_20 = arith.constant 32 : i32
      %add3A_21 = vector.broadcast %add3A_20 : i32 to vector<16xi32>
      %add3A_22 = arith.addi %iota3A, %add3A_21 : vector<16xi32>
      %gather3A_23 = tpu.vector_load_idx %arg30[%add3A_22, %broadcast_in_dim3A_12] : memref<64x26xi32, #tpu.memory_space<vmem>>[vector<16xi32>, vector<16xi32>], vector<16xi32>,
      tpu.vector_store_idx %arg31[%broadcast_in_dim3A_12, %add3A_22], %gather3A_23 : memref<26x64xi32, #tpu.memory_space<vmem>>[vector<16xi32>, vector<16xi32>], vector<16xi32>,
      %add3A_24 = arith.constant 48 : i32
      %add3A_25 = vector.broadcast %add3A_24 : i32 to vector<16xi32>
      %add3A_26 = arith.addi %iota3A, %add3A_25 : vector<16xi32>
      %gather3A_27 = tpu.vector_load_idx %arg30[%add3A_26, %broadcast_in_dim3A_12] : memref<64x26xi32, #tpu.memory_space<vmem>>[vector<16xi32>, vector<16xi32>], vector<16xi32>,
      tpu.vector_store_idx %arg31[%broadcast_in_dim3A_12, %add3A_26], %gather3A_27 : memref<26x64xi32, #tpu.memory_space<vmem>>[vector<16xi32>, vector<16xi32>], vector<16xi32>,
      %broadcast_in_dim3A_28 = arith.constant 1 : i32
      %broadcast_in_dim3A_29 = vector.broadcast %broadcast_in_dim3A_28 : i32 to vector<16xi32>
      %add3A_30 = arith.constant 0 : i32
      %add3A_31 = vector.broadcast %add3A_30 : i32 to vector<16xi32>
      %add3A_32 = arith.addi %iota3A, %add3A_31 : vector<16xi32>
      %gather3A_33 = tpu.vector_load_idx %arg30[%add3A_32, %broadcast_in_dim3A_29] : memref<64x26xi32, #tpu.memory_space<vmem>>[vector<16xi32>, vector<16xi32>], vector<16xi32>,
      tpu.vector_store_idx %arg31[%broadcast_in_dim3A_29, %add3A_32], %gather3A_33 : memref<26x64xi32, #tpu.memory_space<vmem>>[vector<16xi32>, vector<16xi32>], vector<16xi32>,
      %add3A_34 = arith.constant 16 : i32
      %add3A_35 = vector.broadcast %add3A_34 : i32 to vector<16xi32>
      %add3A_36 = arith.addi %iota3A, %add3A_35 : vector<16xi32>
      %gather3A_37 = tpu.vector_load_idx %arg30[%add3A_36, %broadcast_in_dim3A_29] : memref<64x26xi32, #tpu.memory_space<vmem>>[vector<16xi32>, vector<16xi32>], vector<16xi32>,
      tpu.vector_store_idx %arg31[%broadcast_in_dim3A_29, %add3A_36], %gather3A_37 : memref<26x64xi32, #tpu.memory_space<vmem>>[vector<16xi32>, vector<16xi32>], vector<16xi32>,
      %add3A_38 = arith.constant 32 : i32
      %add3A_39 = vector.broadcast %add3A_38 : i32 to vector<16xi32>
      %add3A_40 = arith.addi %iota3A, %add3A_39 : vector<16xi32>
      %gather3A_41 = tpu.vector_load_idx %arg30[%add3A_40, %broadcast_in_dim3A_29] : memref<64x26xi32, #tpu.memory_space<vmem>>[vector<16xi32>, vector<16xi32>], vector<16xi32>,
      tpu.vector_store_idx %arg31[%broadcast_in_dim3A_29, %add3A_40], %gather3A_41 : memref<26x64xi32, #tpu.memory_space<vmem>>[vector<16xi32>, vector<16xi32>], vector<16xi32>,
      %add3A_42 = arith.constant 48 : i32
      %add3A_43 = vector.broadcast %add3A_42 : i32 to vector<16xi32>
      %add3A_44 = arith.addi %iota3A, %add3A_43 : vector<16xi32>
      %gather3A_45 = tpu.vector_load_idx %arg30[%add3A_44, %broadcast_in_dim3A_29] : memref<64x26xi32, #tpu.memory_space<vmem>>[vector<16xi32>, vector<16xi32>], vector<16xi32>,
      tpu.vector_store_idx %arg31[%broadcast_in_dim3A_29, %add3A_44], %gather3A_45 : memref<26x64xi32, #tpu.memory_space<vmem>>[vector<16xi32>, vector<16xi32>], vector<16xi32>,
      %broadcast_in_dim3A_46 = arith.constant 2 : i32
      %broadcast_in_dim3A_47 = vector.broadcast %broadcast_in_dim3A_46 : i32 to vector<16xi32>
      %add3A_48 = arith.constant 0 : i32
      %add3A_49 = vector.broadcast %add3A_48 : i32 to vector<16xi32>
      %add3A_50 = arith.addi %iota3A, %add3A_49 : vector<16xi32>
      %gather3A_51 = tpu.vector_load_idx %arg30[%add3A_50, %broadcast_in_dim3A_47] : memref<64x26xi32, #tpu.memory_space<vmem>>[vector<16xi32>, vector<16xi32>], vector<16xi32>,
      tpu.vector_store_idx %arg31[%broadcast_in_dim3A_47, %add3A_50], %gather3A_51 : memref<26x64xi32, #tpu.memory_space<vmem>>[vector<16xi32>, vector<16xi32>], vector<16xi32>,
      %add3A_52 = arith.constant 16 : i32
      %add3A_53 = vector.broadcast %add3A_52 : i32 to vector<16xi32>
      %add3A_54 = arith.addi %iota3A, %add3A_53 : vector<16xi32>
      %gather3A_55 = tpu.vector_load_idx %arg30[%add3A_54, %broadcast_in_dim3A_47] : memref<64x26xi32, #tpu.memory_space<vmem>>[vector<16xi32>, vector<16xi32>], vector<16xi32>,
      tpu.vector_store_idx %arg31[%broadcast_in_dim3A_47, %add3A_54], %gather3A_55 : memref<26x64xi32, #tpu.memory_space<vmem>>[vector<16xi32>, vector<16xi32>], vector<16xi32>,
      %add3A_56 = arith.constant 32 : i32
      %add3A_57 = vector.broadcast %add3A_56 : i32 to vector<16xi32>
      %add3A_58 = arith.addi %iota3A, %add3A_57 : vector<16xi32>
      %gather3A_59 = tpu.vector_load_idx %arg30[%add3A_58, %broadcast_in_dim3A_47] : memref<64x26xi32, #tpu.memory_space<vmem>>[vector<16xi32>, vector<16xi32>], vector<16xi32>,
      tpu.vector_store_idx %arg31[%broadcast_in_dim3A_47, %add3A_58], %gather3A_59 : memref<26x64xi32, #tpu.memory_space<vmem>>[vector<16xi32>, vector<16xi32>], vector<16xi32>,
      %add3A_60 = arith.constant 48 : i32
      %add3A_61 = vector.broadcast %add3A_60 : i32 to vector<16xi32>
      %add3A_62 = arith.addi %iota3A, %add3A_61 : vector<16xi32>
      %gather3A_63 = tpu.vector_load_idx %arg30[%add3A_62, %broadcast_in_dim3A_47] : memref<64x26xi32, #tpu.memory_space<vmem>>[vector<16xi32>, vector<16xi32>], vector<16xi32>,
      tpu.vector_store_idx %arg31[%broadcast_in_dim3A_47, %add3A_62], %gather3A_63 : memref<26x64xi32, #tpu.memory_space<vmem>>[vector<16xi32>, vector<16xi32>], vector<16xi32>,
      %broadcast_in_dim3A_64 = arith.constant 3 : i32
      %broadcast_in_dim3A_65 = vector.broadcast %broadcast_in_dim3A_64 : i32 to vector<16xi32>
      %add3A_66 = arith.constant 0 : i32
      %add3A_67 = vector.broadcast %add3A_66 : i32 to vector<16xi32>
      %add3A_68 = arith.addi %iota3A, %add3A_67 : vector<16xi32>
      %gather3A_69 = tpu.vector_load_idx %arg30[%add3A_68, %broadcast_in_dim3A_65] : memref<64x26xi32, #tpu.memory_space<vmem>>[vector<16xi32>, vector<16xi32>], vector<16xi32>,
      tpu.vector_store_idx %arg31[%broadcast_in_dim3A_65, %add3A_68], %gather3A_69 : memref<26x64xi32, #tpu.memory_space<vmem>>[vector<16xi32>, vector<16xi32>], vector<16xi32>,
      %add3A_70 = arith.constant 16 : i32
      %add3A_71 = vector.broadcast %add3A_70 : i32 to vector<16xi32>
      %add3A_72 = arith.addi %iota3A, %add3A_71 : vector<16xi32>
      %gather3A_73 = tpu.vector_load_idx %arg30[%add3A_72, %broadcast_in_dim3A_65] : memref<64x26xi32, #tpu.memory_space<vmem>>[vector<16xi32>, vector<16xi32>], vector<16xi32>,
      tpu.vector_store_idx %arg31[%broadcast_in_dim3A_65, %add3A_72], %gather3A_73 : memref<26x64xi32, #tpu.memory_space<vmem>>[vector<16xi32>, vector<16xi32>], vector<16xi32>,
      %add3A_74 = arith.constant 32 : i32
      %add3A_75 = vector.broadcast %add3A_74 : i32 to vector<16xi32>
      %add3A_76 = arith.addi %iota3A, %add3A_75 : vector<16xi32>
      %gather3A_77 = tpu.vector_load_idx %arg30[%add3A_76, %broadcast_in_dim3A_65] : memref<64x26xi32, #tpu.memory_space<vmem>>[vector<16xi32>, vector<16xi32>], vector<16xi32>,
      tpu.vector_store_idx %arg31[%broadcast_in_dim3A_65, %add3A_76], %gather3A_77 : memref<26x64xi32, #tpu.memory_space<vmem>>[vector<16xi32>, vector<16xi32>], vector<16xi32>,
      %add3A_78 = arith.constant 48 : i32
      %add3A_79 = vector.broadcast %add3A_78 : i32 to vector<16xi32>
      %add3A_80 = arith.addi %iota3A, %add3A_79 : vector<16xi32>
      %gather3A_81 = tpu.vector_load_idx %arg30[%add3A_80, %broadcast_in_dim3A_65] : memref<64x26xi32, #tpu.memory_space<vmem>>[vector<16xi32>, vector<16xi32>], vector<16xi32>,
      tpu.vector_store_idx %arg31[%broadcast_in_dim3A_65, %add3A_80], %gather3A_81 : memref<26x64xi32, #tpu.memory_space<vmem>>[vector<16xi32>, vector<16xi32>], vector<16xi32>,
      %broadcast_in_dim3A_82 = arith.constant 4 : i32
      %broadcast_in_dim3A_83 = vector.broadcast %broadcast_in_dim3A_82 : i32 to vector<16xi32>
      %add3A_84 = arith.constant 0 : i32
      %add3A_85 = vector.broadcast %add3A_84 : i32 to vector<16xi32>
      %add3A_86 = arith.addi %iota3A, %add3A_85 : vector<16xi32>
      %gather3A_87 = tpu.vector_load_idx %arg30[%add3A_86, %broadcast_in_dim3A_83] : memref<64x26xi32, #tpu.memory_space<vmem>>[vector<16xi32>, vector<16xi32>], vector<16xi32>,
      tpu.vector_store_idx %arg31[%broadcast_in_dim3A_83, %add3A_86], %gather3A_87 : memref<26x64xi32, #tpu.memory_space<vmem>>[vector<16xi32>, vector<16xi32>], vector<16xi32>,
      %add3A_88 = arith.constant 16 : i32
      %add3A_89 = vector.broadcast %add3A_88 : i32 to vector<16xi32>
      %add3A_90 = arith.addi %iota3A, %add3A_89 : vector<16xi32>
      %gather3A_91 = tpu.vector_load_idx %arg30[%add3A_90, %broadcast_in_dim3A_83] : memref<64x26xi32, #tpu.memory_space<vmem>>[vector<16xi32>, vector<16xi32>], vector<16xi32>,
      tpu.vector_store_idx %arg31[%broadcast_in_dim3A_83, %add3A_90], %gather3A_91 : memref<26x64xi32, #tpu.memory_space<vmem>>[vector<16xi32>, vector<16xi32>], vector<16xi32>,
      %add3A_92 = arith.constant 32 : i32
      %add3A_93 = vector.broadcast %add3A_92 : i32 to vector<16xi32>
      %add3A_94 = arith.addi %iota3A, %add3A_93 : vector<16xi32>
      %gather3A_95 = tpu.vector_load_idx %arg30[%add3A_94, %broadcast_in_dim3A_83] : memref<64x26xi32, #tpu.memory_space<vmem>>[vector<16xi32>, vector<16xi32>], vector<16xi32>,
      tpu.vector_store_idx %arg31[%broadcast_in_dim3A_83, %add3A_94], %gather3A_95 : memref<26x64xi32, #tpu.memory_space<vmem>>[vector<16xi32>, vector<16xi32>], vector<16xi32>,
      %add3A_96 = arith.constant 48 : i32
      %add3A_97 = vector.broadcast %add3A_96 : i32 to vector<16xi32>
      %add3A_98 = arith.addi %iota3A, %add3A_97 : vector<16xi32>
      %gather3A_99 = tpu.vector_load_idx %arg30[%add3A_98, %broadcast_in_dim3A_83] : memref<64x26xi32, #tpu.memory_space<vmem>>[vector<16xi32>, vector<16xi32>], vector<16xi32>,
      tpu.vector_store_idx %arg31[%broadcast_in_dim3A_83, %add3A_98], %gather3A_99 : memref<26x64xi32, #tpu.memory_space<vmem>>[vector<16xi32>, vector<16xi32>], vector<16xi32>,
      %broadcast_in_dim3A_100 = arith.constant 5 : i32
      %broadcast_in_dim3A_101 = vector.broadcast %broadcast_in_dim3A_100 : i32 to vector<16xi32>
      %add3A_102 = arith.constant 0 : i32
      %add3A_103 = vector.broadcast %add3A_102 : i32 to vector<16xi32>
      %add3A_104 = arith.addi %iota3A, %add3A_103 : vector<16xi32>
      %gather3A_105 = tpu.vector_load_idx %arg30[%add3A_104, %broadcast_in_dim3A_101] : memref<64x26xi32, #tpu.memory_space<vmem>>[vector<16xi32>, vector<16xi32>], vector<16xi32>,
      tpu.vector_store_idx %arg31[%broadcast_in_dim3A_101, %add3A_104], %gather3A_105 : memref<26x64xi32, #tpu.memory_space<vmem>>[vector<16xi32>, vector<16xi32>], vector<16xi32>,
      %add3A_106 = arith.constant 16 : i32
      %add3A_107 = vector.broadcast %add3A_106 : i32 to vector<16xi32>
      %add3A_108 = arith.addi %iota3A, %add3A_107 : vector<16xi32>
      %gather3A_109 = tpu.vector_load_idx %arg30[%add3A_108, %broadcast_in_dim3A_101] : memref<64x26xi32, #tpu.memory_space<vmem>>[vector<16xi32>, vector<16xi32>], vector<16xi32>,
      tpu.vector_store_idx %arg31[%broadcast_in_dim3A_101, %add3A_108], %gather3A_109 : memref<26x64xi32, #tpu.memory_space<vmem>>[vector<16xi32>, vector<16xi32>], vector<16xi32>,
      %add3A_110 = arith.constant 32 : i32
      %add3A_111 = vector.broadcast %add3A_110 : i32 to vector<16xi32>
      %add3A_112 = arith.addi %iota3A, %add3A_111 : vector<16xi32>
      %gather3A_113 = tpu.vector_load_idx %arg30[%add3A_112, %broadcast_in_dim3A_101] : memref<64x26xi32, #tpu.memory_space<vmem>>[vector<16xi32>, vector<16xi32>], vector<16xi32>,
      tpu.vector_store_idx %arg31[%broadcast_in_dim3A_101, %add3A_112], %gather3A_113 : memref<26x64xi32, #tpu.memory_space<vmem>>[vector<16xi32>, vector<16xi32>], vector<16xi32>,
      %add3A_114 = arith.constant 48 : i32
      %add3A_115 = vector.broadcast %add3A_114 : i32 to vector<16xi32>
      %add3A_116 = arith.addi %iota3A, %add3A_115 : vector<16xi32>
      %gather3A_117 = tpu.vector_load_idx %arg30[%add3A_116, %broadcast_in_dim3A_101] : memref<64x26xi32, #tpu.memory_space<vmem>>[vector<16xi32>, vector<16xi32>], vector<16xi32>,
      tpu.vector_store_idx %arg31[%broadcast_in_dim3A_101, %add3A_116], %gather3A_117 : memref<26x64xi32, #tpu.memory_space<vmem>>[vector<16xi32>, vector<16xi32>], vector<16xi32>,
      %broadcast_in_dim3A_118 = arith.constant 6 : i32
      %broadcast_in_dim3A_119 = vector.broadcast %broadcast_in_dim3A_118 : i32 to vector<16xi32>
      %add3A_120 = arith.constant 0 : i32
      %add3A_121 = vector.broadcast %add3A_120 : i32 to vector<16xi32>
      %add3A_122 = arith.addi %iota3A, %add3A_121 : vector<16xi32>
      %gather3A_123 = tpu.vector_load_idx %arg30[%add3A_122, %broadcast_in_dim3A_119] : memref<64x26xi32, #tpu.memory_space<vmem>>[vector<16xi32>, vector<16xi32>], vector<16xi32>,
      tpu.vector_store_idx %arg31[%broadcast_in_dim3A_119, %add3A_122], %gather3A_123 : memref<26x64xi32, #tpu.memory_space<vmem>>[vector<16xi32>, vector<16xi32>], vector<16xi32>,
      %add3A_124 = arith.constant 16 : i32
      %add3A_125 = vector.broadcast %add3A_124 : i32 to vector<16xi32>
      %add3A_126 = arith.addi %iota3A, %add3A_125 : vector<16xi32>
      %gather3A_127 = tpu.vector_load_idx %arg30[%add3A_126, %broadcast_in_dim3A_119] : memref<64x26xi32, #tpu.memory_space<vmem>>[vector<16xi32>, vector<16xi32>], vector<16xi32>,
      tpu.vector_store_idx %arg31[%broadcast_in_dim3A_119, %add3A_126], %gather3A_127 : memref<26x64xi32, #tpu.memory_space<vmem>>[vector<16xi32>, vector<16xi32>], vector<16xi32>,
      %add3A_128 = arith.constant 32 : i32
      %add3A_129 = vector.broadcast %add3A_128 : i32 to vector<16xi32>
      %add3A_130 = arith.addi %iota3A, %add3A_129 : vector<16xi32>
      %gather3A_131 = tpu.vector_load_idx %arg30[%add3A_130, %broadcast_in_dim3A_119] : memref<64x26xi32, #tpu.memory_space<vmem>>[vector<16xi32>, vector<16xi32>], vector<16xi32>,
      tpu.vector_store_idx %arg31[%broadcast_in_dim3A_119, %add3A_130], %gather3A_131 : memref<26x64xi32, #tpu.memory_space<vmem>>[vector<16xi32>, vector<16xi32>], vector<16xi32>,
      %add3A_132 = arith.constant 48 : i32
      %add3A_133 = vector.broadcast %add3A_132 : i32 to vector<16xi32>
      %add3A_134 = arith.addi %iota3A, %add3A_133 : vector<16xi32>
      %gather3A_135 = tpu.vector_load_idx %arg30[%add3A_134, %broadcast_in_dim3A_119] : memref<64x26xi32, #tpu.memory_space<vmem>>[vector<16xi32>, vector<16xi32>], vector<16xi32>,
      tpu.vector_store_idx %arg31[%broadcast_in_dim3A_119, %add3A_134], %gather3A_135 : memref<26x64xi32, #tpu.memory_space<vmem>>[vector<16xi32>, vector<16xi32>], vector<16xi32>,
      %broadcast_in_dim3A_136 = arith.constant 7 : i32
      %broadcast_in_dim3A_137 = vector.broadcast %broadcast_in_dim3A_136 : i32 to vector<16xi32>
      %add3A_138 = arith.constant 0 : i32
      %add3A_139 = vector.broadcast %add3A_138 : i32 to vector<16xi32>
      %add3A_140 = arith.addi %iota3A, %add3A_139 : vector<16xi32>
      %gather3A_141 = tpu.vector_load_idx %arg30[%add3A_140, %broadcast_in_dim3A_137] : memref<64x26xi32, #tpu.memory_space<vmem>>[vector<16xi32>, vector<16xi32>], vector<16xi32>,
      tpu.vector_store_idx %arg31[%broadcast_in_dim3A_137, %add3A_140], %gather3A_141 : memref<26x64xi32, #tpu.memory_space<vmem>>[vector<16xi32>, vector<16xi32>], vector<16xi32>,
      %add3A_142 = arith.constant 16 : i32
      %add3A_143 = vector.broadcast %add3A_142 : i32 to vector<16xi32>
      %add3A_144 = arith.addi %iota3A, %add3A_143 : vector<16xi32>
      %gather3A_145 = tpu.vector_load_idx %arg30[%add3A_144, %broadcast_in_dim3A_137] : memref<64x26xi32, #tpu.memory_space<vmem>>[vector<16xi32>, vector<16xi32>], vector<16xi32>,
      tpu.vector_store_idx %arg31[%broadcast_in_dim3A_137, %add3A_144], %gather3A_145 : memref<26x64xi32, #tpu.memory_space<vmem>>[vector<16xi32>, vector<16xi32>], vector<16xi32>,
      %add3A_146 = arith.constant 32 : i32
      %add3A_147 = vector.broadcast %add3A_146 : i32 to vector<16xi32>
      %add3A_148 = arith.addi %iota3A, %add3A_147 : vector<16xi32>
      %gather3A_149 = tpu.vector_load_idx %arg30[%add3A_148, %broadcast_in_dim3A_137] : memref<64x26xi32, #tpu.memory_space<vmem>>[vector<16xi32>, vector<16xi32>], vector<16xi32>,
      tpu.vector_store_idx %arg31[%broadcast_in_dim3A_137, %add3A_148], %gather3A_149 : memref<26x64xi32, #tpu.memory_space<vmem>>[vector<16xi32>, vector<16xi32>], vector<16xi32>,
      %add3A_150 = arith.constant 48 : i32
      %add3A_151 = vector.broadcast %add3A_150 : i32 to vector<16xi32>
      %add3A_152 = arith.addi %iota3A, %add3A_151 : vector<16xi32>
      %gather3A_153 = tpu.vector_load_idx %arg30[%add3A_152, %broadcast_in_dim3A_137] : memref<64x26xi32, #tpu.memory_space<vmem>>[vector<16xi32>, vector<16xi32>], vector<16xi32>,
      tpu.vector_store_idx %arg31[%broadcast_in_dim3A_137, %add3A_152], %gather3A_153 : memref<26x64xi32, #tpu.memory_space<vmem>>[vector<16xi32>, vector<16xi32>], vector<16xi32>,
      %broadcast_in_dim3A_154 = arith.constant 8 : i32
      %broadcast_in_dim3A_155 = vector.broadcast %broadcast_in_dim3A_154 : i32 to vector<16xi32>
      %add3A_156 = arith.constant 0 : i32
      %add3A_157 = vector.broadcast %add3A_156 : i32 to vector<16xi32>
      %add3A_158 = arith.addi %iota3A, %add3A_157 : vector<16xi32>
      %gather3A_159 = tpu.vector_load_idx %arg30[%add3A_158, %broadcast_in_dim3A_155] : memref<64x26xi32, #tpu.memory_space<vmem>>[vector<16xi32>, vector<16xi32>], vector<16xi32>,
      tpu.vector_store_idx %arg31[%broadcast_in_dim3A_155, %add3A_158], %gather3A_159 : memref<26x64xi32, #tpu.memory_space<vmem>>[vector<16xi32>, vector<16xi32>], vector<16xi32>,
      %add3A_160 = arith.constant 16 : i32
      %add3A_161 = vector.broadcast %add3A_160 : i32 to vector<16xi32>
      %add3A_162 = arith.addi %iota3A, %add3A_161 : vector<16xi32>
      %gather3A_163 = tpu.vector_load_idx %arg30[%add3A_162, %broadcast_in_dim3A_155] : memref<64x26xi32, #tpu.memory_space<vmem>>[vector<16xi32>, vector<16xi32>], vector<16xi32>,
      tpu.vector_store_idx %arg31[%broadcast_in_dim3A_155, %add3A_162], %gather3A_163 : memref<26x64xi32, #tpu.memory_space<vmem>>[vector<16xi32>, vector<16xi32>], vector<16xi32>,
      %add3A_164 = arith.constant 32 : i32
      %add3A_165 = vector.broadcast %add3A_164 : i32 to vector<16xi32>
      %add3A_166 = arith.addi %iota3A, %add3A_165 : vector<16xi32>
      %gather3A_167 = tpu.vector_load_idx %arg30[%add3A_166, %broadcast_in_dim3A_155] : memref<64x26xi32, #tpu.memory_space<vmem>>[vector<16xi32>, vector<16xi32>], vector<16xi32>,
      tpu.vector_store_idx %arg31[%broadcast_in_dim3A_155, %add3A_166], %gather3A_167 : memref<26x64xi32, #tpu.memory_space<vmem>>[vector<16xi32>, vector<16xi32>], vector<16xi32>,
      %add3A_168 = arith.constant 48 : i32
      %add3A_169 = vector.broadcast %add3A_168 : i32 to vector<16xi32>
      %add3A_170 = arith.addi %iota3A, %add3A_169 : vector<16xi32>
      %gather3A_171 = tpu.vector_load_idx %arg30[%add3A_170, %broadcast_in_dim3A_155] : memref<64x26xi32, #tpu.memory_space<vmem>>[vector<16xi32>, vector<16xi32>], vector<16xi32>,
      tpu.vector_store_idx %arg31[%broadcast_in_dim3A_155, %add3A_170], %gather3A_171 : memref<26x64xi32, #tpu.memory_space<vmem>>[vector<16xi32>, vector<16xi32>], vector<16xi32>,
      %broadcast_in_dim3A_172 = arith.constant 9 : i32
      %broadcast_in_dim3A_173 = vector.broadcast %broadcast_in_dim3A_172 : i32 to vector<16xi32>
      %add3A_174 = arith.constant 0 : i32
      %add3A_175 = vector.broadcast %add3A_174 : i32 to vector<16xi32>
      %add3A_176 = arith.addi %iota3A, %add3A_175 : vector<16xi32>
      %gather3A_177 = tpu.vector_load_idx %arg30[%add3A_176, %broadcast_in_dim3A_173] : memref<64x26xi32, #tpu.memory_space<vmem>>[vector<16xi32>, vector<16xi32>], vector<16xi32>,
      tpu.vector_store_idx %arg31[%broadcast_in_dim3A_173, %add3A_176], %gather3A_177 : memref<26x64xi32, #tpu.memory_space<vmem>>[vector<16xi32>, vector<16xi32>], vector<16xi32>,
      %add3A_178 = arith.constant 16 : i32
      %add3A_179 = vector.broadcast %add3A_178 : i32 to vector<16xi32>
      %add3A_180 = arith.addi %iota3A, %add3A_179 : vector<16xi32>
      %gather3A_181 = tpu.vector_load_idx %arg30[%add3A_180, %broadcast_in_dim3A_173] : memref<64x26xi32, #tpu.memory_space<vmem>>[vector<16xi32>, vector<16xi32>], vector<16xi32>,
      tpu.vector_store_idx %arg31[%broadcast_in_dim3A_173, %add3A_180], %gather3A_181 : memref<26x64xi32, #tpu.memory_space<vmem>>[vector<16xi32>, vector<16xi32>], vector<16xi32>,
      %add3A_182 = arith.constant 32 : i32
      %add3A_183 = vector.broadcast %add3A_182 : i32 to vector<16xi32>
      %add3A_184 = arith.addi %iota3A, %add3A_183 : vector<16xi32>
      %gather3A_185 = tpu.vector_load_idx %arg30[%add3A_184, %broadcast_in_dim3A_173] : memref<64x26xi32, #tpu.memory_space<vmem>>[vector<16xi32>, vector<16xi32>], vector<16xi32>,
      tpu.vector_store_idx %arg31[%broadcast_in_dim3A_173, %add3A_184], %gather3A_185 : memref<26x64xi32, #tpu.memory_space<vmem>>[vector<16xi32>, vector<16xi32>], vector<16xi32>,
      %add3A_186 = arith.constant 48 : i32
      %add3A_187 = vector.broadcast %add3A_186 : i32 to vector<16xi32>
      %add3A_188 = arith.addi %iota3A, %add3A_187 : vector<16xi32>
      %gather3A_189 = tpu.vector_load_idx %arg30[%add3A_188, %broadcast_in_dim3A_173] : memref<64x26xi32, #tpu.memory_space<vmem>>[vector<16xi32>, vector<16xi32>], vector<16xi32>,
      tpu.vector_store_idx %arg31[%broadcast_in_dim3A_173, %add3A_188], %gather3A_189 : memref<26x64xi32, #tpu.memory_space<vmem>>[vector<16xi32>, vector<16xi32>], vector<16xi32>,
      %broadcast_in_dim3A_190 = arith.constant 10 : i32
      %broadcast_in_dim3A_191 = vector.broadcast %broadcast_in_dim3A_190 : i32 to vector<16xi32>
      %add3A_192 = arith.constant 0 : i32
      %add3A_193 = vector.broadcast %add3A_192 : i32 to vector<16xi32>
      %add3A_194 = arith.addi %iota3A, %add3A_193 : vector<16xi32>
      %gather3A_195 = tpu.vector_load_idx %arg30[%add3A_194, %broadcast_in_dim3A_191] : memref<64x26xi32, #tpu.memory_space<vmem>>[vector<16xi32>, vector<16xi32>], vector<16xi32>,
      tpu.vector_store_idx %arg31[%broadcast_in_dim3A_191, %add3A_194], %gather3A_195 : memref<26x64xi32, #tpu.memory_space<vmem>>[vector<16xi32>, vector<16xi32>], vector<16xi32>,
      %add3A_196 = arith.constant 16 : i32
      %add3A_197 = vector.broadcast %add3A_196 : i32 to vector<16xi32>
      %add3A_198 = arith.addi %iota3A, %add3A_197 : vector<16xi32>
      %gather3A_199 = tpu.vector_load_idx %arg30[%add3A_198, %broadcast_in_dim3A_191] : memref<64x26xi32, #tpu.memory_space<vmem>>[vector<16xi32>, vector<16xi32>], vector<16xi32>,
      tpu.vector_store_idx %arg31[%broadcast_in_dim3A_191, %add3A_198], %gather3A_199 : memref<26x64xi32, #tpu.memory_space<vmem>>[vector<16xi32>, vector<16xi32>], vector<16xi32>,
      %add3A_200 = arith.constant 32 : i32
      %add3A_201 = vector.broadcast %add3A_200 : i32 to vector<16xi32>
      %add3A_202 = arith.addi %iota3A, %add3A_201 : vector<16xi32>
      %gather3A_203 = tpu.vector_load_idx %arg30[%add3A_202, %broadcast_in_dim3A_191] : memref<64x26xi32, #tpu.memory_space<vmem>>[vector<16xi32>, vector<16xi32>], vector<16xi32>,
      tpu.vector_store_idx %arg31[%broadcast_in_dim3A_191, %add3A_202], %gather3A_203 : memref<26x64xi32, #tpu.memory_space<vmem>>[vector<16xi32>, vector<16xi32>], vector<16xi32>,
      %add3A_204 = arith.constant 48 : i32
      %add3A_205 = vector.broadcast %add3A_204 : i32 to vector<16xi32>
      %add3A_206 = arith.addi %iota3A, %add3A_205 : vector<16xi32>
      %gather3A_207 = tpu.vector_load_idx %arg30[%add3A_206, %broadcast_in_dim3A_191] : memref<64x26xi32, #tpu.memory_space<vmem>>[vector<16xi32>, vector<16xi32>], vector<16xi32>,
      tpu.vector_store_idx %arg31[%broadcast_in_dim3A_191, %add3A_206], %gather3A_207 : memref<26x64xi32, #tpu.memory_space<vmem>>[vector<16xi32>, vector<16xi32>], vector<16xi32>,
      %broadcast_in_dim3A_208 = arith.constant 11 : i32
      %broadcast_in_dim3A_209 = vector.broadcast %broadcast_in_dim3A_208 : i32 to vector<16xi32>
      %add3A_210 = arith.constant 0 : i32
      %add3A_211 = vector.broadcast %add3A_210 : i32 to vector<16xi32>
      %add3A_212 = arith.addi %iota3A, %add3A_211 : vector<16xi32>
      %gather3A_213 = tpu.vector_load_idx %arg30[%add3A_212, %broadcast_in_dim3A_209] : memref<64x26xi32, #tpu.memory_space<vmem>>[vector<16xi32>, vector<16xi32>], vector<16xi32>,
      tpu.vector_store_idx %arg31[%broadcast_in_dim3A_209, %add3A_212], %gather3A_213 : memref<26x64xi32, #tpu.memory_space<vmem>>[vector<16xi32>, vector<16xi32>], vector<16xi32>,
      %add3A_214 = arith.constant 16 : i32
      %add3A_215 = vector.broadcast %add3A_214 : i32 to vector<16xi32>
      %add3A_216 = arith.addi %iota3A, %add3A_215 : vector<16xi32>
      %gather3A_217 = tpu.vector_load_idx %arg30[%add3A_216, %broadcast_in_dim3A_209] : memref<64x26xi32, #tpu.memory_space<vmem>>[vector<16xi32>, vector<16xi32>], vector<16xi32>,
      tpu.vector_store_idx %arg31[%broadcast_in_dim3A_209, %add3A_216], %gather3A_217 : memref<26x64xi32, #tpu.memory_space<vmem>>[vector<16xi32>, vector<16xi32>], vector<16xi32>,
      %add3A_218 = arith.constant 32 : i32
      %add3A_219 = vector.broadcast %add3A_218 : i32 to vector<16xi32>
      %add3A_220 = arith.addi %iota3A, %add3A_219 : vector<16xi32>
      %gather3A_221 = tpu.vector_load_idx %arg30[%add3A_220, %broadcast_in_dim3A_209] : memref<64x26xi32, #tpu.memory_space<vmem>>[vector<16xi32>, vector<16xi32>], vector<16xi32>,
      tpu.vector_store_idx %arg31[%broadcast_in_dim3A_209, %add3A_220], %gather3A_221 : memref<26x64xi32, #tpu.memory_space<vmem>>[vector<16xi32>, vector<16xi32>], vector<16xi32>,
      %add3A_222 = arith.constant 48 : i32
      %add3A_223 = vector.broadcast %add3A_222 : i32 to vector<16xi32>
      %add3A_224 = arith.addi %iota3A, %add3A_223 : vector<16xi32>
      %gather3A_225 = tpu.vector_load_idx %arg30[%add3A_224, %broadcast_in_dim3A_209] : memref<64x26xi32, #tpu.memory_space<vmem>>[vector<16xi32>, vector<16xi32>], vector<16xi32>,
      tpu.vector_store_idx %arg31[%broadcast_in_dim3A_209, %add3A_224], %gather3A_225 : memref<26x64xi32, #tpu.memory_space<vmem>>[vector<16xi32>, vector<16xi32>], vector<16xi32>,
      %broadcast_in_dim3A_226 = arith.constant 12 : i32
      %broadcast_in_dim3A_227 = vector.broadcast %broadcast_in_dim3A_226 : i32 to vector<16xi32>
      %add3A_228 = arith.constant 0 : i32
      %add3A_229 = vector.broadcast %add3A_228 : i32 to vector<16xi32>
      %add3A_230 = arith.addi %iota3A, %add3A_229 : vector<16xi32>
      %gather3A_231 = tpu.vector_load_idx %arg30[%add3A_230, %broadcast_in_dim3A_227] : memref<64x26xi32, #tpu.memory_space<vmem>>[vector<16xi32>, vector<16xi32>], vector<16xi32>,
      tpu.vector_store_idx %arg31[%broadcast_in_dim3A_227, %add3A_230], %gather3A_231 : memref<26x64xi32, #tpu.memory_space<vmem>>[vector<16xi32>, vector<16xi32>], vector<16xi32>,
      %add3A_232 = arith.constant 16 : i32
      %add3A_233 = vector.broadcast %add3A_232 : i32 to vector<16xi32>
      %add3A_234 = arith.addi %iota3A, %add3A_233 : vector<16xi32>
      %gather3A_235 = tpu.vector_load_idx %arg30[%add3A_234, %broadcast_in_dim3A_227] : memref<64x26xi32, #tpu.memory_space<vmem>>[vector<16xi32>, vector<16xi32>], vector<16xi32>,
      tpu.vector_store_idx %arg31[%broadcast_in_dim3A_227, %add3A_234], %gather3A_235 : memref<26x64xi32, #tpu.memory_space<vmem>>[vector<16xi32>, vector<16xi32>], vector<16xi32>,
      %add3A_236 = arith.constant 32 : i32
      %add3A_237 = vector.broadcast %add3A_236 : i32 to vector<16xi32>
      %add3A_238 = arith.addi %iota3A, %add3A_237 : vector<16xi32>
      %gather3A_239 = tpu.vector_load_idx %arg30[%add3A_238, %broadcast_in_dim3A_227] : memref<64x26xi32, #tpu.memory_space<vmem>>[vector<16xi32>, vector<16xi32>], vector<16xi32>,
      tpu.vector_store_idx %arg31[%broadcast_in_dim3A_227, %add3A_238], %gather3A_239 : memref<26x64xi32, #tpu.memory_space<vmem>>[vector<16xi32>, vector<16xi32>], vector<16xi32>,
      %add3A_240 = arith.constant 48 : i32
      %add3A_241 = vector.broadcast %add3A_240 : i32 to vector<16xi32>
      %add3A_242 = arith.addi %iota3A, %add3A_241 : vector<16xi32>
      %gather3A_243 = tpu.vector_load_idx %arg30[%add3A_242, %broadcast_in_dim3A_227] : memref<64x26xi32, #tpu.memory_space<vmem>>[vector<16xi32>, vector<16xi32>], vector<16xi32>,
      tpu.vector_store_idx %arg31[%broadcast_in_dim3A_227, %add3A_242], %gather3A_243 : memref<26x64xi32, #tpu.memory_space<vmem>>[vector<16xi32>, vector<16xi32>], vector<16xi32>,
      %broadcast_in_dim3A_244 = arith.constant 13 : i32
      %broadcast_in_dim3A_245 = vector.broadcast %broadcast_in_dim3A_244 : i32 to vector<16xi32>
      %add3A_246 = arith.constant 0 : i32
      %add3A_247 = vector.broadcast %add3A_246 : i32 to vector<16xi32>
      %add3A_248 = arith.addi %iota3A, %add3A_247 : vector<16xi32>
      %gather3A_249 = tpu.vector_load_idx %arg30[%add3A_248, %broadcast_in_dim3A_245] : memref<64x26xi32, #tpu.memory_space<vmem>>[vector<16xi32>, vector<16xi32>], vector<16xi32>,
      tpu.vector_store_idx %arg31[%broadcast_in_dim3A_245, %add3A_248], %gather3A_249 : memref<26x64xi32, #tpu.memory_space<vmem>>[vector<16xi32>, vector<16xi32>], vector<16xi32>,
      %add3A_250 = arith.constant 16 : i32
      %add3A_251 = vector.broadcast %add3A_250 : i32 to vector<16xi32>
      %add3A_252 = arith.addi %iota3A, %add3A_251 : vector<16xi32>
      %gather3A_253 = tpu.vector_load_idx %arg30[%add3A_252, %broadcast_in_dim3A_245] : memref<64x26xi32, #tpu.memory_space<vmem>>[vector<16xi32>, vector<16xi32>], vector<16xi32>,
      tpu.vector_store_idx %arg31[%broadcast_in_dim3A_245, %add3A_252], %gather3A_253 : memref<26x64xi32, #tpu.memory_space<vmem>>[vector<16xi32>, vector<16xi32>], vector<16xi32>,
      %add3A_254 = arith.constant 32 : i32
      %add3A_255 = vector.broadcast %add3A_254 : i32 to vector<16xi32>
      %add3A_256 = arith.addi %iota3A, %add3A_255 : vector<16xi32>
      %gather3A_257 = tpu.vector_load_idx %arg30[%add3A_256, %broadcast_in_dim3A_245] : memref<64x26xi32, #tpu.memory_space<vmem>>[vector<16xi32>, vector<16xi32>], vector<16xi32>,
      tpu.vector_store_idx %arg31[%broadcast_in_dim3A_245, %add3A_256], %gather3A_257 : memref<26x64xi32, #tpu.memory_space<vmem>>[vector<16xi32>, vector<16xi32>], vector<16xi32>,
      %add3A_258 = arith.constant 48 : i32
      %add3A_259 = vector.broadcast %add3A_258 : i32 to vector<16xi32>
      %add3A_260 = arith.addi %iota3A, %add3A_259 : vector<16xi32>
      %gather3A_261 = tpu.vector_load_idx %arg30[%add3A_260, %broadcast_in_dim3A_245] : memref<64x26xi32, #tpu.memory_space<vmem>>[vector<16xi32>, vector<16xi32>], vector<16xi32>,
      tpu.vector_store_idx %arg31[%broadcast_in_dim3A_245, %add3A_260], %gather3A_261 : memref<26x64xi32, #tpu.memory_space<vmem>>[vector<16xi32>, vector<16xi32>], vector<16xi32>,
      %broadcast_in_dim3A_262 = arith.constant 14 : i32
      %broadcast_in_dim3A_263 = vector.broadcast %broadcast_in_dim3A_262 : i32 to vector<16xi32>
      %add3A_264 = arith.constant 0 : i32
      %add3A_265 = vector.broadcast %add3A_264 : i32 to vector<16xi32>
      %add3A_266 = arith.addi %iota3A, %add3A_265 : vector<16xi32>
      %gather3A_267 = tpu.vector_load_idx %arg30[%add3A_266, %broadcast_in_dim3A_263] : memref<64x26xi32, #tpu.memory_space<vmem>>[vector<16xi32>, vector<16xi32>], vector<16xi32>,
      tpu.vector_store_idx %arg31[%broadcast_in_dim3A_263, %add3A_266], %gather3A_267 : memref<26x64xi32, #tpu.memory_space<vmem>>[vector<16xi32>, vector<16xi32>], vector<16xi32>,
      %add3A_268 = arith.constant 16 : i32
      %add3A_269 = vector.broadcast %add3A_268 : i32 to vector<16xi32>
      %add3A_270 = arith.addi %iota3A, %add3A_269 : vector<16xi32>
      %gather3A_271 = tpu.vector_load_idx %arg30[%add3A_270, %broadcast_in_dim3A_263] : memref<64x26xi32, #tpu.memory_space<vmem>>[vector<16xi32>, vector<16xi32>], vector<16xi32>,
      tpu.vector_store_idx %arg31[%broadcast_in_dim3A_263, %add3A_270], %gather3A_271 : memref<26x64xi32, #tpu.memory_space<vmem>>[vector<16xi32>, vector<16xi32>], vector<16xi32>,
      %add3A_272 = arith.constant 32 : i32
      %add3A_273 = vector.broadcast %add3A_272 : i32 to vector<16xi32>
      %add3A_274 = arith.addi %iota3A, %add3A_273 : vector<16xi32>
      %gather3A_275 = tpu.vector_load_idx %arg30[%add3A_274, %broadcast_in_dim3A_263] : memref<64x26xi32, #tpu.memory_space<vmem>>[vector<16xi32>, vector<16xi32>], vector<16xi32>,
      tpu.vector_store_idx %arg31[%broadcast_in_dim3A_263, %add3A_274], %gather3A_275 : memref<26x64xi32, #tpu.memory_space<vmem>>[vector<16xi32>, vector<16xi32>], vector<16xi32>,
      %add3A_276 = arith.constant 48 : i32
      %add3A_277 = vector.broadcast %add3A_276 : i32 to vector<16xi32>
      %add3A_278 = arith.addi %iota3A, %add3A_277 : vector<16xi32>
      %gather3A_279 = tpu.vector_load_idx %arg30[%add3A_278, %broadcast_in_dim3A_263] : memref<64x26xi32, #tpu.memory_space<vmem>>[vector<16xi32>, vector<16xi32>], vector<16xi32>,
      tpu.vector_store_idx %arg31[%broadcast_in_dim3A_263, %add3A_278], %gather3A_279 : memref<26x64xi32, #tpu.memory_space<vmem>>[vector<16xi32>, vector<16xi32>], vector<16xi32>,
      %broadcast_in_dim3A_280 = arith.constant 15 : i32
      %broadcast_in_dim3A_281 = vector.broadcast %broadcast_in_dim3A_280 : i32 to vector<16xi32>
      %add3A_282 = arith.constant 0 : i32
      %add3A_283 = vector.broadcast %add3A_282 : i32 to vector<16xi32>
      %add3A_284 = arith.addi %iota3A, %add3A_283 : vector<16xi32>
      %gather3A_285 = tpu.vector_load_idx %arg30[%add3A_284, %broadcast_in_dim3A_281] : memref<64x26xi32, #tpu.memory_space<vmem>>[vector<16xi32>, vector<16xi32>], vector<16xi32>,
      tpu.vector_store_idx %arg31[%broadcast_in_dim3A_281, %add3A_284], %gather3A_285 : memref<26x64xi32, #tpu.memory_space<vmem>>[vector<16xi32>, vector<16xi32>], vector<16xi32>,
      %add3A_286 = arith.constant 16 : i32
      %add3A_287 = vector.broadcast %add3A_286 : i32 to vector<16xi32>
      %add3A_288 = arith.addi %iota3A, %add3A_287 : vector<16xi32>
      %gather3A_289 = tpu.vector_load_idx %arg30[%add3A_288, %broadcast_in_dim3A_281] : memref<64x26xi32, #tpu.memory_space<vmem>>[vector<16xi32>, vector<16xi32>], vector<16xi32>,
      tpu.vector_store_idx %arg31[%broadcast_in_dim3A_281, %add3A_288], %gather3A_289 : memref<26x64xi32, #tpu.memory_space<vmem>>[vector<16xi32>, vector<16xi32>], vector<16xi32>,
      %add3A_290 = arith.constant 32 : i32
      %add3A_291 = vector.broadcast %add3A_290 : i32 to vector<16xi32>
      %add3A_292 = arith.addi %iota3A, %add3A_291 : vector<16xi32>
      %gather3A_293 = tpu.vector_load_idx %arg30[%add3A_292, %broadcast_in_dim3A_281] : memref<64x26xi32, #tpu.memory_space<vmem>>[vector<16xi32>, vector<16xi32>], vector<16xi32>,
      tpu.vector_store_idx %arg31[%broadcast_in_dim3A_281, %add3A_292], %gather3A_293 : memref<26x64xi32, #tpu.memory_space<vmem>>[vector<16xi32>, vector<16xi32>], vector<16xi32>,
      %add3A_294 = arith.constant 48 : i32
      %add3A_295 = vector.broadcast %add3A_294 : i32 to vector<16xi32>
      %add3A_296 = arith.addi %iota3A, %add3A_295 : vector<16xi32>
      %gather3A_297 = tpu.vector_load_idx %arg30[%add3A_296, %broadcast_in_dim3A_281] : memref<64x26xi32, #tpu.memory_space<vmem>>[vector<16xi32>, vector<16xi32>], vector<16xi32>,
      tpu.vector_store_idx %arg31[%broadcast_in_dim3A_281, %add3A_296], %gather3A_297 : memref<26x64xi32, #tpu.memory_space<vmem>>[vector<16xi32>, vector<16xi32>], vector<16xi32>,
      %broadcast_in_dim3A_298 = arith.constant 16 : i32
      %broadcast_in_dim3A_299 = vector.broadcast %broadcast_in_dim3A_298 : i32 to vector<16xi32>
      %add3A_300 = arith.constant 0 : i32
      %add3A_301 = vector.broadcast %add3A_300 : i32 to vector<16xi32>
      %add3A_302 = arith.addi %iota3A, %add3A_301 : vector<16xi32>
      %gather3A_303 = tpu.vector_load_idx %arg30[%add3A_302, %broadcast_in_dim3A_299] : memref<64x26xi32, #tpu.memory_space<vmem>>[vector<16xi32>, vector<16xi32>], vector<16xi32>,
      tpu.vector_store_idx %arg31[%broadcast_in_dim3A_299, %add3A_302], %gather3A_303 : memref<26x64xi32, #tpu.memory_space<vmem>>[vector<16xi32>, vector<16xi32>], vector<16xi32>,
      %add3A_304 = arith.constant 16 : i32
      %add3A_305 = vector.broadcast %add3A_304 : i32 to vector<16xi32>
      %add3A_306 = arith.addi %iota3A, %add3A_305 : vector<16xi32>
      %gather3A_307 = tpu.vector_load_idx %arg30[%add3A_306, %broadcast_in_dim3A_299] : memref<64x26xi32, #tpu.memory_space<vmem>>[vector<16xi32>, vector<16xi32>], vector<16xi32>,
      tpu.vector_store_idx %arg31[%broadcast_in_dim3A_299, %add3A_306], %gather3A_307 : memref<26x64xi32, #tpu.memory_space<vmem>>[vector<16xi32>, vector<16xi32>], vector<16xi32>,
      %add3A_308 = arith.constant 32 : i32
      %add3A_309 = vector.broadcast %add3A_308 : i32 to vector<16xi32>
      %add3A_310 = arith.addi %iota3A, %add3A_309 : vector<16xi32>
      %gather3A_311 = tpu.vector_load_idx %arg30[%add3A_310, %broadcast_in_dim3A_299] : memref<64x26xi32, #tpu.memory_space<vmem>>[vector<16xi32>, vector<16xi32>], vector<16xi32>,
      tpu.vector_store_idx %arg31[%broadcast_in_dim3A_299, %add3A_310], %gather3A_311 : memref<26x64xi32, #tpu.memory_space<vmem>>[vector<16xi32>, vector<16xi32>], vector<16xi32>,
      %add3A_312 = arith.constant 48 : i32
      %add3A_313 = vector.broadcast %add3A_312 : i32 to vector<16xi32>
      %add3A_314 = arith.addi %iota3A, %add3A_313 : vector<16xi32>
      %gather3A_315 = tpu.vector_load_idx %arg30[%add3A_314, %broadcast_in_dim3A_299] : memref<64x26xi32, #tpu.memory_space<vmem>>[vector<16xi32>, vector<16xi32>], vector<16xi32>,
      tpu.vector_store_idx %arg31[%broadcast_in_dim3A_299, %add3A_314], %gather3A_315 : memref<26x64xi32, #tpu.memory_space<vmem>>[vector<16xi32>, vector<16xi32>], vector<16xi32>,
      %broadcast_in_dim3A_316 = arith.constant 17 : i32
      %broadcast_in_dim3A_317 = vector.broadcast %broadcast_in_dim3A_316 : i32 to vector<16xi32>
      %add3A_318 = arith.constant 0 : i32
      %add3A_319 = vector.broadcast %add3A_318 : i32 to vector<16xi32>
      %add3A_320 = arith.addi %iota3A, %add3A_319 : vector<16xi32>
      %gather3A_321 = tpu.vector_load_idx %arg30[%add3A_320, %broadcast_in_dim3A_317] : memref<64x26xi32, #tpu.memory_space<vmem>>[vector<16xi32>, vector<16xi32>], vector<16xi32>,
      tpu.vector_store_idx %arg31[%broadcast_in_dim3A_317, %add3A_320], %gather3A_321 : memref<26x64xi32, #tpu.memory_space<vmem>>[vector<16xi32>, vector<16xi32>], vector<16xi32>,
      %add3A_322 = arith.constant 16 : i32
      %add3A_323 = vector.broadcast %add3A_322 : i32 to vector<16xi32>
      %add3A_324 = arith.addi %iota3A, %add3A_323 : vector<16xi32>
      %gather3A_325 = tpu.vector_load_idx %arg30[%add3A_324, %broadcast_in_dim3A_317] : memref<64x26xi32, #tpu.memory_space<vmem>>[vector<16xi32>, vector<16xi32>], vector<16xi32>,
      tpu.vector_store_idx %arg31[%broadcast_in_dim3A_317, %add3A_324], %gather3A_325 : memref<26x64xi32, #tpu.memory_space<vmem>>[vector<16xi32>, vector<16xi32>], vector<16xi32>,
      %add3A_326 = arith.constant 32 : i32
      %add3A_327 = vector.broadcast %add3A_326 : i32 to vector<16xi32>
      %add3A_328 = arith.addi %iota3A, %add3A_327 : vector<16xi32>
      %gather3A_329 = tpu.vector_load_idx %arg30[%add3A_328, %broadcast_in_dim3A_317] : memref<64x26xi32, #tpu.memory_space<vmem>>[vector<16xi32>, vector<16xi32>], vector<16xi32>,
      tpu.vector_store_idx %arg31[%broadcast_in_dim3A_317, %add3A_328], %gather3A_329 : memref<26x64xi32, #tpu.memory_space<vmem>>[vector<16xi32>, vector<16xi32>], vector<16xi32>,
      %add3A_330 = arith.constant 48 : i32
      %add3A_331 = vector.broadcast %add3A_330 : i32 to vector<16xi32>
      %add3A_332 = arith.addi %iota3A, %add3A_331 : vector<16xi32>
      %gather3A_333 = tpu.vector_load_idx %arg30[%add3A_332, %broadcast_in_dim3A_317] : memref<64x26xi32, #tpu.memory_space<vmem>>[vector<16xi32>, vector<16xi32>], vector<16xi32>,
      tpu.vector_store_idx %arg31[%broadcast_in_dim3A_317, %add3A_332], %gather3A_333 : memref<26x64xi32, #tpu.memory_space<vmem>>[vector<16xi32>, vector<16xi32>], vector<16xi32>,
      %broadcast_in_dim3A_334 = arith.constant 18 : i32
      %broadcast_in_dim3A_335 = vector.broadcast %broadcast_in_dim3A_334 : i32 to vector<16xi32>
      %add3A_336 = arith.constant 0 : i32
      %add3A_337 = vector.broadcast %add3A_336 : i32 to vector<16xi32>
      %add3A_338 = arith.addi %iota3A, %add3A_337 : vector<16xi32>
      %gather3A_339 = tpu.vector_load_idx %arg30[%add3A_338, %broadcast_in_dim3A_335] : memref<64x26xi32, #tpu.memory_space<vmem>>[vector<16xi32>, vector<16xi32>], vector<16xi32>,
      tpu.vector_store_idx %arg31[%broadcast_in_dim3A_335, %add3A_338], %gather3A_339 : memref<26x64xi32, #tpu.memory_space<vmem>>[vector<16xi32>, vector<16xi32>], vector<16xi32>,
      %add3A_340 = arith.constant 16 : i32
      %add3A_341 = vector.broadcast %add3A_340 : i32 to vector<16xi32>
      %add3A_342 = arith.addi %iota3A, %add3A_341 : vector<16xi32>
      %gather3A_343 = tpu.vector_load_idx %arg30[%add3A_342, %broadcast_in_dim3A_335] : memref<64x26xi32, #tpu.memory_space<vmem>>[vector<16xi32>, vector<16xi32>], vector<16xi32>,
      tpu.vector_store_idx %arg31[%broadcast_in_dim3A_335, %add3A_342], %gather3A_343 : memref<26x64xi32, #tpu.memory_space<vmem>>[vector<16xi32>, vector<16xi32>], vector<16xi32>,
      %add3A_344 = arith.constant 32 : i32
      %add3A_345 = vector.broadcast %add3A_344 : i32 to vector<16xi32>
      %add3A_346 = arith.addi %iota3A, %add3A_345 : vector<16xi32>
      %gather3A_347 = tpu.vector_load_idx %arg30[%add3A_346, %broadcast_in_dim3A_335] : memref<64x26xi32, #tpu.memory_space<vmem>>[vector<16xi32>, vector<16xi32>], vector<16xi32>,
      tpu.vector_store_idx %arg31[%broadcast_in_dim3A_335, %add3A_346], %gather3A_347 : memref<26x64xi32, #tpu.memory_space<vmem>>[vector<16xi32>, vector<16xi32>], vector<16xi32>,
      %add3A_348 = arith.constant 48 : i32
      %add3A_349 = vector.broadcast %add3A_348 : i32 to vector<16xi32>
      %add3A_350 = arith.addi %iota3A, %add3A_349 : vector<16xi32>
      %gather3A_351 = tpu.vector_load_idx %arg30[%add3A_350, %broadcast_in_dim3A_335] : memref<64x26xi32, #tpu.memory_space<vmem>>[vector<16xi32>, vector<16xi32>], vector<16xi32>,
      tpu.vector_store_idx %arg31[%broadcast_in_dim3A_335, %add3A_350], %gather3A_351 : memref<26x64xi32, #tpu.memory_space<vmem>>[vector<16xi32>, vector<16xi32>], vector<16xi32>,
      %broadcast_in_dim3A_352 = arith.constant 19 : i32
      %broadcast_in_dim3A_353 = vector.broadcast %broadcast_in_dim3A_352 : i32 to vector<16xi32>
      %add3A_354 = arith.constant 0 : i32
      %add3A_355 = vector.broadcast %add3A_354 : i32 to vector<16xi32>
      %add3A_356 = arith.addi %iota3A, %add3A_355 : vector<16xi32>
      %gather3A_357 = tpu.vector_load_idx %arg30[%add3A_356, %broadcast_in_dim3A_353] : memref<64x26xi32, #tpu.memory_space<vmem>>[vector<16xi32>, vector<16xi32>], vector<16xi32>,
      tpu.vector_store_idx %arg31[%broadcast_in_dim3A_353, %add3A_356], %gather3A_357 : memref<26x64xi32, #tpu.memory_space<vmem>>[vector<16xi32>, vector<16xi32>], vector<16xi32>,
      %add3A_358 = arith.constant 16 : i32
      %add3A_359 = vector.broadcast %add3A_358 : i32 to vector<16xi32>
      %add3A_360 = arith.addi %iota3A, %add3A_359 : vector<16xi32>
      %gather3A_361 = tpu.vector_load_idx %arg30[%add3A_360, %broadcast_in_dim3A_353] : memref<64x26xi32, #tpu.memory_space<vmem>>[vector<16xi32>, vector<16xi32>], vector<16xi32>,
      tpu.vector_store_idx %arg31[%broadcast_in_dim3A_353, %add3A_360], %gather3A_361 : memref<26x64xi32, #tpu.memory_space<vmem>>[vector<16xi32>, vector<16xi32>], vector<16xi32>,
      %add3A_362 = arith.constant 32 : i32
      %add3A_363 = vector.broadcast %add3A_362 : i32 to vector<16xi32>
      %add3A_364 = arith.addi %iota3A, %add3A_363 : vector<16xi32>
      %gather3A_365 = tpu.vector_load_idx %arg30[%add3A_364, %broadcast_in_dim3A_353] : memref<64x26xi32, #tpu.memory_space<vmem>>[vector<16xi32>, vector<16xi32>], vector<16xi32>,
      tpu.vector_store_idx %arg31[%broadcast_in_dim3A_353, %add3A_364], %gather3A_365 : memref<26x64xi32, #tpu.memory_space<vmem>>[vector<16xi32>, vector<16xi32>], vector<16xi32>,
      %add3A_366 = arith.constant 48 : i32
      %add3A_367 = vector.broadcast %add3A_366 : i32 to vector<16xi32>
      %add3A_368 = arith.addi %iota3A, %add3A_367 : vector<16xi32>
      %gather3A_369 = tpu.vector_load_idx %arg30[%add3A_368, %broadcast_in_dim3A_353] : memref<64x26xi32, #tpu.memory_space<vmem>>[vector<16xi32>, vector<16xi32>], vector<16xi32>,
      tpu.vector_store_idx %arg31[%broadcast_in_dim3A_353, %add3A_368], %gather3A_369 : memref<26x64xi32, #tpu.memory_space<vmem>>[vector<16xi32>, vector<16xi32>], vector<16xi32>,
      %broadcast_in_dim3A_370 = arith.constant 20 : i32
      %broadcast_in_dim3A_371 = vector.broadcast %broadcast_in_dim3A_370 : i32 to vector<16xi32>
      %add3A_372 = arith.constant 0 : i32
      %add3A_373 = vector.broadcast %add3A_372 : i32 to vector<16xi32>
      %add3A_374 = arith.addi %iota3A, %add3A_373 : vector<16xi32>
      %gather3A_375 = tpu.vector_load_idx %arg30[%add3A_374, %broadcast_in_dim3A_371] : memref<64x26xi32, #tpu.memory_space<vmem>>[vector<16xi32>, vector<16xi32>], vector<16xi32>,
      tpu.vector_store_idx %arg31[%broadcast_in_dim3A_371, %add3A_374], %gather3A_375 : memref<26x64xi32, #tpu.memory_space<vmem>>[vector<16xi32>, vector<16xi32>], vector<16xi32>,
      %add3A_376 = arith.constant 16 : i32
      %add3A_377 = vector.broadcast %add3A_376 : i32 to vector<16xi32>
      %add3A_378 = arith.addi %iota3A, %add3A_377 : vector<16xi32>
      %gather3A_379 = tpu.vector_load_idx %arg30[%add3A_378, %broadcast_in_dim3A_371] : memref<64x26xi32, #tpu.memory_space<vmem>>[vector<16xi32>, vector<16xi32>], vector<16xi32>,
      tpu.vector_store_idx %arg31[%broadcast_in_dim3A_371, %add3A_378], %gather3A_379 : memref<26x64xi32, #tpu.memory_space<vmem>>[vector<16xi32>, vector<16xi32>], vector<16xi32>,
      %add3A_380 = arith.constant 32 : i32
      %add3A_381 = vector.broadcast %add3A_380 : i32 to vector<16xi32>
      %add3A_382 = arith.addi %iota3A, %add3A_381 : vector<16xi32>
      %gather3A_383 = tpu.vector_load_idx %arg30[%add3A_382, %broadcast_in_dim3A_371] : memref<64x26xi32, #tpu.memory_space<vmem>>[vector<16xi32>, vector<16xi32>], vector<16xi32>,
      tpu.vector_store_idx %arg31[%broadcast_in_dim3A_371, %add3A_382], %gather3A_383 : memref<26x64xi32, #tpu.memory_space<vmem>>[vector<16xi32>, vector<16xi32>], vector<16xi32>,
      %add3A_384 = arith.constant 48 : i32
      %add3A_385 = vector.broadcast %add3A_384 : i32 to vector<16xi32>
      %add3A_386 = arith.addi %iota3A, %add3A_385 : vector<16xi32>
      %gather3A_387 = tpu.vector_load_idx %arg30[%add3A_386, %broadcast_in_dim3A_371] : memref<64x26xi32, #tpu.memory_space<vmem>>[vector<16xi32>, vector<16xi32>], vector<16xi32>,
      tpu.vector_store_idx %arg31[%broadcast_in_dim3A_371, %add3A_386], %gather3A_387 : memref<26x64xi32, #tpu.memory_space<vmem>>[vector<16xi32>, vector<16xi32>], vector<16xi32>,
      %broadcast_in_dim3A_388 = arith.constant 21 : i32
      %broadcast_in_dim3A_389 = vector.broadcast %broadcast_in_dim3A_388 : i32 to vector<16xi32>
      %add3A_390 = arith.constant 0 : i32
      %add3A_391 = vector.broadcast %add3A_390 : i32 to vector<16xi32>
      %add3A_392 = arith.addi %iota3A, %add3A_391 : vector<16xi32>
      %gather3A_393 = tpu.vector_load_idx %arg30[%add3A_392, %broadcast_in_dim3A_389] : memref<64x26xi32, #tpu.memory_space<vmem>>[vector<16xi32>, vector<16xi32>], vector<16xi32>,
      tpu.vector_store_idx %arg31[%broadcast_in_dim3A_389, %add3A_392], %gather3A_393 : memref<26x64xi32, #tpu.memory_space<vmem>>[vector<16xi32>, vector<16xi32>], vector<16xi32>,
      %add3A_394 = arith.constant 16 : i32
      %add3A_395 = vector.broadcast %add3A_394 : i32 to vector<16xi32>
      %add3A_396 = arith.addi %iota3A, %add3A_395 : vector<16xi32>
      %gather3A_397 = tpu.vector_load_idx %arg30[%add3A_396, %broadcast_in_dim3A_389] : memref<64x26xi32, #tpu.memory_space<vmem>>[vector<16xi32>, vector<16xi32>], vector<16xi32>,
      tpu.vector_store_idx %arg31[%broadcast_in_dim3A_389, %add3A_396], %gather3A_397 : memref<26x64xi32, #tpu.memory_space<vmem>>[vector<16xi32>, vector<16xi32>], vector<16xi32>,
      %add3A_398 = arith.constant 32 : i32
      %add3A_399 = vector.broadcast %add3A_398 : i32 to vector<16xi32>
      %add3A_400 = arith.addi %iota3A, %add3A_399 : vector<16xi32>
      %gather3A_401 = tpu.vector_load_idx %arg30[%add3A_400, %broadcast_in_dim3A_389] : memref<64x26xi32, #tpu.memory_space<vmem>>[vector<16xi32>, vector<16xi32>], vector<16xi32>,
      tpu.vector_store_idx %arg31[%broadcast_in_dim3A_389, %add3A_400], %gather3A_401 : memref<26x64xi32, #tpu.memory_space<vmem>>[vector<16xi32>, vector<16xi32>], vector<16xi32>,
      %add3A_402 = arith.constant 48 : i32
      %add3A_403 = vector.broadcast %add3A_402 : i32 to vector<16xi32>
      %add3A_404 = arith.addi %iota3A, %add3A_403 : vector<16xi32>
      %gather3A_405 = tpu.vector_load_idx %arg30[%add3A_404, %broadcast_in_dim3A_389] : memref<64x26xi32, #tpu.memory_space<vmem>>[vector<16xi32>, vector<16xi32>], vector<16xi32>,
      tpu.vector_store_idx %arg31[%broadcast_in_dim3A_389, %add3A_404], %gather3A_405 : memref<26x64xi32, #tpu.memory_space<vmem>>[vector<16xi32>, vector<16xi32>], vector<16xi32>,
      %broadcast_in_dim3A_406 = arith.constant 22 : i32
      %broadcast_in_dim3A_407 = vector.broadcast %broadcast_in_dim3A_406 : i32 to vector<16xi32>
      %add3A_408 = arith.constant 0 : i32
      %add3A_409 = vector.broadcast %add3A_408 : i32 to vector<16xi32>
      %add3A_410 = arith.addi %iota3A, %add3A_409 : vector<16xi32>
      %gather3A_411 = tpu.vector_load_idx %arg30[%add3A_410, %broadcast_in_dim3A_407] : memref<64x26xi32, #tpu.memory_space<vmem>>[vector<16xi32>, vector<16xi32>], vector<16xi32>,
      tpu.vector_store_idx %arg31[%broadcast_in_dim3A_407, %add3A_410], %gather3A_411 : memref<26x64xi32, #tpu.memory_space<vmem>>[vector<16xi32>, vector<16xi32>], vector<16xi32>,
      %add3A_412 = arith.constant 16 : i32
      %add3A_413 = vector.broadcast %add3A_412 : i32 to vector<16xi32>
      %add3A_414 = arith.addi %iota3A, %add3A_413 : vector<16xi32>
      %gather3A_415 = tpu.vector_load_idx %arg30[%add3A_414, %broadcast_in_dim3A_407] : memref<64x26xi32, #tpu.memory_space<vmem>>[vector<16xi32>, vector<16xi32>], vector<16xi32>,
      tpu.vector_store_idx %arg31[%broadcast_in_dim3A_407, %add3A_414], %gather3A_415 : memref<26x64xi32, #tpu.memory_space<vmem>>[vector<16xi32>, vector<16xi32>], vector<16xi32>,
      %add3A_416 = arith.constant 32 : i32
      %add3A_417 = vector.broadcast %add3A_416 : i32 to vector<16xi32>
      %add3A_418 = arith.addi %iota3A, %add3A_417 : vector<16xi32>
      %gather3A_419 = tpu.vector_load_idx %arg30[%add3A_418, %broadcast_in_dim3A_407] : memref<64x26xi32, #tpu.memory_space<vmem>>[vector<16xi32>, vector<16xi32>], vector<16xi32>,
      tpu.vector_store_idx %arg31[%broadcast_in_dim3A_407, %add3A_418], %gather3A_419 : memref<26x64xi32, #tpu.memory_space<vmem>>[vector<16xi32>, vector<16xi32>], vector<16xi32>,
      %add3A_420 = arith.constant 48 : i32
      %add3A_421 = vector.broadcast %add3A_420 : i32 to vector<16xi32>
      %add3A_422 = arith.addi %iota3A, %add3A_421 : vector<16xi32>
      %gather3A_423 = tpu.vector_load_idx %arg30[%add3A_422, %broadcast_in_dim3A_407] : memref<64x26xi32, #tpu.memory_space<vmem>>[vector<16xi32>, vector<16xi32>], vector<16xi32>,
      tpu.vector_store_idx %arg31[%broadcast_in_dim3A_407, %add3A_422], %gather3A_423 : memref<26x64xi32, #tpu.memory_space<vmem>>[vector<16xi32>, vector<16xi32>], vector<16xi32>,
      %broadcast_in_dim3A_424 = arith.constant 23 : i32
      %broadcast_in_dim3A_425 = vector.broadcast %broadcast_in_dim3A_424 : i32 to vector<16xi32>
      %add3A_426 = arith.constant 0 : i32
      %add3A_427 = vector.broadcast %add3A_426 : i32 to vector<16xi32>
      %add3A_428 = arith.addi %iota3A, %add3A_427 : vector<16xi32>
      %gather3A_429 = tpu.vector_load_idx %arg30[%add3A_428, %broadcast_in_dim3A_425] : memref<64x26xi32, #tpu.memory_space<vmem>>[vector<16xi32>, vector<16xi32>], vector<16xi32>,
      tpu.vector_store_idx %arg31[%broadcast_in_dim3A_425, %add3A_428], %gather3A_429 : memref<26x64xi32, #tpu.memory_space<vmem>>[vector<16xi32>, vector<16xi32>], vector<16xi32>,
      %add3A_430 = arith.constant 16 : i32
      %add3A_431 = vector.broadcast %add3A_430 : i32 to vector<16xi32>
      %add3A_432 = arith.addi %iota3A, %add3A_431 : vector<16xi32>
      %gather3A_433 = tpu.vector_load_idx %arg30[%add3A_432, %broadcast_in_dim3A_425] : memref<64x26xi32, #tpu.memory_space<vmem>>[vector<16xi32>, vector<16xi32>], vector<16xi32>,
      tpu.vector_store_idx %arg31[%broadcast_in_dim3A_425, %add3A_432], %gather3A_433 : memref<26x64xi32, #tpu.memory_space<vmem>>[vector<16xi32>, vector<16xi32>], vector<16xi32>,
      %add3A_434 = arith.constant 32 : i32
      %add3A_435 = vector.broadcast %add3A_434 : i32 to vector<16xi32>
      %add3A_436 = arith.addi %iota3A, %add3A_435 : vector<16xi32>
      %gather3A_437 = tpu.vector_load_idx %arg30[%add3A_436, %broadcast_in_dim3A_425] : memref<64x26xi32, #tpu.memory_space<vmem>>[vector<16xi32>, vector<16xi32>], vector<16xi32>,
      tpu.vector_store_idx %arg31[%broadcast_in_dim3A_425, %add3A_436], %gather3A_437 : memref<26x64xi32, #tpu.memory_space<vmem>>[vector<16xi32>, vector<16xi32>], vector<16xi32>,
      %add3A_438 = arith.constant 48 : i32
      %add3A_439 = vector.broadcast %add3A_438 : i32 to vector<16xi32>
      %add3A_440 = arith.addi %iota3A, %add3A_439 : vector<16xi32>
      %gather3A_441 = tpu.vector_load_idx %arg30[%add3A_440, %broadcast_in_dim3A_425] : memref<64x26xi32, #tpu.memory_space<vmem>>[vector<16xi32>, vector<16xi32>], vector<16xi32>,
      tpu.vector_store_idx %arg31[%broadcast_in_dim3A_425, %add3A_440], %gather3A_441 : memref<26x64xi32, #tpu.memory_space<vmem>>[vector<16xi32>, vector<16xi32>], vector<16xi32>,
      %broadcast_in_dim3A_442 = arith.constant 24 : i32
      %broadcast_in_dim3A_443 = vector.broadcast %broadcast_in_dim3A_442 : i32 to vector<16xi32>
      %add3A_444 = arith.constant 0 : i32
      %add3A_445 = vector.broadcast %add3A_444 : i32 to vector<16xi32>
      %add3A_446 = arith.addi %iota3A, %add3A_445 : vector<16xi32>
      %gather3A_447 = tpu.vector_load_idx %arg30[%add3A_446, %broadcast_in_dim3A_443] : memref<64x26xi32, #tpu.memory_space<vmem>>[vector<16xi32>, vector<16xi32>], vector<16xi32>,
      tpu.vector_store_idx %arg31[%broadcast_in_dim3A_443, %add3A_446], %gather3A_447 : memref<26x64xi32, #tpu.memory_space<vmem>>[vector<16xi32>, vector<16xi32>], vector<16xi32>,
      %add3A_448 = arith.constant 16 : i32
      %add3A_449 = vector.broadcast %add3A_448 : i32 to vector<16xi32>
      %add3A_450 = arith.addi %iota3A, %add3A_449 : vector<16xi32>
      %gather3A_451 = tpu.vector_load_idx %arg30[%add3A_450, %broadcast_in_dim3A_443] : memref<64x26xi32, #tpu.memory_space<vmem>>[vector<16xi32>, vector<16xi32>], vector<16xi32>,
      tpu.vector_store_idx %arg31[%broadcast_in_dim3A_443, %add3A_450], %gather3A_451 : memref<26x64xi32, #tpu.memory_space<vmem>>[vector<16xi32>, vector<16xi32>], vector<16xi32>,
      %add3A_452 = arith.constant 32 : i32
      %add3A_453 = vector.broadcast %add3A_452 : i32 to vector<16xi32>
      %add3A_454 = arith.addi %iota3A, %add3A_453 : vector<16xi32>
      %gather3A_455 = tpu.vector_load_idx %arg30[%add3A_454, %broadcast_in_dim3A_443] : memref<64x26xi32, #tpu.memory_space<vmem>>[vector<16xi32>, vector<16xi32>], vector<16xi32>,
      tpu.vector_store_idx %arg31[%broadcast_in_dim3A_443, %add3A_454], %gather3A_455 : memref<26x64xi32, #tpu.memory_space<vmem>>[vector<16xi32>, vector<16xi32>], vector<16xi32>,
      %add3A_456 = arith.constant 48 : i32
      %add3A_457 = vector.broadcast %add3A_456 : i32 to vector<16xi32>
      %add3A_458 = arith.addi %iota3A, %add3A_457 : vector<16xi32>
      %gather3A_459 = tpu.vector_load_idx %arg30[%add3A_458, %broadcast_in_dim3A_443] : memref<64x26xi32, #tpu.memory_space<vmem>>[vector<16xi32>, vector<16xi32>], vector<16xi32>,
      tpu.vector_store_idx %arg31[%broadcast_in_dim3A_443, %add3A_458], %gather3A_459 : memref<26x64xi32, #tpu.memory_space<vmem>>[vector<16xi32>, vector<16xi32>], vector<16xi32>,
      %broadcast_in_dim3A_460 = arith.constant 25 : i32
      %broadcast_in_dim3A_461 = vector.broadcast %broadcast_in_dim3A_460 : i32 to vector<16xi32>
      %add3A_462 = arith.constant 0 : i32
      %add3A_463 = vector.broadcast %add3A_462 : i32 to vector<16xi32>
      %add3A_464 = arith.addi %iota3A, %add3A_463 : vector<16xi32>
      %gather3A_465 = tpu.vector_load_idx %arg30[%add3A_464, %broadcast_in_dim3A_461] : memref<64x26xi32, #tpu.memory_space<vmem>>[vector<16xi32>, vector<16xi32>], vector<16xi32>,
      tpu.vector_store_idx %arg31[%broadcast_in_dim3A_461, %add3A_464], %gather3A_465 : memref<26x64xi32, #tpu.memory_space<vmem>>[vector<16xi32>, vector<16xi32>], vector<16xi32>,
      %add3A_466 = arith.constant 16 : i32
      %add3A_467 = vector.broadcast %add3A_466 : i32 to vector<16xi32>
      %add3A_468 = arith.addi %iota3A, %add3A_467 : vector<16xi32>
      %gather3A_469 = tpu.vector_load_idx %arg30[%add3A_468, %broadcast_in_dim3A_461] : memref<64x26xi32, #tpu.memory_space<vmem>>[vector<16xi32>, vector<16xi32>], vector<16xi32>,
      tpu.vector_store_idx %arg31[%broadcast_in_dim3A_461, %add3A_468], %gather3A_469 : memref<26x64xi32, #tpu.memory_space<vmem>>[vector<16xi32>, vector<16xi32>], vector<16xi32>,
      %add3A_470 = arith.constant 32 : i32
      %add3A_471 = vector.broadcast %add3A_470 : i32 to vector<16xi32>
      %add3A_472 = arith.addi %iota3A, %add3A_471 : vector<16xi32>
      %gather3A_473 = tpu.vector_load_idx %arg30[%add3A_472, %broadcast_in_dim3A_461] : memref<64x26xi32, #tpu.memory_space<vmem>>[vector<16xi32>, vector<16xi32>], vector<16xi32>,
      tpu.vector_store_idx %arg31[%broadcast_in_dim3A_461, %add3A_472], %gather3A_473 : memref<26x64xi32, #tpu.memory_space<vmem>>[vector<16xi32>, vector<16xi32>], vector<16xi32>,
      %add3A_474 = arith.constant 48 : i32
      %add3A_475 = vector.broadcast %add3A_474 : i32 to vector<16xi32>
      %add3A_476 = arith.addi %iota3A, %add3A_475 : vector<16xi32>
      %gather3A_477 = tpu.vector_load_idx %arg30[%add3A_476, %broadcast_in_dim3A_461] : memref<64x26xi32, #tpu.memory_space<vmem>>[vector<16xi32>, vector<16xi32>], vector<16xi32>,
      tpu.vector_store_idx %arg31[%broadcast_in_dim3A_461, %add3A_476], %gather3A_477 : memref<26x64xi32, #tpu.memory_space<vmem>>[vector<16xi32>, vector<16xi32>], vector<16xi32>,
      %dma_start3A = arith.constant 0 : i32
      %dma_start3A_478 = arith.constant 0 : i32
      %dma_start3A_479 = arith.constant 0 : i32
      %dma_start3A_480 = tpu.memref_slice %arg32[%dma_start3A_478, %dma_start3A_479] : memref<1664x32xf32, #tpu.memory_space<vmem>> -> memref<64x32xf32, #tpu.memory_space<vmem>>
      %dma_start3A_481 = arith.constant 0 : i32
      %dma_start3A_482 = tpu.memref_slice %arg31[%dma_start3A, %dma_start3A_481] : memref<26x64xi32, #tpu.memory_space<vmem>> -> memref<1x64xi32, #tpu.memory_space<vmem>>
      %dma_start3A_483 = tpu.memref_squeeze %dma_start3A_482 : memref<1x64xi32, #tpu.memory_space<vmem>> -> memref<64xi32, #tpu.memory_space<vmem>>
      %dma_start3A_484 = arith.constant 0 : i32
      %dma_start3A_485 = arith.constant 0 : i32
      %dma_start3A_486 = tpu.memref_slice %arg3[%dma_start3A_484, %dma_start3A_485] : memref<100001x32xf32, #tpu.memory_space<hbm>> -> memref<100001x32xf32, #tpu.memory_space<hbm>>
      tpu.enqueue_indirect_dma source(%dma_start3A_486 : memref<100001x32xf32, #tpu.memory_space<hbm>>) target(%dma_start3A_480 : memref<64x32xf32, #tpu.memory_space<vmem>>) offsets(%dma_start3A_483 : memref<64xi32, #tpu.memory_space<vmem>>) semaphore(%arg34 : memref<!tpu.dma_semaphore, #tpu.memory_space<semaphore_mem>>)
      %dma_start3A_487 = arith.constant 1 : i32
      %dma_start3A_488 = arith.constant 64 : i32
      %dma_start3A_489 = arith.constant 0 : i32
      %dma_start3A_490 = tpu.memref_slice %arg32[%dma_start3A_488, %dma_start3A_489] : memref<1664x32xf32, #tpu.memory_space<vmem>> -> memref<64x32xf32, #tpu.memory_space<vmem>>
      %dma_start3A_491 = arith.constant 0 : i32
      %dma_start3A_492 = tpu.memref_slice %arg31[%dma_start3A_487, %dma_start3A_491] : memref<26x64xi32, #tpu.memory_space<vmem>> -> memref<1x64xi32, #tpu.memory_space<vmem>>
      %dma_start3A_493 = tpu.memref_squeeze %dma_start3A_492 : memref<1x64xi32, #tpu.memory_space<vmem>> -> memref<64xi32, #tpu.memory_space<vmem>>
      %dma_start3A_494 = arith.constant 0 : i32
      %dma_start3A_495 = arith.constant 0 : i32
      %dma_start3A_496 = tpu.memref_slice %arg4[%dma_start3A_494, %dma_start3A_495] : memref<100001x32xf32, #tpu.memory_space<hbm>> -> memref<100001x32xf32, #tpu.memory_space<hbm>>
      tpu.enqueue_indirect_dma source(%dma_start3A_496 : memref<100001x32xf32, #tpu.memory_space<hbm>>) target(%dma_start3A_490 : memref<64x32xf32, #tpu.memory_space<vmem>>) offsets(%dma_start3A_493 : memref<64xi32, #tpu.memory_space<vmem>>) semaphore(%arg34 : memref<!tpu.dma_semaphore, #tpu.memory_space<semaphore_mem>>)
      %dma_start3A_497 = arith.constant 2 : i32
      %dma_start3A_498 = arith.constant 128 : i32
      %dma_start3A_499 = arith.constant 0 : i32
      %dma_start3A_500 = tpu.memref_slice %arg32[%dma_start3A_498, %dma_start3A_499] : memref<1664x32xf32, #tpu.memory_space<vmem>> -> memref<64x32xf32, #tpu.memory_space<vmem>>
      %dma_start3A_501 = arith.constant 0 : i32
      %dma_start3A_502 = tpu.memref_slice %arg31[%dma_start3A_497, %dma_start3A_501] : memref<26x64xi32, #tpu.memory_space<vmem>> -> memref<1x64xi32, #tpu.memory_space<vmem>>
      %dma_start3A_503 = tpu.memref_squeeze %dma_start3A_502 : memref<1x64xi32, #tpu.memory_space<vmem>> -> memref<64xi32, #tpu.memory_space<vmem>>
      %dma_start3A_504 = arith.constant 0 : i32
      %dma_start3A_505 = arith.constant 0 : i32
      %dma_start3A_506 = tpu.memref_slice %arg5[%dma_start3A_504, %dma_start3A_505] : memref<100001x32xf32, #tpu.memory_space<hbm>> -> memref<100001x32xf32, #tpu.memory_space<hbm>>
      tpu.enqueue_indirect_dma source(%dma_start3A_506 : memref<100001x32xf32, #tpu.memory_space<hbm>>) target(%dma_start3A_500 : memref<64x32xf32, #tpu.memory_space<vmem>>) offsets(%dma_start3A_503 : memref<64xi32, #tpu.memory_space<vmem>>) semaphore(%arg34 : memref<!tpu.dma_semaphore, #tpu.memory_space<semaphore_mem>>)
      %dma_start3A_507 = arith.constant 3 : i32
      %dma_start3A_508 = arith.constant 192 : i32
      %dma_start3A_509 = arith.constant 0 : i32
      %dma_start3A_510 = tpu.memref_slice %arg32[%dma_start3A_508, %dma_start3A_509] : memref<1664x32xf32, #tpu.memory_space<vmem>> -> memref<64x32xf32, #tpu.memory_space<vmem>>
      %dma_start3A_511 = arith.constant 0 : i32
      %dma_start3A_512 = tpu.memref_slice %arg31[%dma_start3A_507, %dma_start3A_511] : memref<26x64xi32, #tpu.memory_space<vmem>> -> memref<1x64xi32, #tpu.memory_space<vmem>>
      %dma_start3A_513 = tpu.memref_squeeze %dma_start3A_512 : memref<1x64xi32, #tpu.memory_space<vmem>> -> memref<64xi32, #tpu.memory_space<vmem>>
      %dma_start3A_514 = arith.constant 0 : i32
      %dma_start3A_515 = arith.constant 0 : i32
      %dma_start3A_516 = tpu.memref_slice %arg6[%dma_start3A_514, %dma_start3A_515] : memref<100001x32xf32, #tpu.memory_space<hbm>> -> memref<100001x32xf32, #tpu.memory_space<hbm>>
      tpu.enqueue_indirect_dma source(%dma_start3A_516 : memref<100001x32xf32, #tpu.memory_space<hbm>>) target(%dma_start3A_510 : memref<64x32xf32, #tpu.memory_space<vmem>>) offsets(%dma_start3A_513 : memref<64xi32, #tpu.memory_space<vmem>>) semaphore(%arg34 : memref<!tpu.dma_semaphore, #tpu.memory_space<semaphore_mem>>)
      %dma_start3A_517 = arith.constant 4 : i32
      %dma_start3A_518 = arith.constant 256 : i32
      %dma_start3A_519 = arith.constant 0 : i32
      %dma_start3A_520 = tpu.memref_slice %arg32[%dma_start3A_518, %dma_start3A_519] : memref<1664x32xf32, #tpu.memory_space<vmem>> -> memref<64x32xf32, #tpu.memory_space<vmem>>
      %dma_start3A_521 = arith.constant 0 : i32
      %dma_start3A_522 = tpu.memref_slice %arg31[%dma_start3A_517, %dma_start3A_521] : memref<26x64xi32, #tpu.memory_space<vmem>> -> memref<1x64xi32, #tpu.memory_space<vmem>>
      %dma_start3A_523 = tpu.memref_squeeze %dma_start3A_522 : memref<1x64xi32, #tpu.memory_space<vmem>> -> memref<64xi32, #tpu.memory_space<vmem>>
      %dma_start3A_524 = arith.constant 0 : i32
      %dma_start3A_525 = arith.constant 0 : i32
      %dma_start3A_526 = tpu.memref_slice %arg7[%dma_start3A_524, %dma_start3A_525] : memref<100001x32xf32, #tpu.memory_space<hbm>> -> memref<100001x32xf32, #tpu.memory_space<hbm>>
      tpu.enqueue_indirect_dma source(%dma_start3A_526 : memref<100001x32xf32, #tpu.memory_space<hbm>>) target(%dma_start3A_520 : memref<64x32xf32, #tpu.memory_space<vmem>>) offsets(%dma_start3A_523 : memref<64xi32, #tpu.memory_space<vmem>>) semaphore(%arg34 : memref<!tpu.dma_semaphore, #tpu.memory_space<semaphore_mem>>)
      %dma_start3A_527 = arith.constant 5 : i32
      %dma_start3A_528 = arith.constant 320 : i32
      %dma_start3A_529 = arith.constant 0 : i32
      %dma_start3A_530 = tpu.memref_slice %arg32[%dma_start3A_528, %dma_start3A_529] : memref<1664x32xf32, #tpu.memory_space<vmem>> -> memref<64x32xf32, #tpu.memory_space<vmem>>
      %dma_start3A_531 = arith.constant 0 : i32
      %dma_start3A_532 = tpu.memref_slice %arg31[%dma_start3A_527, %dma_start3A_531] : memref<26x64xi32, #tpu.memory_space<vmem>> -> memref<1x64xi32, #tpu.memory_space<vmem>>
      %dma_start3A_533 = tpu.memref_squeeze %dma_start3A_532 : memref<1x64xi32, #tpu.memory_space<vmem>> -> memref<64xi32, #tpu.memory_space<vmem>>
      %dma_start3A_534 = arith.constant 0 : i32
      %dma_start3A_535 = arith.constant 0 : i32
      %dma_start3A_536 = tpu.memref_slice %arg8[%dma_start3A_534, %dma_start3A_535] : memref<100001x32xf32, #tpu.memory_space<hbm>> -> memref<100001x32xf32, #tpu.memory_space<hbm>>
      tpu.enqueue_indirect_dma source(%dma_start3A_536 : memref<100001x32xf32, #tpu.memory_space<hbm>>) target(%dma_start3A_530 : memref<64x32xf32, #tpu.memory_space<vmem>>) offsets(%dma_start3A_533 : memref<64xi32, #tpu.memory_space<vmem>>) semaphore(%arg34 : memref<!tpu.dma_semaphore, #tpu.memory_space<semaphore_mem>>)
      %dma_start3A_537 = arith.constant 6 : i32
      %dma_start3A_538 = arith.constant 384 : i32
      %dma_start3A_539 = arith.constant 0 : i32
      %dma_start3A_540 = tpu.memref_slice %arg32[%dma_start3A_538, %dma_start3A_539] : memref<1664x32xf32, #tpu.memory_space<vmem>> -> memref<64x32xf32, #tpu.memory_space<vmem>>
      %dma_start3A_541 = arith.constant 0 : i32
      %dma_start3A_542 = tpu.memref_slice %arg31[%dma_start3A_537, %dma_start3A_541] : memref<26x64xi32, #tpu.memory_space<vmem>> -> memref<1x64xi32, #tpu.memory_space<vmem>>
      %dma_start3A_543 = tpu.memref_squeeze %dma_start3A_542 : memref<1x64xi32, #tpu.memory_space<vmem>> -> memref<64xi32, #tpu.memory_space<vmem>>
      %dma_start3A_544 = arith.constant 0 : i32
      %dma_start3A_545 = arith.constant 0 : i32
      %dma_start3A_546 = tpu.memref_slice %arg9[%dma_start3A_544, %dma_start3A_545] : memref<100001x32xf32, #tpu.memory_space<hbm>> -> memref<100001x32xf32, #tpu.memory_space<hbm>>
      tpu.enqueue_indirect_dma source(%dma_start3A_546 : memref<100001x32xf32, #tpu.memory_space<hbm>>) target(%dma_start3A_540 : memref<64x32xf32, #tpu.memory_space<vmem>>) offsets(%dma_start3A_543 : memref<64xi32, #tpu.memory_space<vmem>>) semaphore(%arg34 : memref<!tpu.dma_semaphore, #tpu.memory_space<semaphore_mem>>)
      %dma_start3A_547 = arith.constant 7 : i32
      %dma_start3A_548 = arith.constant 448 : i32
      %dma_start3A_549 = arith.constant 0 : i32
      %dma_start3A_550 = tpu.memref_slice %arg32[%dma_start3A_548, %dma_start3A_549] : memref<1664x32xf32, #tpu.memory_space<vmem>> -> memref<64x32xf32, #tpu.memory_space<vmem>>
      %dma_start3A_551 = arith.constant 0 : i32
      %dma_start3A_552 = tpu.memref_slice %arg31[%dma_start3A_547, %dma_start3A_551] : memref<26x64xi32, #tpu.memory_space<vmem>> -> memref<1x64xi32, #tpu.memory_space<vmem>>
      %dma_start3A_553 = tpu.memref_squeeze %dma_start3A_552 : memref<1x64xi32, #tpu.memory_space<vmem>> -> memref<64xi32, #tpu.memory_space<vmem>>
      %dma_start3A_554 = arith.constant 0 : i32
      %dma_start3A_555 = arith.constant 0 : i32
      %dma_start3A_556 = tpu.memref_slice %arg10[%dma_start3A_554, %dma_start3A_555] : memref<100001x32xf32, #tpu.memory_space<hbm>> -> memref<100001x32xf32, #tpu.memory_space<hbm>>
      tpu.enqueue_indirect_dma source(%dma_start3A_556 : memref<100001x32xf32, #tpu.memory_space<hbm>>) target(%dma_start3A_550 : memref<64x32xf32, #tpu.memory_space<vmem>>) offsets(%dma_start3A_553 : memref<64xi32, #tpu.memory_space<vmem>>) semaphore(%arg34 : memref<!tpu.dma_semaphore, #tpu.memory_space<semaphore_mem>>)
      %dma_start3A_557 = arith.constant 8 : i32
      %dma_start3A_558 = arith.constant 512 : i32
      %dma_start3A_559 = arith.constant 0 : i32
      %dma_start3A_560 = tpu.memref_slice %arg32[%dma_start3A_558, %dma_start3A_559] : memref<1664x32xf32, #tpu.memory_space<vmem>> -> memref<64x32xf32, #tpu.memory_space<vmem>>
      %dma_start3A_561 = arith.constant 0 : i32
      %dma_start3A_562 = tpu.memref_slice %arg31[%dma_start3A_557, %dma_start3A_561] : memref<26x64xi32, #tpu.memory_space<vmem>> -> memref<1x64xi32, #tpu.memory_space<vmem>>
      %dma_start3A_563 = tpu.memref_squeeze %dma_start3A_562 : memref<1x64xi32, #tpu.memory_space<vmem>> -> memref<64xi32, #tpu.memory_space<vmem>>
      %dma_start3A_564 = arith.constant 0 : i32
      %dma_start3A_565 = arith.constant 0 : i32
      %dma_start3A_566 = tpu.memref_slice %arg11[%dma_start3A_564, %dma_start3A_565] : memref<100001x32xf32, #tpu.memory_space<hbm>> -> memref<100001x32xf32, #tpu.memory_space<hbm>>
      tpu.enqueue_indirect_dma source(%dma_start3A_566 : memref<100001x32xf32, #tpu.memory_space<hbm>>) target(%dma_start3A_560 : memref<64x32xf32, #tpu.memory_space<vmem>>) offsets(%dma_start3A_563 : memref<64xi32, #tpu.memory_space<vmem>>) semaphore(%arg34 : memref<!tpu.dma_semaphore, #tpu.memory_space<semaphore_mem>>)
      %dma_start3A_567 = arith.constant 9 : i32
      %dma_start3A_568 = arith.constant 576 : i32
      %dma_start3A_569 = arith.constant 0 : i32
      %dma_start3A_570 = tpu.memref_slice %arg32[%dma_start3A_568, %dma_start3A_569] : memref<1664x32xf32, #tpu.memory_space<vmem>> -> memref<64x32xf32, #tpu.memory_space<vmem>>
      %dma_start3A_571 = arith.constant 0 : i32
      %dma_start3A_572 = tpu.memref_slice %arg31[%dma_start3A_567, %dma_start3A_571] : memref<26x64xi32, #tpu.memory_space<vmem>> -> memref<1x64xi32, #tpu.memory_space<vmem>>
      %dma_start3A_573 = tpu.memref_squeeze %dma_start3A_572 : memref<1x64xi32, #tpu.memory_space<vmem>> -> memref<64xi32, #tpu.memory_space<vmem>>
      %dma_start3A_574 = arith.constant 0 : i32
      %dma_start3A_575 = arith.constant 0 : i32
      %dma_start3A_576 = tpu.memref_slice %arg12[%dma_start3A_574, %dma_start3A_575] : memref<100001x32xf32, #tpu.memory_space<hbm>> -> memref<100001x32xf32, #tpu.memory_space<hbm>>
      tpu.enqueue_indirect_dma source(%dma_start3A_576 : memref<100001x32xf32, #tpu.memory_space<hbm>>) target(%dma_start3A_570 : memref<64x32xf32, #tpu.memory_space<vmem>>) offsets(%dma_start3A_573 : memref<64xi32, #tpu.memory_space<vmem>>) semaphore(%arg34 : memref<!tpu.dma_semaphore, #tpu.memory_space<semaphore_mem>>)
      %dma_start3A_577 = arith.constant 10 : i32
      %dma_start3A_578 = arith.constant 640 : i32
      %dma_start3A_579 = arith.constant 0 : i32
      %dma_start3A_580 = tpu.memref_slice %arg32[%dma_start3A_578, %dma_start3A_579] : memref<1664x32xf32, #tpu.memory_space<vmem>> -> memref<64x32xf32, #tpu.memory_space<vmem>>
      %dma_start3A_581 = arith.constant 0 : i32
      %dma_start3A_582 = tpu.memref_slice %arg31[%dma_start3A_577, %dma_start3A_581] : memref<26x64xi32, #tpu.memory_space<vmem>> -> memref<1x64xi32, #tpu.memory_space<vmem>>
      %dma_start3A_583 = tpu.memref_squeeze %dma_start3A_582 : memref<1x64xi32, #tpu.memory_space<vmem>> -> memref<64xi32, #tpu.memory_space<vmem>>
      %dma_start3A_584 = arith.constant 0 : i32
      %dma_start3A_585 = arith.constant 0 : i32
      %dma_start3A_586 = tpu.memref_slice %arg13[%dma_start3A_584, %dma_start3A_585] : memref<100001x32xf32, #tpu.memory_space<hbm>> -> memref<100001x32xf32, #tpu.memory_space<hbm>>
      tpu.enqueue_indirect_dma source(%dma_start3A_586 : memref<100001x32xf32, #tpu.memory_space<hbm>>) target(%dma_start3A_580 : memref<64x32xf32, #tpu.memory_space<vmem>>) offsets(%dma_start3A_583 : memref<64xi32, #tpu.memory_space<vmem>>) semaphore(%arg34 : memref<!tpu.dma_semaphore, #tpu.memory_space<semaphore_mem>>)
      %dma_start3A_587 = arith.constant 11 : i32
      %dma_start3A_588 = arith.constant 704 : i32
      %dma_start3A_589 = arith.constant 0 : i32
      %dma_start3A_590 = tpu.memref_slice %arg32[%dma_start3A_588, %dma_start3A_589] : memref<1664x32xf32, #tpu.memory_space<vmem>> -> memref<64x32xf32, #tpu.memory_space<vmem>>
      %dma_start3A_591 = arith.constant 0 : i32
      %dma_start3A_592 = tpu.memref_slice %arg31[%dma_start3A_587, %dma_start3A_591] : memref<26x64xi32, #tpu.memory_space<vmem>> -> memref<1x64xi32, #tpu.memory_space<vmem>>
      %dma_start3A_593 = tpu.memref_squeeze %dma_start3A_592 : memref<1x64xi32, #tpu.memory_space<vmem>> -> memref<64xi32, #tpu.memory_space<vmem>>
      %dma_start3A_594 = arith.constant 0 : i32
      %dma_start3A_595 = arith.constant 0 : i32
      %dma_start3A_596 = tpu.memref_slice %arg14[%dma_start3A_594, %dma_start3A_595] : memref<100001x32xf32, #tpu.memory_space<hbm>> -> memref<100001x32xf32, #tpu.memory_space<hbm>>
      tpu.enqueue_indirect_dma source(%dma_start3A_596 : memref<100001x32xf32, #tpu.memory_space<hbm>>) target(%dma_start3A_590 : memref<64x32xf32, #tpu.memory_space<vmem>>) offsets(%dma_start3A_593 : memref<64xi32, #tpu.memory_space<vmem>>) semaphore(%arg34 : memref<!tpu.dma_semaphore, #tpu.memory_space<semaphore_mem>>)
      %dma_start3A_597 = arith.constant 12 : i32
      %dma_start3A_598 = arith.constant 768 : i32
      %dma_start3A_599 = arith.constant 0 : i32
      %dma_start3A_600 = tpu.memref_slice %arg32[%dma_start3A_598, %dma_start3A_599] : memref<1664x32xf32, #tpu.memory_space<vmem>> -> memref<64x32xf32, #tpu.memory_space<vmem>>
      %dma_start3A_601 = arith.constant 0 : i32
      %dma_start3A_602 = tpu.memref_slice %arg31[%dma_start3A_597, %dma_start3A_601] : memref<26x64xi32, #tpu.memory_space<vmem>> -> memref<1x64xi32, #tpu.memory_space<vmem>>
      %dma_start3A_603 = tpu.memref_squeeze %dma_start3A_602 : memref<1x64xi32, #tpu.memory_space<vmem>> -> memref<64xi32, #tpu.memory_space<vmem>>
      %dma_start3A_604 = arith.constant 0 : i32
      %dma_start3A_605 = arith.constant 0 : i32
      %dma_start3A_606 = tpu.memref_slice %arg15[%dma_start3A_604, %dma_start3A_605] : memref<100001x32xf32, #tpu.memory_space<hbm>> -> memref<100001x32xf32, #tpu.memory_space<hbm>>
      tpu.enqueue_indirect_dma source(%dma_start3A_606 : memref<100001x32xf32, #tpu.memory_space<hbm>>) target(%dma_start3A_600 : memref<64x32xf32, #tpu.memory_space<vmem>>) offsets(%dma_start3A_603 : memref<64xi32, #tpu.memory_space<vmem>>) semaphore(%arg34 : memref<!tpu.dma_semaphore, #tpu.memory_space<semaphore_mem>>)
      %dma_start3A_607 = arith.constant 13 : i32
      %dma_start3A_608 = arith.constant 832 : i32
      %dma_start3A_609 = arith.constant 0 : i32
      %dma_start3A_610 = tpu.memref_slice %arg32[%dma_start3A_608, %dma_start3A_609] : memref<1664x32xf32, #tpu.memory_space<vmem>> -> memref<64x32xf32, #tpu.memory_space<vmem>>
      %dma_start3A_611 = arith.constant 0 : i32
      %dma_start3A_612 = tpu.memref_slice %arg31[%dma_start3A_607, %dma_start3A_611] : memref<26x64xi32, #tpu.memory_space<vmem>> -> memref<1x64xi32, #tpu.memory_space<vmem>>
      %dma_start3A_613 = tpu.memref_squeeze %dma_start3A_612 : memref<1x64xi32, #tpu.memory_space<vmem>> -> memref<64xi32, #tpu.memory_space<vmem>>
      %dma_start3A_614 = arith.constant 0 : i32
      %dma_start3A_615 = arith.constant 0 : i32
      %dma_start3A_616 = tpu.memref_slice %arg16[%dma_start3A_614, %dma_start3A_615] : memref<100001x32xf32, #tpu.memory_space<hbm>> -> memref<100001x32xf32, #tpu.memory_space<hbm>>
      tpu.enqueue_indirect_dma source(%dma_start3A_616 : memref<100001x32xf32, #tpu.memory_space<hbm>>) target(%dma_start3A_610 : memref<64x32xf32, #tpu.memory_space<vmem>>) offsets(%dma_start3A_613 : memref<64xi32, #tpu.memory_space<vmem>>) semaphore(%arg34 : memref<!tpu.dma_semaphore, #tpu.memory_space<semaphore_mem>>)
      %dma_start3A_617 = arith.constant 14 : i32
      %dma_start3A_618 = arith.constant 896 : i32
      %dma_start3A_619 = arith.constant 0 : i32
      %dma_start3A_620 = tpu.memref_slice %arg32[%dma_start3A_618, %dma_start3A_619] : memref<1664x32xf32, #tpu.memory_space<vmem>> -> memref<64x32xf32, #tpu.memory_space<vmem>>
      %dma_start3A_621 = arith.constant 0 : i32
      %dma_start3A_622 = tpu.memref_slice %arg31[%dma_start3A_617, %dma_start3A_621] : memref<26x64xi32, #tpu.memory_space<vmem>> -> memref<1x64xi32, #tpu.memory_space<vmem>>
      %dma_start3A_623 = tpu.memref_squeeze %dma_start3A_622 : memref<1x64xi32, #tpu.memory_space<vmem>> -> memref<64xi32, #tpu.memory_space<vmem>>
      %dma_start3A_624 = arith.constant 0 : i32
      %dma_start3A_625 = arith.constant 0 : i32
      %dma_start3A_626 = tpu.memref_slice %arg17[%dma_start3A_624, %dma_start3A_625] : memref<100001x32xf32, #tpu.memory_space<hbm>> -> memref<100001x32xf32, #tpu.memory_space<hbm>>
      tpu.enqueue_indirect_dma source(%dma_start3A_626 : memref<100001x32xf32, #tpu.memory_space<hbm>>) target(%dma_start3A_620 : memref<64x32xf32, #tpu.memory_space<vmem>>) offsets(%dma_start3A_623 : memref<64xi32, #tpu.memory_space<vmem>>) semaphore(%arg34 : memref<!tpu.dma_semaphore, #tpu.memory_space<semaphore_mem>>)
      %dma_start3A_627 = arith.constant 15 : i32
      %dma_start3A_628 = arith.constant 960 : i32
      %dma_start3A_629 = arith.constant 0 : i32
      %dma_start3A_630 = tpu.memref_slice %arg32[%dma_start3A_628, %dma_start3A_629] : memref<1664x32xf32, #tpu.memory_space<vmem>> -> memref<64x32xf32, #tpu.memory_space<vmem>>
      %dma_start3A_631 = arith.constant 0 : i32
      %dma_start3A_632 = tpu.memref_slice %arg31[%dma_start3A_627, %dma_start3A_631] : memref<26x64xi32, #tpu.memory_space<vmem>> -> memref<1x64xi32, #tpu.memory_space<vmem>>
      %dma_start3A_633 = tpu.memref_squeeze %dma_start3A_632 : memref<1x64xi32, #tpu.memory_space<vmem>> -> memref<64xi32, #tpu.memory_space<vmem>>
      %dma_start3A_634 = arith.constant 0 : i32
      %dma_start3A_635 = arith.constant 0 : i32
      %dma_start3A_636 = tpu.memref_slice %arg18[%dma_start3A_634, %dma_start3A_635] : memref<100001x32xf32, #tpu.memory_space<hbm>> -> memref<100001x32xf32, #tpu.memory_space<hbm>>
      tpu.enqueue_indirect_dma source(%dma_start3A_636 : memref<100001x32xf32, #tpu.memory_space<hbm>>) target(%dma_start3A_630 : memref<64x32xf32, #tpu.memory_space<vmem>>) offsets(%dma_start3A_633 : memref<64xi32, #tpu.memory_space<vmem>>) semaphore(%arg34 : memref<!tpu.dma_semaphore, #tpu.memory_space<semaphore_mem>>)
      %dma_start3A_637 = arith.constant 16 : i32
      %dma_start3A_638 = arith.constant 1024 : i32
      %dma_start3A_639 = arith.constant 0 : i32
      %dma_start3A_640 = tpu.memref_slice %arg32[%dma_start3A_638, %dma_start3A_639] : memref<1664x32xf32, #tpu.memory_space<vmem>> -> memref<64x32xf32, #tpu.memory_space<vmem>>
      %dma_start3A_641 = arith.constant 0 : i32
      %dma_start3A_642 = tpu.memref_slice %arg31[%dma_start3A_637, %dma_start3A_641] : memref<26x64xi32, #tpu.memory_space<vmem>> -> memref<1x64xi32, #tpu.memory_space<vmem>>
      %dma_start3A_643 = tpu.memref_squeeze %dma_start3A_642 : memref<1x64xi32, #tpu.memory_space<vmem>> -> memref<64xi32, #tpu.memory_space<vmem>>
      %dma_start3A_644 = arith.constant 0 : i32
      %dma_start3A_645 = arith.constant 0 : i32
      %dma_start3A_646 = tpu.memref_slice %arg19[%dma_start3A_644, %dma_start3A_645] : memref<100001x32xf32, #tpu.memory_space<hbm>> -> memref<100001x32xf32, #tpu.memory_space<hbm>>
      tpu.enqueue_indirect_dma source(%dma_start3A_646 : memref<100001x32xf32, #tpu.memory_space<hbm>>) target(%dma_start3A_640 : memref<64x32xf32, #tpu.memory_space<vmem>>) offsets(%dma_start3A_643 : memref<64xi32, #tpu.memory_space<vmem>>) semaphore(%arg34 : memref<!tpu.dma_semaphore, #tpu.memory_space<semaphore_mem>>)
      %dma_start3A_647 = arith.constant 17 : i32
      %dma_start3A_648 = arith.constant 1088 : i32
      %dma_start3A_649 = arith.constant 0 : i32
      %dma_start3A_650 = tpu.memref_slice %arg32[%dma_start3A_648, %dma_start3A_649] : memref<1664x32xf32, #tpu.memory_space<vmem>> -> memref<64x32xf32, #tpu.memory_space<vmem>>
      %dma_start3A_651 = arith.constant 0 : i32
      %dma_start3A_652 = tpu.memref_slice %arg31[%dma_start3A_647, %dma_start3A_651] : memref<26x64xi32, #tpu.memory_space<vmem>> -> memref<1x64xi32, #tpu.memory_space<vmem>>
      %dma_start3A_653 = tpu.memref_squeeze %dma_start3A_652 : memref<1x64xi32, #tpu.memory_space<vmem>> -> memref<64xi32, #tpu.memory_space<vmem>>
      %dma_start3A_654 = arith.constant 0 : i32
      %dma_start3A_655 = arith.constant 0 : i32
      %dma_start3A_656 = tpu.memref_slice %arg20[%dma_start3A_654, %dma_start3A_655] : memref<100001x32xf32, #tpu.memory_space<hbm>> -> memref<100001x32xf32, #tpu.memory_space<hbm>>
      tpu.enqueue_indirect_dma source(%dma_start3A_656 : memref<100001x32xf32, #tpu.memory_space<hbm>>) target(%dma_start3A_650 : memref<64x32xf32, #tpu.memory_space<vmem>>) offsets(%dma_start3A_653 : memref<64xi32, #tpu.memory_space<vmem>>) semaphore(%arg34 : memref<!tpu.dma_semaphore, #tpu.memory_space<semaphore_mem>>)
      %dma_start3A_657 = arith.constant 18 : i32
      %dma_start3A_658 = arith.constant 1152 : i32
      %dma_start3A_659 = arith.constant 0 : i32
      %dma_start3A_660 = tpu.memref_slice %arg32[%dma_start3A_658, %dma_start3A_659] : memref<1664x32xf32, #tpu.memory_space<vmem>> -> memref<64x32xf32, #tpu.memory_space<vmem>>
      %dma_start3A_661 = arith.constant 0 : i32
      %dma_start3A_662 = tpu.memref_slice %arg31[%dma_start3A_657, %dma_start3A_661] : memref<26x64xi32, #tpu.memory_space<vmem>> -> memref<1x64xi32, #tpu.memory_space<vmem>>
      %dma_start3A_663 = tpu.memref_squeeze %dma_start3A_662 : memref<1x64xi32, #tpu.memory_space<vmem>> -> memref<64xi32, #tpu.memory_space<vmem>>
      %dma_start3A_664 = arith.constant 0 : i32
      %dma_start3A_665 = arith.constant 0 : i32
      %dma_start3A_666 = tpu.memref_slice %arg21[%dma_start3A_664, %dma_start3A_665] : memref<100001x32xf32, #tpu.memory_space<hbm>> -> memref<100001x32xf32, #tpu.memory_space<hbm>>
      tpu.enqueue_indirect_dma source(%dma_start3A_666 : memref<100001x32xf32, #tpu.memory_space<hbm>>) target(%dma_start3A_660 : memref<64x32xf32, #tpu.memory_space<vmem>>) offsets(%dma_start3A_663 : memref<64xi32, #tpu.memory_space<vmem>>) semaphore(%arg34 : memref<!tpu.dma_semaphore, #tpu.memory_space<semaphore_mem>>)
      %dma_start3A_667 = arith.constant 19 : i32
      %dma_start3A_668 = arith.constant 1216 : i32
      %dma_start3A_669 = arith.constant 0 : i32
      %dma_start3A_670 = tpu.memref_slice %arg32[%dma_start3A_668, %dma_start3A_669] : memref<1664x32xf32, #tpu.memory_space<vmem>> -> memref<64x32xf32, #tpu.memory_space<vmem>>
      %dma_start3A_671 = arith.constant 0 : i32
      %dma_start3A_672 = tpu.memref_slice %arg31[%dma_start3A_667, %dma_start3A_671] : memref<26x64xi32, #tpu.memory_space<vmem>> -> memref<1x64xi32, #tpu.memory_space<vmem>>
      %dma_start3A_673 = tpu.memref_squeeze %dma_start3A_672 : memref<1x64xi32, #tpu.memory_space<vmem>> -> memref<64xi32, #tpu.memory_space<vmem>>
      %dma_start3A_674 = arith.constant 0 : i32
      %dma_start3A_675 = arith.constant 0 : i32
      %dma_start3A_676 = tpu.memref_slice %arg22[%dma_start3A_674, %dma_start3A_675] : memref<100001x32xf32, #tpu.memory_space<hbm>> -> memref<100001x32xf32, #tpu.memory_space<hbm>>
      tpu.enqueue_indirect_dma source(%dma_start3A_676 : memref<100001x32xf32, #tpu.memory_space<hbm>>) target(%dma_start3A_670 : memref<64x32xf32, #tpu.memory_space<vmem>>) offsets(%dma_start3A_673 : memref<64xi32, #tpu.memory_space<vmem>>) semaphore(%arg34 : memref<!tpu.dma_semaphore, #tpu.memory_space<semaphore_mem>>)
      %dma_start3A_677 = arith.constant 20 : i32
      %dma_start3A_678 = arith.constant 1280 : i32
      %dma_start3A_679 = arith.constant 0 : i32
      %dma_start3A_680 = tpu.memref_slice %arg32[%dma_start3A_678, %dma_start3A_679] : memref<1664x32xf32, #tpu.memory_space<vmem>> -> memref<64x32xf32, #tpu.memory_space<vmem>>
      %dma_start3A_681 = arith.constant 0 : i32
      %dma_start3A_682 = tpu.memref_slice %arg31[%dma_start3A_677, %dma_start3A_681] : memref<26x64xi32, #tpu.memory_space<vmem>> -> memref<1x64xi32, #tpu.memory_space<vmem>>
      %dma_start3A_683 = tpu.memref_squeeze %dma_start3A_682 : memref<1x64xi32, #tpu.memory_space<vmem>> -> memref<64xi32, #tpu.memory_space<vmem>>
      %dma_start3A_684 = arith.constant 0 : i32
      %dma_start3A_685 = arith.constant 0 : i32
      %dma_start3A_686 = tpu.memref_slice %arg23[%dma_start3A_684, %dma_start3A_685] : memref<100001x32xf32, #tpu.memory_space<hbm>> -> memref<100001x32xf32, #tpu.memory_space<hbm>>
      tpu.enqueue_indirect_dma source(%dma_start3A_686 : memref<100001x32xf32, #tpu.memory_space<hbm>>) target(%dma_start3A_680 : memref<64x32xf32, #tpu.memory_space<vmem>>) offsets(%dma_start3A_683 : memref<64xi32, #tpu.memory_space<vmem>>) semaphore(%arg34 : memref<!tpu.dma_semaphore, #tpu.memory_space<semaphore_mem>>)
      %dma_start3A_687 = arith.constant 21 : i32
      %dma_start3A_688 = arith.constant 1344 : i32
      %dma_start3A_689 = arith.constant 0 : i32
      %dma_start3A_690 = tpu.memref_slice %arg32[%dma_start3A_688, %dma_start3A_689] : memref<1664x32xf32, #tpu.memory_space<vmem>> -> memref<64x32xf32, #tpu.memory_space<vmem>>
      %dma_start3A_691 = arith.constant 0 : i32
      %dma_start3A_692 = tpu.memref_slice %arg31[%dma_start3A_687, %dma_start3A_691] : memref<26x64xi32, #tpu.memory_space<vmem>> -> memref<1x64xi32, #tpu.memory_space<vmem>>
      %dma_start3A_693 = tpu.memref_squeeze %dma_start3A_692 : memref<1x64xi32, #tpu.memory_space<vmem>> -> memref<64xi32, #tpu.memory_space<vmem>>
      %dma_start3A_694 = arith.constant 0 : i32
      %dma_start3A_695 = arith.constant 0 : i32
      %dma_start3A_696 = tpu.memref_slice %arg24[%dma_start3A_694, %dma_start3A_695] : memref<100001x32xf32, #tpu.memory_space<hbm>> -> memref<100001x32xf32, #tpu.memory_space<hbm>>
      tpu.enqueue_indirect_dma source(%dma_start3A_696 : memref<100001x32xf32, #tpu.memory_space<hbm>>) target(%dma_start3A_690 : memref<64x32xf32, #tpu.memory_space<vmem>>) offsets(%dma_start3A_693 : memref<64xi32, #tpu.memory_space<vmem>>) semaphore(%arg34 : memref<!tpu.dma_semaphore, #tpu.memory_space<semaphore_mem>>)
      %dma_start3A_697 = arith.constant 22 : i32
      %dma_start3A_698 = arith.constant 1408 : i32
      %dma_start3A_699 = arith.constant 0 : i32
      %dma_start3A_700 = tpu.memref_slice %arg32[%dma_start3A_698, %dma_start3A_699] : memref<1664x32xf32, #tpu.memory_space<vmem>> -> memref<64x32xf32, #tpu.memory_space<vmem>>
      %dma_start3A_701 = arith.constant 0 : i32
      %dma_start3A_702 = tpu.memref_slice %arg31[%dma_start3A_697, %dma_start3A_701] : memref<26x64xi32, #tpu.memory_space<vmem>> -> memref<1x64xi32, #tpu.memory_space<vmem>>
      %dma_start3A_703 = tpu.memref_squeeze %dma_start3A_702 : memref<1x64xi32, #tpu.memory_space<vmem>> -> memref<64xi32, #tpu.memory_space<vmem>>
      %dma_start3A_704 = arith.constant 0 : i32
      %dma_start3A_705 = arith.constant 0 : i32
      %dma_start3A_706 = tpu.memref_slice %arg25[%dma_start3A_704, %dma_start3A_705] : memref<100001x32xf32, #tpu.memory_space<hbm>> -> memref<100001x32xf32, #tpu.memory_space<hbm>>
      tpu.enqueue_indirect_dma source(%dma_start3A_706 : memref<100001x32xf32, #tpu.memory_space<hbm>>) target(%dma_start3A_700 : memref<64x32xf32, #tpu.memory_space<vmem>>) offsets(%dma_start3A_703 : memref<64xi32, #tpu.memory_space<vmem>>) semaphore(%arg34 : memref<!tpu.dma_semaphore, #tpu.memory_space<semaphore_mem>>)
      %dma_start3A_707 = arith.constant 23 : i32
      %dma_start3A_708 = arith.constant 1472 : i32
      %dma_start3A_709 = arith.constant 0 : i32
      %dma_start3A_710 = tpu.memref_slice %arg32[%dma_start3A_708, %dma_start3A_709] : memref<1664x32xf32, #tpu.memory_space<vmem>> -> memref<64x32xf32, #tpu.memory_space<vmem>>
      %dma_start3A_711 = arith.constant 0 : i32
      %dma_start3A_712 = tpu.memref_slice %arg31[%dma_start3A_707, %dma_start3A_711] : memref<26x64xi32, #tpu.memory_space<vmem>> -> memref<1x64xi32, #tpu.memory_space<vmem>>
      %dma_start3A_713 = tpu.memref_squeeze %dma_start3A_712 : memref<1x64xi32, #tpu.memory_space<vmem>> -> memref<64xi32, #tpu.memory_space<vmem>>
      %dma_start3A_714 = arith.constant 0 : i32
      %dma_start3A_715 = arith.constant 0 : i32
      %dma_start3A_716 = tpu.memref_slice %arg26[%dma_start3A_714, %dma_start3A_715] : memref<100001x32xf32, #tpu.memory_space<hbm>> -> memref<100001x32xf32, #tpu.memory_space<hbm>>
      tpu.enqueue_indirect_dma source(%dma_start3A_716 : memref<100001x32xf32, #tpu.memory_space<hbm>>) target(%dma_start3A_710 : memref<64x32xf32, #tpu.memory_space<vmem>>) offsets(%dma_start3A_713 : memref<64xi32, #tpu.memory_space<vmem>>) semaphore(%arg34 : memref<!tpu.dma_semaphore, #tpu.memory_space<semaphore_mem>>)
      %dma_start3A_717 = arith.constant 24 : i32
      %dma_start3A_718 = arith.constant 1536 : i32
      %dma_start3A_719 = arith.constant 0 : i32
      %dma_start3A_720 = tpu.memref_slice %arg32[%dma_start3A_718, %dma_start3A_719] : memref<1664x32xf32, #tpu.memory_space<vmem>> -> memref<64x32xf32, #tpu.memory_space<vmem>>
      %dma_start3A_721 = arith.constant 0 : i32
      %dma_start3A_722 = tpu.memref_slice %arg31[%dma_start3A_717, %dma_start3A_721] : memref<26x64xi32, #tpu.memory_space<vmem>> -> memref<1x64xi32, #tpu.memory_space<vmem>>
      %dma_start3A_723 = tpu.memref_squeeze %dma_start3A_722 : memref<1x64xi32, #tpu.memory_space<vmem>> -> memref<64xi32, #tpu.memory_space<vmem>>
      %dma_start3A_724 = arith.constant 0 : i32
      %dma_start3A_725 = arith.constant 0 : i32
      %dma_start3A_726 = tpu.memref_slice %arg27[%dma_start3A_724, %dma_start3A_725] : memref<100001x32xf32, #tpu.memory_space<hbm>> -> memref<100001x32xf32, #tpu.memory_space<hbm>>
      tpu.enqueue_indirect_dma source(%dma_start3A_726 : memref<100001x32xf32, #tpu.memory_space<hbm>>) target(%dma_start3A_720 : memref<64x32xf32, #tpu.memory_space<vmem>>) offsets(%dma_start3A_723 : memref<64xi32, #tpu.memory_space<vmem>>) semaphore(%arg34 : memref<!tpu.dma_semaphore, #tpu.memory_space<semaphore_mem>>)
      %dma_start3A_727 = arith.constant 25 : i32
      %dma_start3A_728 = arith.constant 1600 : i32
      %dma_start3A_729 = arith.constant 0 : i32
      %dma_start3A_730 = tpu.memref_slice %arg32[%dma_start3A_728, %dma_start3A_729] : memref<1664x32xf32, #tpu.memory_space<vmem>> -> memref<64x32xf32, #tpu.memory_space<vmem>>
      %dma_start3A_731 = arith.constant 0 : i32
      %dma_start3A_732 = tpu.memref_slice %arg31[%dma_start3A_727, %dma_start3A_731] : memref<26x64xi32, #tpu.memory_space<vmem>> -> memref<1x64xi32, #tpu.memory_space<vmem>>
      %dma_start3A_733 = tpu.memref_squeeze %dma_start3A_732 : memref<1x64xi32, #tpu.memory_space<vmem>> -> memref<64xi32, #tpu.memory_space<vmem>>
      %dma_start3A_734 = arith.constant 0 : i32
      %dma_start3A_735 = arith.constant 0 : i32
      %dma_start3A_736 = tpu.memref_slice %arg28[%dma_start3A_734, %dma_start3A_735] : memref<100001x32xf32, #tpu.memory_space<hbm>> -> memref<100001x32xf32, #tpu.memory_space<hbm>>
      tpu.enqueue_indirect_dma source(%dma_start3A_736 : memref<100001x32xf32, #tpu.memory_space<hbm>>) target(%dma_start3A_730 : memref<64x32xf32, #tpu.memory_space<vmem>>) offsets(%dma_start3A_733 : memref<64xi32, #tpu.memory_space<vmem>>) semaphore(%arg34 : memref<!tpu.dma_semaphore, #tpu.memory_space<semaphore_mem>>)
      %dma_wait3A = arith.constant 0 : i32
      %dma_wait3A_737 = arith.constant 0 : i32
      %dma_wait3A_738 = arith.constant 0 : i32
      %dma_wait3A_739 = tpu.memref_slice %arg32[%dma_wait3A_737, %dma_wait3A_738] : memref<1664x32xf32, #tpu.memory_space<vmem>> -> memref<64x32xf32, #tpu.memory_space<vmem>>
      %dma_wait3A_740 = arith.constant 0 : i32
      %dma_wait3A_741 = tpu.memref_slice %arg31[%dma_wait3A, %dma_wait3A_740] : memref<26x64xi32, #tpu.memory_space<vmem>> -> memref<1x64xi32, #tpu.memory_space<vmem>>
      %dma_wait3A_742 = tpu.memref_squeeze %dma_wait3A_741 : memref<1x64xi32, #tpu.memory_space<vmem>> -> memref<64xi32, #tpu.memory_space<vmem>>
      %dma_wait3A_743 = arith.constant 0 : i32
      %dma_wait3A_744 = arith.constant 0 : i32
      %dma_wait3A_745 = tpu.memref_slice %arg3[%dma_wait3A_743, %dma_wait3A_744] : memref<100001x32xf32, #tpu.memory_space<hbm>> -> memref<100001x32xf32, #tpu.memory_space<hbm>>
      tpu.wait_indirect_dma semaphore(%arg34 : memref<!tpu.dma_semaphore, #tpu.memory_space<semaphore_mem>>) src(%dma_wait3A_745 : memref<100001x32xf32, #tpu.memory_space<hbm>>) dst(%dma_wait3A_739 : memref<64x32xf32, #tpu.memory_space<vmem>>)
      %dma_wait3A_746 = arith.constant 1 : i32
      %dma_wait3A_747 = arith.constant 64 : i32
      %dma_wait3A_748 = arith.constant 0 : i32
      %dma_wait3A_749 = tpu.memref_slice %arg32[%dma_wait3A_747, %dma_wait3A_748] : memref<1664x32xf32, #tpu.memory_space<vmem>> -> memref<64x32xf32, #tpu.memory_space<vmem>>
      %dma_wait3A_750 = arith.constant 0 : i32
      %dma_wait3A_751 = tpu.memref_slice %arg31[%dma_wait3A_746, %dma_wait3A_750] : memref<26x64xi32, #tpu.memory_space<vmem>> -> memref<1x64xi32, #tpu.memory_space<vmem>>
      %dma_wait3A_752 = tpu.memref_squeeze %dma_wait3A_751 : memref<1x64xi32, #tpu.memory_space<vmem>> -> memref<64xi32, #tpu.memory_space<vmem>>
      %dma_wait3A_753 = arith.constant 0 : i32
      %dma_wait3A_754 = arith.constant 0 : i32
      %dma_wait3A_755 = tpu.memref_slice %arg4[%dma_wait3A_753, %dma_wait3A_754] : memref<100001x32xf32, #tpu.memory_space<hbm>> -> memref<100001x32xf32, #tpu.memory_space<hbm>>
      tpu.wait_indirect_dma semaphore(%arg34 : memref<!tpu.dma_semaphore, #tpu.memory_space<semaphore_mem>>) src(%dma_wait3A_755 : memref<100001x32xf32, #tpu.memory_space<hbm>>) dst(%dma_wait3A_749 : memref<64x32xf32, #tpu.memory_space<vmem>>)
      %dma_wait3A_756 = arith.constant 2 : i32
      %dma_wait3A_757 = arith.constant 128 : i32
      %dma_wait3A_758 = arith.constant 0 : i32
      %dma_wait3A_759 = tpu.memref_slice %arg32[%dma_wait3A_757, %dma_wait3A_758] : memref<1664x32xf32, #tpu.memory_space<vmem>> -> memref<64x32xf32, #tpu.memory_space<vmem>>
      %dma_wait3A_760 = arith.constant 0 : i32
      %dma_wait3A_761 = tpu.memref_slice %arg31[%dma_wait3A_756, %dma_wait3A_760] : memref<26x64xi32, #tpu.memory_space<vmem>> -> memref<1x64xi32, #tpu.memory_space<vmem>>
      %dma_wait3A_762 = tpu.memref_squeeze %dma_wait3A_761 : memref<1x64xi32, #tpu.memory_space<vmem>> -> memref<64xi32, #tpu.memory_space<vmem>>
      %dma_wait3A_763 = arith.constant 0 : i32
      %dma_wait3A_764 = arith.constant 0 : i32
      %dma_wait3A_765 = tpu.memref_slice %arg5[%dma_wait3A_763, %dma_wait3A_764] : memref<100001x32xf32, #tpu.memory_space<hbm>> -> memref<100001x32xf32, #tpu.memory_space<hbm>>
      tpu.wait_indirect_dma semaphore(%arg34 : memref<!tpu.dma_semaphore, #tpu.memory_space<semaphore_mem>>) src(%dma_wait3A_765 : memref<100001x32xf32, #tpu.memory_space<hbm>>) dst(%dma_wait3A_759 : memref<64x32xf32, #tpu.memory_space<vmem>>)
      %dma_wait3A_766 = arith.constant 3 : i32
      %dma_wait3A_767 = arith.constant 192 : i32
      %dma_wait3A_768 = arith.constant 0 : i32
      %dma_wait3A_769 = tpu.memref_slice %arg32[%dma_wait3A_767, %dma_wait3A_768] : memref<1664x32xf32, #tpu.memory_space<vmem>> -> memref<64x32xf32, #tpu.memory_space<vmem>>
      %dma_wait3A_770 = arith.constant 0 : i32
      %dma_wait3A_771 = tpu.memref_slice %arg31[%dma_wait3A_766, %dma_wait3A_770] : memref<26x64xi32, #tpu.memory_space<vmem>> -> memref<1x64xi32, #tpu.memory_space<vmem>>
      %dma_wait3A_772 = tpu.memref_squeeze %dma_wait3A_771 : memref<1x64xi32, #tpu.memory_space<vmem>> -> memref<64xi32, #tpu.memory_space<vmem>>
      %dma_wait3A_773 = arith.constant 0 : i32
      %dma_wait3A_774 = arith.constant 0 : i32
      %dma_wait3A_775 = tpu.memref_slice %arg6[%dma_wait3A_773, %dma_wait3A_774] : memref<100001x32xf32, #tpu.memory_space<hbm>> -> memref<100001x32xf32, #tpu.memory_space<hbm>>
      tpu.wait_indirect_dma semaphore(%arg34 : memref<!tpu.dma_semaphore, #tpu.memory_space<semaphore_mem>>) src(%dma_wait3A_775 : memref<100001x32xf32, #tpu.memory_space<hbm>>) dst(%dma_wait3A_769 : memref<64x32xf32, #tpu.memory_space<vmem>>)
      %dma_wait3A_776 = arith.constant 4 : i32
      %dma_wait3A_777 = arith.constant 256 : i32
      %dma_wait3A_778 = arith.constant 0 : i32
      %dma_wait3A_779 = tpu.memref_slice %arg32[%dma_wait3A_777, %dma_wait3A_778] : memref<1664x32xf32, #tpu.memory_space<vmem>> -> memref<64x32xf32, #tpu.memory_space<vmem>>
      %dma_wait3A_780 = arith.constant 0 : i32
      %dma_wait3A_781 = tpu.memref_slice %arg31[%dma_wait3A_776, %dma_wait3A_780] : memref<26x64xi32, #tpu.memory_space<vmem>> -> memref<1x64xi32, #tpu.memory_space<vmem>>
      %dma_wait3A_782 = tpu.memref_squeeze %dma_wait3A_781 : memref<1x64xi32, #tpu.memory_space<vmem>> -> memref<64xi32, #tpu.memory_space<vmem>>
      %dma_wait3A_783 = arith.constant 0 : i32
      %dma_wait3A_784 = arith.constant 0 : i32
      %dma_wait3A_785 = tpu.memref_slice %arg7[%dma_wait3A_783, %dma_wait3A_784] : memref<100001x32xf32, #tpu.memory_space<hbm>> -> memref<100001x32xf32, #tpu.memory_space<hbm>>
      tpu.wait_indirect_dma semaphore(%arg34 : memref<!tpu.dma_semaphore, #tpu.memory_space<semaphore_mem>>) src(%dma_wait3A_785 : memref<100001x32xf32, #tpu.memory_space<hbm>>) dst(%dma_wait3A_779 : memref<64x32xf32, #tpu.memory_space<vmem>>)
      %dma_wait3A_786 = arith.constant 5 : i32
      %dma_wait3A_787 = arith.constant 320 : i32
      %dma_wait3A_788 = arith.constant 0 : i32
      %dma_wait3A_789 = tpu.memref_slice %arg32[%dma_wait3A_787, %dma_wait3A_788] : memref<1664x32xf32, #tpu.memory_space<vmem>> -> memref<64x32xf32, #tpu.memory_space<vmem>>
      %dma_wait3A_790 = arith.constant 0 : i32
      %dma_wait3A_791 = tpu.memref_slice %arg31[%dma_wait3A_786, %dma_wait3A_790] : memref<26x64xi32, #tpu.memory_space<vmem>> -> memref<1x64xi32, #tpu.memory_space<vmem>>
      %dma_wait3A_792 = tpu.memref_squeeze %dma_wait3A_791 : memref<1x64xi32, #tpu.memory_space<vmem>> -> memref<64xi32, #tpu.memory_space<vmem>>
      %dma_wait3A_793 = arith.constant 0 : i32
      %dma_wait3A_794 = arith.constant 0 : i32
      %dma_wait3A_795 = tpu.memref_slice %arg8[%dma_wait3A_793, %dma_wait3A_794] : memref<100001x32xf32, #tpu.memory_space<hbm>> -> memref<100001x32xf32, #tpu.memory_space<hbm>>
      tpu.wait_indirect_dma semaphore(%arg34 : memref<!tpu.dma_semaphore, #tpu.memory_space<semaphore_mem>>) src(%dma_wait3A_795 : memref<100001x32xf32, #tpu.memory_space<hbm>>) dst(%dma_wait3A_789 : memref<64x32xf32, #tpu.memory_space<vmem>>)
      %dma_wait3A_796 = arith.constant 6 : i32
      %dma_wait3A_797 = arith.constant 384 : i32
      %dma_wait3A_798 = arith.constant 0 : i32
      %dma_wait3A_799 = tpu.memref_slice %arg32[%dma_wait3A_797, %dma_wait3A_798] : memref<1664x32xf32, #tpu.memory_space<vmem>> -> memref<64x32xf32, #tpu.memory_space<vmem>>
      %dma_wait3A_800 = arith.constant 0 : i32
      %dma_wait3A_801 = tpu.memref_slice %arg31[%dma_wait3A_796, %dma_wait3A_800] : memref<26x64xi32, #tpu.memory_space<vmem>> -> memref<1x64xi32, #tpu.memory_space<vmem>>
      %dma_wait3A_802 = tpu.memref_squeeze %dma_wait3A_801 : memref<1x64xi32, #tpu.memory_space<vmem>> -> memref<64xi32, #tpu.memory_space<vmem>>
      %dma_wait3A_803 = arith.constant 0 : i32
      %dma_wait3A_804 = arith.constant 0 : i32
      %dma_wait3A_805 = tpu.memref_slice %arg9[%dma_wait3A_803, %dma_wait3A_804] : memref<100001x32xf32, #tpu.memory_space<hbm>> -> memref<100001x32xf32, #tpu.memory_space<hbm>>
      tpu.wait_indirect_dma semaphore(%arg34 : memref<!tpu.dma_semaphore, #tpu.memory_space<semaphore_mem>>) src(%dma_wait3A_805 : memref<100001x32xf32, #tpu.memory_space<hbm>>) dst(%dma_wait3A_799 : memref<64x32xf32, #tpu.memory_space<vmem>>)
      %dma_wait3A_806 = arith.constant 7 : i32
      %dma_wait3A_807 = arith.constant 448 : i32
      %dma_wait3A_808 = arith.constant 0 : i32
      %dma_wait3A_809 = tpu.memref_slice %arg32[%dma_wait3A_807, %dma_wait3A_808] : memref<1664x32xf32, #tpu.memory_space<vmem>> -> memref<64x32xf32, #tpu.memory_space<vmem>>
      %dma_wait3A_810 = arith.constant 0 : i32
      %dma_wait3A_811 = tpu.memref_slice %arg31[%dma_wait3A_806, %dma_wait3A_810] : memref<26x64xi32, #tpu.memory_space<vmem>> -> memref<1x64xi32, #tpu.memory_space<vmem>>
      %dma_wait3A_812 = tpu.memref_squeeze %dma_wait3A_811 : memref<1x64xi32, #tpu.memory_space<vmem>> -> memref<64xi32, #tpu.memory_space<vmem>>
      %dma_wait3A_813 = arith.constant 0 : i32
      %dma_wait3A_814 = arith.constant 0 : i32
      %dma_wait3A_815 = tpu.memref_slice %arg10[%dma_wait3A_813, %dma_wait3A_814] : memref<100001x32xf32, #tpu.memory_space<hbm>> -> memref<100001x32xf32, #tpu.memory_space<hbm>>
      tpu.wait_indirect_dma semaphore(%arg34 : memref<!tpu.dma_semaphore, #tpu.memory_space<semaphore_mem>>) src(%dma_wait3A_815 : memref<100001x32xf32, #tpu.memory_space<hbm>>) dst(%dma_wait3A_809 : memref<64x32xf32, #tpu.memory_space<vmem>>)
      %dma_wait3A_816 = arith.constant 8 : i32
      %dma_wait3A_817 = arith.constant 512 : i32
      %dma_wait3A_818 = arith.constant 0 : i32
      %dma_wait3A_819 = tpu.memref_slice %arg32[%dma_wait3A_817, %dma_wait3A_818] : memref<1664x32xf32, #tpu.memory_space<vmem>> -> memref<64x32xf32, #tpu.memory_space<vmem>>
      %dma_wait3A_820 = arith.constant 0 : i32
      %dma_wait3A_821 = tpu.memref_slice %arg31[%dma_wait3A_816, %dma_wait3A_820] : memref<26x64xi32, #tpu.memory_space<vmem>> -> memref<1x64xi32, #tpu.memory_space<vmem>>
      %dma_wait3A_822 = tpu.memref_squeeze %dma_wait3A_821 : memref<1x64xi32, #tpu.memory_space<vmem>> -> memref<64xi32, #tpu.memory_space<vmem>>
      %dma_wait3A_823 = arith.constant 0 : i32
      %dma_wait3A_824 = arith.constant 0 : i32
      %dma_wait3A_825 = tpu.memref_slice %arg11[%dma_wait3A_823, %dma_wait3A_824] : memref<100001x32xf32, #tpu.memory_space<hbm>> -> memref<100001x32xf32, #tpu.memory_space<hbm>>
      tpu.wait_indirect_dma semaphore(%arg34 : memref<!tpu.dma_semaphore, #tpu.memory_space<semaphore_mem>>) src(%dma_wait3A_825 : memref<100001x32xf32, #tpu.memory_space<hbm>>) dst(%dma_wait3A_819 : memref<64x32xf32, #tpu.memory_space<vmem>>)
      %dma_wait3A_826 = arith.constant 9 : i32
      %dma_wait3A_827 = arith.constant 576 : i32
      %dma_wait3A_828 = arith.constant 0 : i32
      %dma_wait3A_829 = tpu.memref_slice %arg32[%dma_wait3A_827, %dma_wait3A_828] : memref<1664x32xf32, #tpu.memory_space<vmem>> -> memref<64x32xf32, #tpu.memory_space<vmem>>
      %dma_wait3A_830 = arith.constant 0 : i32
      %dma_wait3A_831 = tpu.memref_slice %arg31[%dma_wait3A_826, %dma_wait3A_830] : memref<26x64xi32, #tpu.memory_space<vmem>> -> memref<1x64xi32, #tpu.memory_space<vmem>>
      %dma_wait3A_832 = tpu.memref_squeeze %dma_wait3A_831 : memref<1x64xi32, #tpu.memory_space<vmem>> -> memref<64xi32, #tpu.memory_space<vmem>>
      %dma_wait3A_833 = arith.constant 0 : i32
      %dma_wait3A_834 = arith.constant 0 : i32
      %dma_wait3A_835 = tpu.memref_slice %arg12[%dma_wait3A_833, %dma_wait3A_834] : memref<100001x32xf32, #tpu.memory_space<hbm>> -> memref<100001x32xf32, #tpu.memory_space<hbm>>
      tpu.wait_indirect_dma semaphore(%arg34 : memref<!tpu.dma_semaphore, #tpu.memory_space<semaphore_mem>>) src(%dma_wait3A_835 : memref<100001x32xf32, #tpu.memory_space<hbm>>) dst(%dma_wait3A_829 : memref<64x32xf32, #tpu.memory_space<vmem>>)
      %dma_wait3A_836 = arith.constant 10 : i32
      %dma_wait3A_837 = arith.constant 640 : i32
      %dma_wait3A_838 = arith.constant 0 : i32
      %dma_wait3A_839 = tpu.memref_slice %arg32[%dma_wait3A_837, %dma_wait3A_838] : memref<1664x32xf32, #tpu.memory_space<vmem>> -> memref<64x32xf32, #tpu.memory_space<vmem>>
      %dma_wait3A_840 = arith.constant 0 : i32
      %dma_wait3A_841 = tpu.memref_slice %arg31[%dma_wait3A_836, %dma_wait3A_840] : memref<26x64xi32, #tpu.memory_space<vmem>> -> memref<1x64xi32, #tpu.memory_space<vmem>>
      %dma_wait3A_842 = tpu.memref_squeeze %dma_wait3A_841 : memref<1x64xi32, #tpu.memory_space<vmem>> -> memref<64xi32, #tpu.memory_space<vmem>>
      %dma_wait3A_843 = arith.constant 0 : i32
      %dma_wait3A_844 = arith.constant 0 : i32
      %dma_wait3A_845 = tpu.memref_slice %arg13[%dma_wait3A_843, %dma_wait3A_844] : memref<100001x32xf32, #tpu.memory_space<hbm>> -> memref<100001x32xf32, #tpu.memory_space<hbm>>
      tpu.wait_indirect_dma semaphore(%arg34 : memref<!tpu.dma_semaphore, #tpu.memory_space<semaphore_mem>>) src(%dma_wait3A_845 : memref<100001x32xf32, #tpu.memory_space<hbm>>) dst(%dma_wait3A_839 : memref<64x32xf32, #tpu.memory_space<vmem>>)
      %dma_wait3A_846 = arith.constant 11 : i32
      %dma_wait3A_847 = arith.constant 704 : i32
      %dma_wait3A_848 = arith.constant 0 : i32
      %dma_wait3A_849 = tpu.memref_slice %arg32[%dma_wait3A_847, %dma_wait3A_848] : memref<1664x32xf32, #tpu.memory_space<vmem>> -> memref<64x32xf32, #tpu.memory_space<vmem>>
      %dma_wait3A_850 = arith.constant 0 : i32
      %dma_wait3A_851 = tpu.memref_slice %arg31[%dma_wait3A_846, %dma_wait3A_850] : memref<26x64xi32, #tpu.memory_space<vmem>> -> memref<1x64xi32, #tpu.memory_space<vmem>>
      %dma_wait3A_852 = tpu.memref_squeeze %dma_wait3A_851 : memref<1x64xi32, #tpu.memory_space<vmem>> -> memref<64xi32, #tpu.memory_space<vmem>>
      %dma_wait3A_853 = arith.constant 0 : i32
      %dma_wait3A_854 = arith.constant 0 : i32
      %dma_wait3A_855 = tpu.memref_slice %arg14[%dma_wait3A_853, %dma_wait3A_854] : memref<100001x32xf32, #tpu.memory_space<hbm>> -> memref<100001x32xf32, #tpu.memory_space<hbm>>
      tpu.wait_indirect_dma semaphore(%arg34 : memref<!tpu.dma_semaphore, #tpu.memory_space<semaphore_mem>>) src(%dma_wait3A_855 : memref<100001x32xf32, #tpu.memory_space<hbm>>) dst(%dma_wait3A_849 : memref<64x32xf32, #tpu.memory_space<vmem>>)
      %dma_wait3A_856 = arith.constant 12 : i32
      %dma_wait3A_857 = arith.constant 768 : i32
      %dma_wait3A_858 = arith.constant 0 : i32
      %dma_wait3A_859 = tpu.memref_slice %arg32[%dma_wait3A_857, %dma_wait3A_858] : memref<1664x32xf32, #tpu.memory_space<vmem>> -> memref<64x32xf32, #tpu.memory_space<vmem>>
      %dma_wait3A_860 = arith.constant 0 : i32
      %dma_wait3A_861 = tpu.memref_slice %arg31[%dma_wait3A_856, %dma_wait3A_860] : memref<26x64xi32, #tpu.memory_space<vmem>> -> memref<1x64xi32, #tpu.memory_space<vmem>>
      %dma_wait3A_862 = tpu.memref_squeeze %dma_wait3A_861 : memref<1x64xi32, #tpu.memory_space<vmem>> -> memref<64xi32, #tpu.memory_space<vmem>>
      %dma_wait3A_863 = arith.constant 0 : i32
      %dma_wait3A_864 = arith.constant 0 : i32
      %dma_wait3A_865 = tpu.memref_slice %arg15[%dma_wait3A_863, %dma_wait3A_864] : memref<100001x32xf32, #tpu.memory_space<hbm>> -> memref<100001x32xf32, #tpu.memory_space<hbm>>
      tpu.wait_indirect_dma semaphore(%arg34 : memref<!tpu.dma_semaphore, #tpu.memory_space<semaphore_mem>>) src(%dma_wait3A_865 : memref<100001x32xf32, #tpu.memory_space<hbm>>) dst(%dma_wait3A_859 : memref<64x32xf32, #tpu.memory_space<vmem>>)
      %dma_wait3A_866 = arith.constant 13 : i32
      %dma_wait3A_867 = arith.constant 832 : i32
      %dma_wait3A_868 = arith.constant 0 : i32
      %dma_wait3A_869 = tpu.memref_slice %arg32[%dma_wait3A_867, %dma_wait3A_868] : memref<1664x32xf32, #tpu.memory_space<vmem>> -> memref<64x32xf32, #tpu.memory_space<vmem>>
      %dma_wait3A_870 = arith.constant 0 : i32
      %dma_wait3A_871 = tpu.memref_slice %arg31[%dma_wait3A_866, %dma_wait3A_870] : memref<26x64xi32, #tpu.memory_space<vmem>> -> memref<1x64xi32, #tpu.memory_space<vmem>>
      %dma_wait3A_872 = tpu.memref_squeeze %dma_wait3A_871 : memref<1x64xi32, #tpu.memory_space<vmem>> -> memref<64xi32, #tpu.memory_space<vmem>>
      %dma_wait3A_873 = arith.constant 0 : i32
      %dma_wait3A_874 = arith.constant 0 : i32
      %dma_wait3A_875 = tpu.memref_slice %arg16[%dma_wait3A_873, %dma_wait3A_874] : memref<100001x32xf32, #tpu.memory_space<hbm>> -> memref<100001x32xf32, #tpu.memory_space<hbm>>
      tpu.wait_indirect_dma semaphore(%arg34 : memref<!tpu.dma_semaphore, #tpu.memory_space<semaphore_mem>>) src(%dma_wait3A_875 : memref<100001x32xf32, #tpu.memory_space<hbm>>) dst(%dma_wait3A_869 : memref<64x32xf32, #tpu.memory_space<vmem>>)
      %dma_wait3A_876 = arith.constant 14 : i32
      %dma_wait3A_877 = arith.constant 896 : i32
      %dma_wait3A_878 = arith.constant 0 : i32
      %dma_wait3A_879 = tpu.memref_slice %arg32[%dma_wait3A_877, %dma_wait3A_878] : memref<1664x32xf32, #tpu.memory_space<vmem>> -> memref<64x32xf32, #tpu.memory_space<vmem>>
      %dma_wait3A_880 = arith.constant 0 : i32
      %dma_wait3A_881 = tpu.memref_slice %arg31[%dma_wait3A_876, %dma_wait3A_880] : memref<26x64xi32, #tpu.memory_space<vmem>> -> memref<1x64xi32, #tpu.memory_space<vmem>>
      %dma_wait3A_882 = tpu.memref_squeeze %dma_wait3A_881 : memref<1x64xi32, #tpu.memory_space<vmem>> -> memref<64xi32, #tpu.memory_space<vmem>>
      %dma_wait3A_883 = arith.constant 0 : i32
      %dma_wait3A_884 = arith.constant 0 : i32
      %dma_wait3A_885 = tpu.memref_slice %arg17[%dma_wait3A_883, %dma_wait3A_884] : memref<100001x32xf32, #tpu.memory_space<hbm>> -> memref<100001x32xf32, #tpu.memory_space<hbm>>
      tpu.wait_indirect_dma semaphore(%arg34 : memref<!tpu.dma_semaphore, #tpu.memory_space<semaphore_mem>>) src(%dma_wait3A_885 : memref<100001x32xf32, #tpu.memory_space<hbm>>) dst(%dma_wait3A_879 : memref<64x32xf32, #tpu.memory_space<vmem>>)
      %dma_wait3A_886 = arith.constant 15 : i32
      %dma_wait3A_887 = arith.constant 960 : i32
      %dma_wait3A_888 = arith.constant 0 : i32
      %dma_wait3A_889 = tpu.memref_slice %arg32[%dma_wait3A_887, %dma_wait3A_888] : memref<1664x32xf32, #tpu.memory_space<vmem>> -> memref<64x32xf32, #tpu.memory_space<vmem>>
      %dma_wait3A_890 = arith.constant 0 : i32
      %dma_wait3A_891 = tpu.memref_slice %arg31[%dma_wait3A_886, %dma_wait3A_890] : memref<26x64xi32, #tpu.memory_space<vmem>> -> memref<1x64xi32, #tpu.memory_space<vmem>>
      %dma_wait3A_892 = tpu.memref_squeeze %dma_wait3A_891 : memref<1x64xi32, #tpu.memory_space<vmem>> -> memref<64xi32, #tpu.memory_space<vmem>>
      %dma_wait3A_893 = arith.constant 0 : i32
      %dma_wait3A_894 = arith.constant 0 : i32
      %dma_wait3A_895 = tpu.memref_slice %arg18[%dma_wait3A_893, %dma_wait3A_894] : memref<100001x32xf32, #tpu.memory_space<hbm>> -> memref<100001x32xf32, #tpu.memory_space<hbm>>
      tpu.wait_indirect_dma semaphore(%arg34 : memref<!tpu.dma_semaphore, #tpu.memory_space<semaphore_mem>>) src(%dma_wait3A_895 : memref<100001x32xf32, #tpu.memory_space<hbm>>) dst(%dma_wait3A_889 : memref<64x32xf32, #tpu.memory_space<vmem>>)
      %dma_wait3A_896 = arith.constant 16 : i32
      %dma_wait3A_897 = arith.constant 1024 : i32
      %dma_wait3A_898 = arith.constant 0 : i32
      %dma_wait3A_899 = tpu.memref_slice %arg32[%dma_wait3A_897, %dma_wait3A_898] : memref<1664x32xf32, #tpu.memory_space<vmem>> -> memref<64x32xf32, #tpu.memory_space<vmem>>
      %dma_wait3A_900 = arith.constant 0 : i32
      %dma_wait3A_901 = tpu.memref_slice %arg31[%dma_wait3A_896, %dma_wait3A_900] : memref<26x64xi32, #tpu.memory_space<vmem>> -> memref<1x64xi32, #tpu.memory_space<vmem>>
      %dma_wait3A_902 = tpu.memref_squeeze %dma_wait3A_901 : memref<1x64xi32, #tpu.memory_space<vmem>> -> memref<64xi32, #tpu.memory_space<vmem>>
      %dma_wait3A_903 = arith.constant 0 : i32
      %dma_wait3A_904 = arith.constant 0 : i32
      %dma_wait3A_905 = tpu.memref_slice %arg19[%dma_wait3A_903, %dma_wait3A_904] : memref<100001x32xf32, #tpu.memory_space<hbm>> -> memref<100001x32xf32, #tpu.memory_space<hbm>>
      tpu.wait_indirect_dma semaphore(%arg34 : memref<!tpu.dma_semaphore, #tpu.memory_space<semaphore_mem>>) src(%dma_wait3A_905 : memref<100001x32xf32, #tpu.memory_space<hbm>>) dst(%dma_wait3A_899 : memref<64x32xf32, #tpu.memory_space<vmem>>)
      %dma_wait3A_906 = arith.constant 17 : i32
      %dma_wait3A_907 = arith.constant 1088 : i32
      %dma_wait3A_908 = arith.constant 0 : i32
      %dma_wait3A_909 = tpu.memref_slice %arg32[%dma_wait3A_907, %dma_wait3A_908] : memref<1664x32xf32, #tpu.memory_space<vmem>> -> memref<64x32xf32, #tpu.memory_space<vmem>>
      %dma_wait3A_910 = arith.constant 0 : i32
      %dma_wait3A_911 = tpu.memref_slice %arg31[%dma_wait3A_906, %dma_wait3A_910] : memref<26x64xi32, #tpu.memory_space<vmem>> -> memref<1x64xi32, #tpu.memory_space<vmem>>
      %dma_wait3A_912 = tpu.memref_squeeze %dma_wait3A_911 : memref<1x64xi32, #tpu.memory_space<vmem>> -> memref<64xi32, #tpu.memory_space<vmem>>
      %dma_wait3A_913 = arith.constant 0 : i32
      %dma_wait3A_914 = arith.constant 0 : i32
      %dma_wait3A_915 = tpu.memref_slice %arg20[%dma_wait3A_913, %dma_wait3A_914] : memref<100001x32xf32, #tpu.memory_space<hbm>> -> memref<100001x32xf32, #tpu.memory_space<hbm>>
      tpu.wait_indirect_dma semaphore(%arg34 : memref<!tpu.dma_semaphore, #tpu.memory_space<semaphore_mem>>) src(%dma_wait3A_915 : memref<100001x32xf32, #tpu.memory_space<hbm>>) dst(%dma_wait3A_909 : memref<64x32xf32, #tpu.memory_space<vmem>>)
      %dma_wait3A_916 = arith.constant 18 : i32
      %dma_wait3A_917 = arith.constant 1152 : i32
      %dma_wait3A_918 = arith.constant 0 : i32
      %dma_wait3A_919 = tpu.memref_slice %arg32[%dma_wait3A_917, %dma_wait3A_918] : memref<1664x32xf32, #tpu.memory_space<vmem>> -> memref<64x32xf32, #tpu.memory_space<vmem>>
      %dma_wait3A_920 = arith.constant 0 : i32
      %dma_wait3A_921 = tpu.memref_slice %arg31[%dma_wait3A_916, %dma_wait3A_920] : memref<26x64xi32, #tpu.memory_space<vmem>> -> memref<1x64xi32, #tpu.memory_space<vmem>>
      %dma_wait3A_922 = tpu.memref_squeeze %dma_wait3A_921 : memref<1x64xi32, #tpu.memory_space<vmem>> -> memref<64xi32, #tpu.memory_space<vmem>>
      %dma_wait3A_923 = arith.constant 0 : i32
      %dma_wait3A_924 = arith.constant 0 : i32
      %dma_wait3A_925 = tpu.memref_slice %arg21[%dma_wait3A_923, %dma_wait3A_924] : memref<100001x32xf32, #tpu.memory_space<hbm>> -> memref<100001x32xf32, #tpu.memory_space<hbm>>
      tpu.wait_indirect_dma semaphore(%arg34 : memref<!tpu.dma_semaphore, #tpu.memory_space<semaphore_mem>>) src(%dma_wait3A_925 : memref<100001x32xf32, #tpu.memory_space<hbm>>) dst(%dma_wait3A_919 : memref<64x32xf32, #tpu.memory_space<vmem>>)
      %dma_wait3A_926 = arith.constant 19 : i32
      %dma_wait3A_927 = arith.constant 1216 : i32
      %dma_wait3A_928 = arith.constant 0 : i32
      %dma_wait3A_929 = tpu.memref_slice %arg32[%dma_wait3A_927, %dma_wait3A_928] : memref<1664x32xf32, #tpu.memory_space<vmem>> -> memref<64x32xf32, #tpu.memory_space<vmem>>
      %dma_wait3A_930 = arith.constant 0 : i32
      %dma_wait3A_931 = tpu.memref_slice %arg31[%dma_wait3A_926, %dma_wait3A_930] : memref<26x64xi32, #tpu.memory_space<vmem>> -> memref<1x64xi32, #tpu.memory_space<vmem>>
      %dma_wait3A_932 = tpu.memref_squeeze %dma_wait3A_931 : memref<1x64xi32, #tpu.memory_space<vmem>> -> memref<64xi32, #tpu.memory_space<vmem>>
      %dma_wait3A_933 = arith.constant 0 : i32
      %dma_wait3A_934 = arith.constant 0 : i32
      %dma_wait3A_935 = tpu.memref_slice %arg22[%dma_wait3A_933, %dma_wait3A_934] : memref<100001x32xf32, #tpu.memory_space<hbm>> -> memref<100001x32xf32, #tpu.memory_space<hbm>>
      tpu.wait_indirect_dma semaphore(%arg34 : memref<!tpu.dma_semaphore, #tpu.memory_space<semaphore_mem>>) src(%dma_wait3A_935 : memref<100001x32xf32, #tpu.memory_space<hbm>>) dst(%dma_wait3A_929 : memref<64x32xf32, #tpu.memory_space<vmem>>)
      %dma_wait3A_936 = arith.constant 20 : i32
      %dma_wait3A_937 = arith.constant 1280 : i32
      %dma_wait3A_938 = arith.constant 0 : i32
      %dma_wait3A_939 = tpu.memref_slice %arg32[%dma_wait3A_937, %dma_wait3A_938] : memref<1664x32xf32, #tpu.memory_space<vmem>> -> memref<64x32xf32, #tpu.memory_space<vmem>>
      %dma_wait3A_940 = arith.constant 0 : i32
      %dma_wait3A_941 = tpu.memref_slice %arg31[%dma_wait3A_936, %dma_wait3A_940] : memref<26x64xi32, #tpu.memory_space<vmem>> -> memref<1x64xi32, #tpu.memory_space<vmem>>
      %dma_wait3A_942 = tpu.memref_squeeze %dma_wait3A_941 : memref<1x64xi32, #tpu.memory_space<vmem>> -> memref<64xi32, #tpu.memory_space<vmem>>
      %dma_wait3A_943 = arith.constant 0 : i32
      %dma_wait3A_944 = arith.constant 0 : i32
      %dma_wait3A_945 = tpu.memref_slice %arg23[%dma_wait3A_943, %dma_wait3A_944] : memref<100001x32xf32, #tpu.memory_space<hbm>> -> memref<100001x32xf32, #tpu.memory_space<hbm>>
      tpu.wait_indirect_dma semaphore(%arg34 : memref<!tpu.dma_semaphore, #tpu.memory_space<semaphore_mem>>) src(%dma_wait3A_945 : memref<100001x32xf32, #tpu.memory_space<hbm>>) dst(%dma_wait3A_939 : memref<64x32xf32, #tpu.memory_space<vmem>>)
      %dma_wait3A_946 = arith.constant 21 : i32
      %dma_wait3A_947 = arith.constant 1344 : i32
      %dma_wait3A_948 = arith.constant 0 : i32
      %dma_wait3A_949 = tpu.memref_slice %arg32[%dma_wait3A_947, %dma_wait3A_948] : memref<1664x32xf32, #tpu.memory_space<vmem>> -> memref<64x32xf32, #tpu.memory_space<vmem>>
      %dma_wait3A_950 = arith.constant 0 : i32
      %dma_wait3A_951 = tpu.memref_slice %arg31[%dma_wait3A_946, %dma_wait3A_950] : memref<26x64xi32, #tpu.memory_space<vmem>> -> memref<1x64xi32, #tpu.memory_space<vmem>>
      %dma_wait3A_952 = tpu.memref_squeeze %dma_wait3A_951 : memref<1x64xi32, #tpu.memory_space<vmem>> -> memref<64xi32, #tpu.memory_space<vmem>>
      %dma_wait3A_953 = arith.constant 0 : i32
      %dma_wait3A_954 = arith.constant 0 : i32
      %dma_wait3A_955 = tpu.memref_slice %arg24[%dma_wait3A_953, %dma_wait3A_954] : memref<100001x32xf32, #tpu.memory_space<hbm>> -> memref<100001x32xf32, #tpu.memory_space<hbm>>
      tpu.wait_indirect_dma semaphore(%arg34 : memref<!tpu.dma_semaphore, #tpu.memory_space<semaphore_mem>>) src(%dma_wait3A_955 : memref<100001x32xf32, #tpu.memory_space<hbm>>) dst(%dma_wait3A_949 : memref<64x32xf32, #tpu.memory_space<vmem>>)
      %dma_wait3A_956 = arith.constant 22 : i32
      %dma_wait3A_957 = arith.constant 1408 : i32
      %dma_wait3A_958 = arith.constant 0 : i32
      %dma_wait3A_959 = tpu.memref_slice %arg32[%dma_wait3A_957, %dma_wait3A_958] : memref<1664x32xf32, #tpu.memory_space<vmem>> -> memref<64x32xf32, #tpu.memory_space<vmem>>
      %dma_wait3A_960 = arith.constant 0 : i32
      %dma_wait3A_961 = tpu.memref_slice %arg31[%dma_wait3A_956, %dma_wait3A_960] : memref<26x64xi32, #tpu.memory_space<vmem>> -> memref<1x64xi32, #tpu.memory_space<vmem>>
      %dma_wait3A_962 = tpu.memref_squeeze %dma_wait3A_961 : memref<1x64xi32, #tpu.memory_space<vmem>> -> memref<64xi32, #tpu.memory_space<vmem>>
      %dma_wait3A_963 = arith.constant 0 : i32
      %dma_wait3A_964 = arith.constant 0 : i32
      %dma_wait3A_965 = tpu.memref_slice %arg25[%dma_wait3A_963, %dma_wait3A_964] : memref<100001x32xf32, #tpu.memory_space<hbm>> -> memref<100001x32xf32, #tpu.memory_space<hbm>>
      tpu.wait_indirect_dma semaphore(%arg34 : memref<!tpu.dma_semaphore, #tpu.memory_space<semaphore_mem>>) src(%dma_wait3A_965 : memref<100001x32xf32, #tpu.memory_space<hbm>>) dst(%dma_wait3A_959 : memref<64x32xf32, #tpu.memory_space<vmem>>)
      %dma_wait3A_966 = arith.constant 23 : i32
      %dma_wait3A_967 = arith.constant 1472 : i32
      %dma_wait3A_968 = arith.constant 0 : i32
      %dma_wait3A_969 = tpu.memref_slice %arg32[%dma_wait3A_967, %dma_wait3A_968] : memref<1664x32xf32, #tpu.memory_space<vmem>> -> memref<64x32xf32, #tpu.memory_space<vmem>>
      %dma_wait3A_970 = arith.constant 0 : i32
      %dma_wait3A_971 = tpu.memref_slice %arg31[%dma_wait3A_966, %dma_wait3A_970] : memref<26x64xi32, #tpu.memory_space<vmem>> -> memref<1x64xi32, #tpu.memory_space<vmem>>
      %dma_wait3A_972 = tpu.memref_squeeze %dma_wait3A_971 : memref<1x64xi32, #tpu.memory_space<vmem>> -> memref<64xi32, #tpu.memory_space<vmem>>
      %dma_wait3A_973 = arith.constant 0 : i32
      %dma_wait3A_974 = arith.constant 0 : i32
      %dma_wait3A_975 = tpu.memref_slice %arg26[%dma_wait3A_973, %dma_wait3A_974] : memref<100001x32xf32, #tpu.memory_space<hbm>> -> memref<100001x32xf32, #tpu.memory_space<hbm>>
      tpu.wait_indirect_dma semaphore(%arg34 : memref<!tpu.dma_semaphore, #tpu.memory_space<semaphore_mem>>) src(%dma_wait3A_975 : memref<100001x32xf32, #tpu.memory_space<hbm>>) dst(%dma_wait3A_969 : memref<64x32xf32, #tpu.memory_space<vmem>>)
      %dma_wait3A_976 = arith.constant 24 : i32
      %dma_wait3A_977 = arith.constant 1536 : i32
      %dma_wait3A_978 = arith.constant 0 : i32
      %dma_wait3A_979 = tpu.memref_slice %arg32[%dma_wait3A_977, %dma_wait3A_978] : memref<1664x32xf32, #tpu.memory_space<vmem>> -> memref<64x32xf32, #tpu.memory_space<vmem>>
      %dma_wait3A_980 = arith.constant 0 : i32
      %dma_wait3A_981 = tpu.memref_slice %arg31[%dma_wait3A_976, %dma_wait3A_980] : memref<26x64xi32, #tpu.memory_space<vmem>> -> memref<1x64xi32, #tpu.memory_space<vmem>>
      %dma_wait3A_982 = tpu.memref_squeeze %dma_wait3A_981 : memref<1x64xi32, #tpu.memory_space<vmem>> -> memref<64xi32, #tpu.memory_space<vmem>>
      %dma_wait3A_983 = arith.constant 0 : i32
      %dma_wait3A_984 = arith.constant 0 : i32
      %dma_wait3A_985 = tpu.memref_slice %arg27[%dma_wait3A_983, %dma_wait3A_984] : memref<100001x32xf32, #tpu.memory_space<hbm>> -> memref<100001x32xf32, #tpu.memory_space<hbm>>
      tpu.wait_indirect_dma semaphore(%arg34 : memref<!tpu.dma_semaphore, #tpu.memory_space<semaphore_mem>>) src(%dma_wait3A_985 : memref<100001x32xf32, #tpu.memory_space<hbm>>) dst(%dma_wait3A_979 : memref<64x32xf32, #tpu.memory_space<vmem>>)
      %dma_wait3A_986 = arith.constant 25 : i32
      %dma_wait3A_987 = arith.constant 1600 : i32
      %dma_wait3A_988 = arith.constant 0 : i32
      %dma_wait3A_989 = tpu.memref_slice %arg32[%dma_wait3A_987, %dma_wait3A_988] : memref<1664x32xf32, #tpu.memory_space<vmem>> -> memref<64x32xf32, #tpu.memory_space<vmem>>
      %dma_wait3A_990 = arith.constant 0 : i32
      %dma_wait3A_991 = tpu.memref_slice %arg31[%dma_wait3A_986, %dma_wait3A_990] : memref<26x64xi32, #tpu.memory_space<vmem>> -> memref<1x64xi32, #tpu.memory_space<vmem>>
      %dma_wait3A_992 = tpu.memref_squeeze %dma_wait3A_991 : memref<1x64xi32, #tpu.memory_space<vmem>> -> memref<64xi32, #tpu.memory_space<vmem>>
      %dma_wait3A_993 = arith.constant 0 : i32
      %dma_wait3A_994 = arith.constant 0 : i32
      %dma_wait3A_995 = tpu.memref_slice %arg28[%dma_wait3A_993, %dma_wait3A_994] : memref<100001x32xf32, #tpu.memory_space<hbm>> -> memref<100001x32xf32, #tpu.memory_space<hbm>>
      tpu.wait_indirect_dma semaphore(%arg34 : memref<!tpu.dma_semaphore, #tpu.memory_space<semaphore_mem>>) src(%dma_wait3A_995 : memref<100001x32xf32, #tpu.memory_space<hbm>>) dst(%dma_wait3A_989 : memref<64x32xf32, #tpu.memory_space<vmem>>)
      %scan3A_996 = arith.constant 0 : i32
      %scan3A_997 = arith.constant 0 : i32
      %scan3A_998 = arith.constant 64 : i32
      %scan3A_999 = arith.addi %scan3A_997, %scan3A_998 : i32
      %scan3A_1000 = arith.constant 1 : i32
      scf.for %scan3A_1004 = %scan3A_997 to %scan3A_999 step %scan3A_1000  : i32 {
        %add3A_1005 = arith.constant 0 : i32
        %add3A_1006 = arith.addi %add3A_1005, %scan3A_1004 : i32
        %broadcast_in_dim3A_1007 = vector.broadcast %add3A_1006 : i32 to vector<16xi32>
        %mul3A_1008 = arith.constant 26 : i32
        %mul3A_1009 = arith.muli %scan3A_1004, %mul3A_1008 : i32
        %add3A_1010 = arith.constant 0 : i32
        %add3A_1011 = arith.addi %mul3A_1009, %add3A_1010 : i32
        %broadcast_in_dim3A_1012 = vector.broadcast %add3A_1011 : i32 to vector<16xi32>
        %gather3A_1013 = tpu.vector_load_idx %arg32[%broadcast_in_dim3A_1007, %iota3A] : memref<1664x32xf32, #tpu.memory_space<vmem>>[vector<16xi32>, vector<16xi32>], vector<16xf32>,
        %add3A_1014 = arith.constant 16 : i32
        %add3A_1015 = vector.broadcast %add3A_1014 : i32 to vector<16xi32>
        %add3A_1016 = arith.addi %iota3A, %add3A_1015 : vector<16xi32>
        %gather3A_1017 = tpu.vector_load_idx %arg32[%broadcast_in_dim3A_1007, %add3A_1016] : memref<1664x32xf32, #tpu.memory_space<vmem>>[vector<16xi32>, vector<16xi32>], vector<16xf32>,
        tpu.vector_store_idx %arg33[%broadcast_in_dim3A_1012, %iota3A], %gather3A_1013 : memref<1664x32xf32, #tpu.memory_space<vmem>>[vector<16xi32>, vector<16xi32>], vector<16xf32>,
        %add3A_1018 = arith.constant 16 : i32
        %add3A_1019 = vector.broadcast %add3A_1018 : i32 to vector<16xi32>
        %add3A_1020 = arith.addi %iota3A, %add3A_1019 : vector<16xi32>
        tpu.vector_store_idx %arg33[%broadcast_in_dim3A_1012, %add3A_1020], %gather3A_1017 : memref<1664x32xf32, #tpu.memory_space<vmem>>[vector<16xi32>, vector<16xi32>], vector<16xf32>,
        %add3A_1021 = arith.constant 64 : i32
        %add3A_1022 = arith.addi %add3A_1021, %scan3A_1004 : i32
        %broadcast_in_dim3A_1023 = vector.broadcast %add3A_1022 : i32 to vector<16xi32>
        %mul3A_1024 = arith.constant 26 : i32
        %mul3A_1025 = arith.muli %scan3A_1004, %mul3A_1024 : i32
        %add3A_1026 = arith.constant 1 : i32
        %add3A_1027 = arith.addi %mul3A_1025, %add3A_1026 : i32
        %broadcast_in_dim3A_1028 = vector.broadcast %add3A_1027 : i32 to vector<16xi32>
        %gather3A_1029 = tpu.vector_load_idx %arg32[%broadcast_in_dim3A_1023, %iota3A] : memref<1664x32xf32, #tpu.memory_space<vmem>>[vector<16xi32>, vector<16xi32>], vector<16xf32>,
        %add3A_1030 = arith.constant 16 : i32
        %add3A_1031 = vector.broadcast %add3A_1030 : i32 to vector<16xi32>
        %add3A_1032 = arith.addi %iota3A, %add3A_1031 : vector<16xi32>
        %gather3A_1033 = tpu.vector_load_idx %arg32[%broadcast_in_dim3A_1023, %add3A_1032] : memref<1664x32xf32, #tpu.memory_space<vmem>>[vector<16xi32>, vector<16xi32>], vector<16xf32>,
        tpu.vector_store_idx %arg33[%broadcast_in_dim3A_1028, %iota3A], %gather3A_1029 : memref<1664x32xf32, #tpu.memory_space<vmem>>[vector<16xi32>, vector<16xi32>], vector<16xf32>,
        %add3A_1034 = arith.constant 16 : i32
        %add3A_1035 = vector.broadcast %add3A_1034 : i32 to vector<16xi32>
        %add3A_1036 = arith.addi %iota3A, %add3A_1035 : vector<16xi32>
        tpu.vector_store_idx %arg33[%broadcast_in_dim3A_1028, %add3A_1036], %gather3A_1033 : memref<1664x32xf32, #tpu.memory_space<vmem>>[vector<16xi32>, vector<16xi32>], vector<16xf32>,
        %add3A_1037 = arith.constant 128 : i32
        %add3A_1038 = arith.addi %add3A_1037, %scan3A_1004 : i32
        %broadcast_in_dim3A_1039 = vector.broadcast %add3A_1038 : i32 to vector<16xi32>
        %mul3A_1040 = arith.constant 26 : i32
        %mul3A_1041 = arith.muli %scan3A_1004, %mul3A_1040 : i32
        %add3A_1042 = arith.constant 2 : i32
        %add3A_1043 = arith.addi %mul3A_1041, %add3A_1042 : i32
        %broadcast_in_dim3A_1044 = vector.broadcast %add3A_1043 : i32 to vector<16xi32>
        %gather3A_1045 = tpu.vector_load_idx %arg32[%broadcast_in_dim3A_1039, %iota3A] : memref<1664x32xf32, #tpu.memory_space<vmem>>[vector<16xi32>, vector<16xi32>], vector<16xf32>,
        %add3A_1046 = arith.constant 16 : i32
        %add3A_1047 = vector.broadcast %add3A_1046 : i32 to vector<16xi32>
        %add3A_1048 = arith.addi %iota3A, %add3A_1047 : vector<16xi32>
        %gather3A_1049 = tpu.vector_load_idx %arg32[%broadcast_in_dim3A_1039, %add3A_1048] : memref<1664x32xf32, #tpu.memory_space<vmem>>[vector<16xi32>, vector<16xi32>], vector<16xf32>,
        tpu.vector_store_idx %arg33[%broadcast_in_dim3A_1044, %iota3A], %gather3A_1045 : memref<1664x32xf32, #tpu.memory_space<vmem>>[vector<16xi32>, vector<16xi32>], vector<16xf32>,
        %add3A_1050 = arith.constant 16 : i32
        %add3A_1051 = vector.broadcast %add3A_1050 : i32 to vector<16xi32>
        %add3A_1052 = arith.addi %iota3A, %add3A_1051 : vector<16xi32>
        tpu.vector_store_idx %arg33[%broadcast_in_dim3A_1044, %add3A_1052], %gather3A_1049 : memref<1664x32xf32, #tpu.memory_space<vmem>>[vector<16xi32>, vector<16xi32>], vector<16xf32>,
        %add3A_1053 = arith.constant 192 : i32
        %add3A_1054 = arith.addi %add3A_1053, %scan3A_1004 : i32
        %broadcast_in_dim3A_1055 = vector.broadcast %add3A_1054 : i32 to vector<16xi32>
        %mul3A_1056 = arith.constant 26 : i32
        %mul3A_1057 = arith.muli %scan3A_1004, %mul3A_1056 : i32
        %add3A_1058 = arith.constant 3 : i32
        %add3A_1059 = arith.addi %mul3A_1057, %add3A_1058 : i32
        %broadcast_in_dim3A_1060 = vector.broadcast %add3A_1059 : i32 to vector<16xi32>
        %gather3A_1061 = tpu.vector_load_idx %arg32[%broadcast_in_dim3A_1055, %iota3A] : memref<1664x32xf32, #tpu.memory_space<vmem>>[vector<16xi32>, vector<16xi32>], vector<16xf32>,
        %add3A_1062 = arith.constant 16 : i32
        %add3A_1063 = vector.broadcast %add3A_1062 : i32 to vector<16xi32>
        %add3A_1064 = arith.addi %iota3A, %add3A_1063 : vector<16xi32>
        %gather3A_1065 = tpu.vector_load_idx %arg32[%broadcast_in_dim3A_1055, %add3A_1064] : memref<1664x32xf32, #tpu.memory_space<vmem>>[vector<16xi32>, vector<16xi32>], vector<16xf32>,
        tpu.vector_store_idx %arg33[%broadcast_in_dim3A_1060, %iota3A], %gather3A_1061 : memref<1664x32xf32, #tpu.memory_space<vmem>>[vector<16xi32>, vector<16xi32>], vector<16xf32>,
        %add3A_1066 = arith.constant 16 : i32
        %add3A_1067 = vector.broadcast %add3A_1066 : i32 to vector<16xi32>
        %add3A_1068 = arith.addi %iota3A, %add3A_1067 : vector<16xi32>
        tpu.vector_store_idx %arg33[%broadcast_in_dim3A_1060, %add3A_1068], %gather3A_1065 : memref<1664x32xf32, #tpu.memory_space<vmem>>[vector<16xi32>, vector<16xi32>], vector<16xf32>,
        %add3A_1069 = arith.constant 256 : i32
        %add3A_1070 = arith.addi %add3A_1069, %scan3A_1004 : i32
        %broadcast_in_dim3A_1071 = vector.broadcast %add3A_1070 : i32 to vector<16xi32>
        %mul3A_1072 = arith.constant 26 : i32
        %mul3A_1073 = arith.muli %scan3A_1004, %mul3A_1072 : i32
        %add3A_1074 = arith.constant 4 : i32
        %add3A_1075 = arith.addi %mul3A_1073, %add3A_1074 : i32
        %broadcast_in_dim3A_1076 = vector.broadcast %add3A_1075 : i32 to vector<16xi32>
        %gather3A_1077 = tpu.vector_load_idx %arg32[%broadcast_in_dim3A_1071, %iota3A] : memref<1664x32xf32, #tpu.memory_space<vmem>>[vector<16xi32>, vector<16xi32>], vector<16xf32>,
        %add3A_1078 = arith.constant 16 : i32
        %add3A_1079 = vector.broadcast %add3A_1078 : i32 to vector<16xi32>
        %add3A_1080 = arith.addi %iota3A, %add3A_1079 : vector<16xi32>
        %gather3A_1081 = tpu.vector_load_idx %arg32[%broadcast_in_dim3A_1071, %add3A_1080] : memref<1664x32xf32, #tpu.memory_space<vmem>>[vector<16xi32>, vector<16xi32>], vector<16xf32>,
        tpu.vector_store_idx %arg33[%broadcast_in_dim3A_1076, %iota3A], %gather3A_1077 : memref<1664x32xf32, #tpu.memory_space<vmem>>[vector<16xi32>, vector<16xi32>], vector<16xf32>,
        %add3A_1082 = arith.constant 16 : i32
        %add3A_1083 = vector.broadcast %add3A_1082 : i32 to vector<16xi32>
        %add3A_1084 = arith.addi %iota3A, %add3A_1083 : vector<16xi32>
        tpu.vector_store_idx %arg33[%broadcast_in_dim3A_1076, %add3A_1084], %gather3A_1081 : memref<1664x32xf32, #tpu.memory_space<vmem>>[vector<16xi32>, vector<16xi32>], vector<16xf32>,
        %add3A_1085 = arith.constant 320 : i32
        %add3A_1086 = arith.addi %add3A_1085, %scan3A_1004 : i32
        %broadcast_in_dim3A_1087 = vector.broadcast %add3A_1086 : i32 to vector<16xi32>
        %mul3A_1088 = arith.constant 26 : i32
        %mul3A_1089 = arith.muli %scan3A_1004, %mul3A_1088 : i32
        %add3A_1090 = arith.constant 5 : i32
        %add3A_1091 = arith.addi %mul3A_1089, %add3A_1090 : i32
        %broadcast_in_dim3A_1092 = vector.broadcast %add3A_1091 : i32 to vector<16xi32>
        %gather3A_1093 = tpu.vector_load_idx %arg32[%broadcast_in_dim3A_1087, %iota3A] : memref<1664x32xf32, #tpu.memory_space<vmem>>[vector<16xi32>, vector<16xi32>], vector<16xf32>,
        %add3A_1094 = arith.constant 16 : i32
        %add3A_1095 = vector.broadcast %add3A_1094 : i32 to vector<16xi32>
        %add3A_1096 = arith.addi %iota3A, %add3A_1095 : vector<16xi32>
        %gather3A_1097 = tpu.vector_load_idx %arg32[%broadcast_in_dim3A_1087, %add3A_1096] : memref<1664x32xf32, #tpu.memory_space<vmem>>[vector<16xi32>, vector<16xi32>], vector<16xf32>,
        tpu.vector_store_idx %arg33[%broadcast_in_dim3A_1092, %iota3A], %gather3A_1093 : memref<1664x32xf32, #tpu.memory_space<vmem>>[vector<16xi32>, vector<16xi32>], vector<16xf32>,
        %add3A_1098 = arith.constant 16 : i32
        %add3A_1099 = vector.broadcast %add3A_1098 : i32 to vector<16xi32>
        %add3A_1100 = arith.addi %iota3A, %add3A_1099 : vector<16xi32>
        tpu.vector_store_idx %arg33[%broadcast_in_dim3A_1092, %add3A_1100], %gather3A_1097 : memref<1664x32xf32, #tpu.memory_space<vmem>>[vector<16xi32>, vector<16xi32>], vector<16xf32>,
        %add3A_1101 = arith.constant 384 : i32
        %add3A_1102 = arith.addi %add3A_1101, %scan3A_1004 : i32
        %broadcast_in_dim3A_1103 = vector.broadcast %add3A_1102 : i32 to vector<16xi32>
        %mul3A_1104 = arith.constant 26 : i32
        %mul3A_1105 = arith.muli %scan3A_1004, %mul3A_1104 : i32
        %add3A_1106 = arith.constant 6 : i32
        %add3A_1107 = arith.addi %mul3A_1105, %add3A_1106 : i32
        %broadcast_in_dim3A_1108 = vector.broadcast %add3A_1107 : i32 to vector<16xi32>
        %gather3A_1109 = tpu.vector_load_idx %arg32[%broadcast_in_dim3A_1103, %iota3A] : memref<1664x32xf32, #tpu.memory_space<vmem>>[vector<16xi32>, vector<16xi32>], vector<16xf32>,
        %add3A_1110 = arith.constant 16 : i32
        %add3A_1111 = vector.broadcast %add3A_1110 : i32 to vector<16xi32>
        %add3A_1112 = arith.addi %iota3A, %add3A_1111 : vector<16xi32>
        %gather3A_1113 = tpu.vector_load_idx %arg32[%broadcast_in_dim3A_1103, %add3A_1112] : memref<1664x32xf32, #tpu.memory_space<vmem>>[vector<16xi32>, vector<16xi32>], vector<16xf32>,
        tpu.vector_store_idx %arg33[%broadcast_in_dim3A_1108, %iota3A], %gather3A_1109 : memref<1664x32xf32, #tpu.memory_space<vmem>>[vector<16xi32>, vector<16xi32>], vector<16xf32>,
        %add3A_1114 = arith.constant 16 : i32
        %add3A_1115 = vector.broadcast %add3A_1114 : i32 to vector<16xi32>
        %add3A_1116 = arith.addi %iota3A, %add3A_1115 : vector<16xi32>
        tpu.vector_store_idx %arg33[%broadcast_in_dim3A_1108, %add3A_1116], %gather3A_1113 : memref<1664x32xf32, #tpu.memory_space<vmem>>[vector<16xi32>, vector<16xi32>], vector<16xf32>,
        %add3A_1117 = arith.constant 448 : i32
        %add3A_1118 = arith.addi %add3A_1117, %scan3A_1004 : i32
        %broadcast_in_dim3A_1119 = vector.broadcast %add3A_1118 : i32 to vector<16xi32>
        %mul3A_1120 = arith.constant 26 : i32
        %mul3A_1121 = arith.muli %scan3A_1004, %mul3A_1120 : i32
        %add3A_1122 = arith.constant 7 : i32
        %add3A_1123 = arith.addi %mul3A_1121, %add3A_1122 : i32
        %broadcast_in_dim3A_1124 = vector.broadcast %add3A_1123 : i32 to vector<16xi32>
        %gather3A_1125 = tpu.vector_load_idx %arg32[%broadcast_in_dim3A_1119, %iota3A] : memref<1664x32xf32, #tpu.memory_space<vmem>>[vector<16xi32>, vector<16xi32>], vector<16xf32>,
        %add3A_1126 = arith.constant 16 : i32
        %add3A_1127 = vector.broadcast %add3A_1126 : i32 to vector<16xi32>
        %add3A_1128 = arith.addi %iota3A, %add3A_1127 : vector<16xi32>
        %gather3A_1129 = tpu.vector_load_idx %arg32[%broadcast_in_dim3A_1119, %add3A_1128] : memref<1664x32xf32, #tpu.memory_space<vmem>>[vector<16xi32>, vector<16xi32>], vector<16xf32>,
        tpu.vector_store_idx %arg33[%broadcast_in_dim3A_1124, %iota3A], %gather3A_1125 : memref<1664x32xf32, #tpu.memory_space<vmem>>[vector<16xi32>, vector<16xi32>], vector<16xf32>,
        %add3A_1130 = arith.constant 16 : i32
        %add3A_1131 = vector.broadcast %add3A_1130 : i32 to vector<16xi32>
        %add3A_1132 = arith.addi %iota3A, %add3A_1131 : vector<16xi32>
        tpu.vector_store_idx %arg33[%broadcast_in_dim3A_1124, %add3A_1132], %gather3A_1129 : memref<1664x32xf32, #tpu.memory_space<vmem>>[vector<16xi32>, vector<16xi32>], vector<16xf32>,
        %add3A_1133 = arith.constant 512 : i32
        %add3A_1134 = arith.addi %add3A_1133, %scan3A_1004 : i32
        %broadcast_in_dim3A_1135 = vector.broadcast %add3A_1134 : i32 to vector<16xi32>
        %mul3A_1136 = arith.constant 26 : i32
        %mul3A_1137 = arith.muli %scan3A_1004, %mul3A_1136 : i32
        %add3A_1138 = arith.constant 8 : i32
        %add3A_1139 = arith.addi %mul3A_1137, %add3A_1138 : i32
        %broadcast_in_dim3A_1140 = vector.broadcast %add3A_1139 : i32 to vector<16xi32>
        %gather3A_1141 = tpu.vector_load_idx %arg32[%broadcast_in_dim3A_1135, %iota3A] : memref<1664x32xf32, #tpu.memory_space<vmem>>[vector<16xi32>, vector<16xi32>], vector<16xf32>,
        %add3A_1142 = arith.constant 16 : i32
        %add3A_1143 = vector.broadcast %add3A_1142 : i32 to vector<16xi32>
        %add3A_1144 = arith.addi %iota3A, %add3A_1143 : vector<16xi32>
        %gather3A_1145 = tpu.vector_load_idx %arg32[%broadcast_in_dim3A_1135, %add3A_1144] : memref<1664x32xf32, #tpu.memory_space<vmem>>[vector<16xi32>, vector<16xi32>], vector<16xf32>,
        tpu.vector_store_idx %arg33[%broadcast_in_dim3A_1140, %iota3A], %gather3A_1141 : memref<1664x32xf32, #tpu.memory_space<vmem>>[vector<16xi32>, vector<16xi32>], vector<16xf32>,
        %add3A_1146 = arith.constant 16 : i32
        %add3A_1147 = vector.broadcast %add3A_1146 : i32 to vector<16xi32>
        %add3A_1148 = arith.addi %iota3A, %add3A_1147 : vector<16xi32>
        tpu.vector_store_idx %arg33[%broadcast_in_dim3A_1140, %add3A_1148], %gather3A_1145 : memref<1664x32xf32, #tpu.memory_space<vmem>>[vector<16xi32>, vector<16xi32>], vector<16xf32>,
        %add3A_1149 = arith.constant 576 : i32
        %add3A_1150 = arith.addi %add3A_1149, %scan3A_1004 : i32
        %broadcast_in_dim3A_1151 = vector.broadcast %add3A_1150 : i32 to vector<16xi32>
        %mul3A_1152 = arith.constant 26 : i32
        %mul3A_1153 = arith.muli %scan3A_1004, %mul3A_1152 : i32
        %add3A_1154 = arith.constant 9 : i32
        %add3A_1155 = arith.addi %mul3A_1153, %add3A_1154 : i32
        %broadcast_in_dim3A_1156 = vector.broadcast %add3A_1155 : i32 to vector<16xi32>
        %gather3A_1157 = tpu.vector_load_idx %arg32[%broadcast_in_dim3A_1151, %iota3A] : memref<1664x32xf32, #tpu.memory_space<vmem>>[vector<16xi32>, vector<16xi32>], vector<16xf32>,
        %add3A_1158 = arith.constant 16 : i32
        %add3A_1159 = vector.broadcast %add3A_1158 : i32 to vector<16xi32>
        %add3A_1160 = arith.addi %iota3A, %add3A_1159 : vector<16xi32>
        %gather3A_1161 = tpu.vector_load_idx %arg32[%broadcast_in_dim3A_1151, %add3A_1160] : memref<1664x32xf32, #tpu.memory_space<vmem>>[vector<16xi32>, vector<16xi32>], vector<16xf32>,
        tpu.vector_store_idx %arg33[%broadcast_in_dim3A_1156, %iota3A], %gather3A_1157 : memref<1664x32xf32, #tpu.memory_space<vmem>>[vector<16xi32>, vector<16xi32>], vector<16xf32>,
        %add3A_1162 = arith.constant 16 : i32
        %add3A_1163 = vector.broadcast %add3A_1162 : i32 to vector<16xi32>
        %add3A_1164 = arith.addi %iota3A, %add3A_1163 : vector<16xi32>
        tpu.vector_store_idx %arg33[%broadcast_in_dim3A_1156, %add3A_1164], %gather3A_1161 : memref<1664x32xf32, #tpu.memory_space<vmem>>[vector<16xi32>, vector<16xi32>], vector<16xf32>,
        %add3A_1165 = arith.constant 640 : i32
        %add3A_1166 = arith.addi %add3A_1165, %scan3A_1004 : i32
        %broadcast_in_dim3A_1167 = vector.broadcast %add3A_1166 : i32 to vector<16xi32>
        %mul3A_1168 = arith.constant 26 : i32
        %mul3A_1169 = arith.muli %scan3A_1004, %mul3A_1168 : i32
        %add3A_1170 = arith.constant 10 : i32
        %add3A_1171 = arith.addi %mul3A_1169, %add3A_1170 : i32
        %broadcast_in_dim3A_1172 = vector.broadcast %add3A_1171 : i32 to vector<16xi32>
        %gather3A_1173 = tpu.vector_load_idx %arg32[%broadcast_in_dim3A_1167, %iota3A] : memref<1664x32xf32, #tpu.memory_space<vmem>>[vector<16xi32>, vector<16xi32>], vector<16xf32>,
        %add3A_1174 = arith.constant 16 : i32
        %add3A_1175 = vector.broadcast %add3A_1174 : i32 to vector<16xi32>
        %add3A_1176 = arith.addi %iota3A, %add3A_1175 : vector<16xi32>
        %gather3A_1177 = tpu.vector_load_idx %arg32[%broadcast_in_dim3A_1167, %add3A_1176] : memref<1664x32xf32, #tpu.memory_space<vmem>>[vector<16xi32>, vector<16xi32>], vector<16xf32>,
        tpu.vector_store_idx %arg33[%broadcast_in_dim3A_1172, %iota3A], %gather3A_1173 : memref<1664x32xf32, #tpu.memory_space<vmem>>[vector<16xi32>, vector<16xi32>], vector<16xf32>,
        %add3A_1178 = arith.constant 16 : i32
        %add3A_1179 = vector.broadcast %add3A_1178 : i32 to vector<16xi32>
        %add3A_1180 = arith.addi %iota3A, %add3A_1179 : vector<16xi32>
        tpu.vector_store_idx %arg33[%broadcast_in_dim3A_1172, %add3A_1180], %gather3A_1177 : memref<1664x32xf32, #tpu.memory_space<vmem>>[vector<16xi32>, vector<16xi32>], vector<16xf32>,
        %add3A_1181 = arith.constant 704 : i32
        %add3A_1182 = arith.addi %add3A_1181, %scan3A_1004 : i32
        %broadcast_in_dim3A_1183 = vector.broadcast %add3A_1182 : i32 to vector<16xi32>
        %mul3A_1184 = arith.constant 26 : i32
        %mul3A_1185 = arith.muli %scan3A_1004, %mul3A_1184 : i32
        %add3A_1186 = arith.constant 11 : i32
        %add3A_1187 = arith.addi %mul3A_1185, %add3A_1186 : i32
        %broadcast_in_dim3A_1188 = vector.broadcast %add3A_1187 : i32 to vector<16xi32>
        %gather3A_1189 = tpu.vector_load_idx %arg32[%broadcast_in_dim3A_1183, %iota3A] : memref<1664x32xf32, #tpu.memory_space<vmem>>[vector<16xi32>, vector<16xi32>], vector<16xf32>,
        %add3A_1190 = arith.constant 16 : i32
        %add3A_1191 = vector.broadcast %add3A_1190 : i32 to vector<16xi32>
        %add3A_1192 = arith.addi %iota3A, %add3A_1191 : vector<16xi32>
        %gather3A_1193 = tpu.vector_load_idx %arg32[%broadcast_in_dim3A_1183, %add3A_1192] : memref<1664x32xf32, #tpu.memory_space<vmem>>[vector<16xi32>, vector<16xi32>], vector<16xf32>,
        tpu.vector_store_idx %arg33[%broadcast_in_dim3A_1188, %iota3A], %gather3A_1189 : memref<1664x32xf32, #tpu.memory_space<vmem>>[vector<16xi32>, vector<16xi32>], vector<16xf32>,
        %add3A_1194 = arith.constant 16 : i32
        %add3A_1195 = vector.broadcast %add3A_1194 : i32 to vector<16xi32>
        %add3A_1196 = arith.addi %iota3A, %add3A_1195 : vector<16xi32>
        tpu.vector_store_idx %arg33[%broadcast_in_dim3A_1188, %add3A_1196], %gather3A_1193 : memref<1664x32xf32, #tpu.memory_space<vmem>>[vector<16xi32>, vector<16xi32>], vector<16xf32>,
        %add3A_1197 = arith.constant 768 : i32
        %add3A_1198 = arith.addi %add3A_1197, %scan3A_1004 : i32
        %broadcast_in_dim3A_1199 = vector.broadcast %add3A_1198 : i32 to vector<16xi32>
        %mul3A_1200 = arith.constant 26 : i32
        %mul3A_1201 = arith.muli %scan3A_1004, %mul3A_1200 : i32
        %add3A_1202 = arith.constant 12 : i32
        %add3A_1203 = arith.addi %mul3A_1201, %add3A_1202 : i32
        %broadcast_in_dim3A_1204 = vector.broadcast %add3A_1203 : i32 to vector<16xi32>
        %gather3A_1205 = tpu.vector_load_idx %arg32[%broadcast_in_dim3A_1199, %iota3A] : memref<1664x32xf32, #tpu.memory_space<vmem>>[vector<16xi32>, vector<16xi32>], vector<16xf32>,
        %add3A_1206 = arith.constant 16 : i32
        %add3A_1207 = vector.broadcast %add3A_1206 : i32 to vector<16xi32>
        %add3A_1208 = arith.addi %iota3A, %add3A_1207 : vector<16xi32>
        %gather3A_1209 = tpu.vector_load_idx %arg32[%broadcast_in_dim3A_1199, %add3A_1208] : memref<1664x32xf32, #tpu.memory_space<vmem>>[vector<16xi32>, vector<16xi32>], vector<16xf32>,
        tpu.vector_store_idx %arg33[%broadcast_in_dim3A_1204, %iota3A], %gather3A_1205 : memref<1664x32xf32, #tpu.memory_space<vmem>>[vector<16xi32>, vector<16xi32>], vector<16xf32>,
        %add3A_1210 = arith.constant 16 : i32
        %add3A_1211 = vector.broadcast %add3A_1210 : i32 to vector<16xi32>
        %add3A_1212 = arith.addi %iota3A, %add3A_1211 : vector<16xi32>
        tpu.vector_store_idx %arg33[%broadcast_in_dim3A_1204, %add3A_1212], %gather3A_1209 : memref<1664x32xf32, #tpu.memory_space<vmem>>[vector<16xi32>, vector<16xi32>], vector<16xf32>,
        %add3A_1213 = arith.constant 832 : i32
        %add3A_1214 = arith.addi %add3A_1213, %scan3A_1004 : i32
        %broadcast_in_dim3A_1215 = vector.broadcast %add3A_1214 : i32 to vector<16xi32>
        %mul3A_1216 = arith.constant 26 : i32
        %mul3A_1217 = arith.muli %scan3A_1004, %mul3A_1216 : i32
        %add3A_1218 = arith.constant 13 : i32
        %add3A_1219 = arith.addi %mul3A_1217, %add3A_1218 : i32
        %broadcast_in_dim3A_1220 = vector.broadcast %add3A_1219 : i32 to vector<16xi32>
        %gather3A_1221 = tpu.vector_load_idx %arg32[%broadcast_in_dim3A_1215, %iota3A] : memref<1664x32xf32, #tpu.memory_space<vmem>>[vector<16xi32>, vector<16xi32>], vector<16xf32>,
        %add3A_1222 = arith.constant 16 : i32
        %add3A_1223 = vector.broadcast %add3A_1222 : i32 to vector<16xi32>
        %add3A_1224 = arith.addi %iota3A, %add3A_1223 : vector<16xi32>
        %gather3A_1225 = tpu.vector_load_idx %arg32[%broadcast_in_dim3A_1215, %add3A_1224] : memref<1664x32xf32, #tpu.memory_space<vmem>>[vector<16xi32>, vector<16xi32>], vector<16xf32>,
        tpu.vector_store_idx %arg33[%broadcast_in_dim3A_1220, %iota3A], %gather3A_1221 : memref<1664x32xf32, #tpu.memory_space<vmem>>[vector<16xi32>, vector<16xi32>], vector<16xf32>,
        %add3A_1226 = arith.constant 16 : i32
        %add3A_1227 = vector.broadcast %add3A_1226 : i32 to vector<16xi32>
        %add3A_1228 = arith.addi %iota3A, %add3A_1227 : vector<16xi32>
        tpu.vector_store_idx %arg33[%broadcast_in_dim3A_1220, %add3A_1228], %gather3A_1225 : memref<1664x32xf32, #tpu.memory_space<vmem>>[vector<16xi32>, vector<16xi32>], vector<16xf32>,
        %add3A_1229 = arith.constant 896 : i32
        %add3A_1230 = arith.addi %add3A_1229, %scan3A_1004 : i32
        %broadcast_in_dim3A_1231 = vector.broadcast %add3A_1230 : i32 to vector<16xi32>
        %mul3A_1232 = arith.constant 26 : i32
        %mul3A_1233 = arith.muli %scan3A_1004, %mul3A_1232 : i32
        %add3A_1234 = arith.constant 14 : i32
        %add3A_1235 = arith.addi %mul3A_1233, %add3A_1234 : i32
        %broadcast_in_dim3A_1236 = vector.broadcast %add3A_1235 : i32 to vector<16xi32>
        %gather3A_1237 = tpu.vector_load_idx %arg32[%broadcast_in_dim3A_1231, %iota3A] : memref<1664x32xf32, #tpu.memory_space<vmem>>[vector<16xi32>, vector<16xi32>], vector<16xf32>,
        %add3A_1238 = arith.constant 16 : i32
        %add3A_1239 = vector.broadcast %add3A_1238 : i32 to vector<16xi32>
        %add3A_1240 = arith.addi %iota3A, %add3A_1239 : vector<16xi32>
        %gather3A_1241 = tpu.vector_load_idx %arg32[%broadcast_in_dim3A_1231, %add3A_1240] : memref<1664x32xf32, #tpu.memory_space<vmem>>[vector<16xi32>, vector<16xi32>], vector<16xf32>,
        tpu.vector_store_idx %arg33[%broadcast_in_dim3A_1236, %iota3A], %gather3A_1237 : memref<1664x32xf32, #tpu.memory_space<vmem>>[vector<16xi32>, vector<16xi32>], vector<16xf32>,
        %add3A_1242 = arith.constant 16 : i32
        %add3A_1243 = vector.broadcast %add3A_1242 : i32 to vector<16xi32>
        %add3A_1244 = arith.addi %iota3A, %add3A_1243 : vector<16xi32>
        tpu.vector_store_idx %arg33[%broadcast_in_dim3A_1236, %add3A_1244], %gather3A_1241 : memref<1664x32xf32, #tpu.memory_space<vmem>>[vector<16xi32>, vector<16xi32>], vector<16xf32>,
        %add3A_1245 = arith.constant 960 : i32
        %add3A_1246 = arith.addi %add3A_1245, %scan3A_1004 : i32
        %broadcast_in_dim3A_1247 = vector.broadcast %add3A_1246 : i32 to vector<16xi32>
        %mul3A_1248 = arith.constant 26 : i32
        %mul3A_1249 = arith.muli %scan3A_1004, %mul3A_1248 : i32
        %add3A_1250 = arith.constant 15 : i32
        %add3A_1251 = arith.addi %mul3A_1249, %add3A_1250 : i32
        %broadcast_in_dim3A_1252 = vector.broadcast %add3A_1251 : i32 to vector<16xi32>
        %gather3A_1253 = tpu.vector_load_idx %arg32[%broadcast_in_dim3A_1247, %iota3A] : memref<1664x32xf32, #tpu.memory_space<vmem>>[vector<16xi32>, vector<16xi32>], vector<16xf32>,
        %add3A_1254 = arith.constant 16 : i32
        %add3A_1255 = vector.broadcast %add3A_1254 : i32 to vector<16xi32>
        %add3A_1256 = arith.addi %iota3A, %add3A_1255 : vector<16xi32>
        %gather3A_1257 = tpu.vector_load_idx %arg32[%broadcast_in_dim3A_1247, %add3A_1256] : memref<1664x32xf32, #tpu.memory_space<vmem>>[vector<16xi32>, vector<16xi32>], vector<16xf32>,
        tpu.vector_store_idx %arg33[%broadcast_in_dim3A_1252, %iota3A], %gather3A_1253 : memref<1664x32xf32, #tpu.memory_space<vmem>>[vector<16xi32>, vector<16xi32>], vector<16xf32>,
        %add3A_1258 = arith.constant 16 : i32
        %add3A_1259 = vector.broadcast %add3A_1258 : i32 to vector<16xi32>
        %add3A_1260 = arith.addi %iota3A, %add3A_1259 : vector<16xi32>
        tpu.vector_store_idx %arg33[%broadcast_in_dim3A_1252, %add3A_1260], %gather3A_1257 : memref<1664x32xf32, #tpu.memory_space<vmem>>[vector<16xi32>, vector<16xi32>], vector<16xf32>,
        %add3A_1261 = arith.constant 1024 : i32
        %add3A_1262 = arith.addi %add3A_1261, %scan3A_1004 : i32
        %broadcast_in_dim3A_1263 = vector.broadcast %add3A_1262 : i32 to vector<16xi32>
        %mul3A_1264 = arith.constant 26 : i32
        %mul3A_1265 = arith.muli %scan3A_1004, %mul3A_1264 : i32
        %add3A_1266 = arith.constant 16 : i32
        %add3A_1267 = arith.addi %mul3A_1265, %add3A_1266 : i32
        %broadcast_in_dim3A_1268 = vector.broadcast %add3A_1267 : i32 to vector<16xi32>
        %gather3A_1269 = tpu.vector_load_idx %arg32[%broadcast_in_dim3A_1263, %iota3A] : memref<1664x32xf32, #tpu.memory_space<vmem>>[vector<16xi32>, vector<16xi32>], vector<16xf32>,
        %add3A_1270 = arith.constant 16 : i32
        %add3A_1271 = vector.broadcast %add3A_1270 : i32 to vector<16xi32>
        %add3A_1272 = arith.addi %iota3A, %add3A_1271 : vector<16xi32>
        %gather3A_1273 = tpu.vector_load_idx %arg32[%broadcast_in_dim3A_1263, %add3A_1272] : memref<1664x32xf32, #tpu.memory_space<vmem>>[vector<16xi32>, vector<16xi32>], vector<16xf32>,
        tpu.vector_store_idx %arg33[%broadcast_in_dim3A_1268, %iota3A], %gather3A_1269 : memref<1664x32xf32, #tpu.memory_space<vmem>>[vector<16xi32>, vector<16xi32>], vector<16xf32>,
        %add3A_1274 = arith.constant 16 : i32
        %add3A_1275 = vector.broadcast %add3A_1274 : i32 to vector<16xi32>
        %add3A_1276 = arith.addi %iota3A, %add3A_1275 : vector<16xi32>
        tpu.vector_store_idx %arg33[%broadcast_in_dim3A_1268, %add3A_1276], %gather3A_1273 : memref<1664x32xf32, #tpu.memory_space<vmem>>[vector<16xi32>, vector<16xi32>], vector<16xf32>,
        %add3A_1277 = arith.constant 1088 : i32
        %add3A_1278 = arith.addi %add3A_1277, %scan3A_1004 : i32
        %broadcast_in_dim3A_1279 = vector.broadcast %add3A_1278 : i32 to vector<16xi32>
        %mul3A_1280 = arith.constant 26 : i32
        %mul3A_1281 = arith.muli %scan3A_1004, %mul3A_1280 : i32
        %add3A_1282 = arith.constant 17 : i32
        %add3A_1283 = arith.addi %mul3A_1281, %add3A_1282 : i32
        %broadcast_in_dim3A_1284 = vector.broadcast %add3A_1283 : i32 to vector<16xi32>
        %gather3A_1285 = tpu.vector_load_idx %arg32[%broadcast_in_dim3A_1279, %iota3A] : memref<1664x32xf32, #tpu.memory_space<vmem>>[vector<16xi32>, vector<16xi32>], vector<16xf32>,
        %add3A_1286 = arith.constant 16 : i32
        %add3A_1287 = vector.broadcast %add3A_1286 : i32 to vector<16xi32>
        %add3A_1288 = arith.addi %iota3A, %add3A_1287 : vector<16xi32>
        %gather3A_1289 = tpu.vector_load_idx %arg32[%broadcast_in_dim3A_1279, %add3A_1288] : memref<1664x32xf32, #tpu.memory_space<vmem>>[vector<16xi32>, vector<16xi32>], vector<16xf32>,
        tpu.vector_store_idx %arg33[%broadcast_in_dim3A_1284, %iota3A], %gather3A_1285 : memref<1664x32xf32, #tpu.memory_space<vmem>>[vector<16xi32>, vector<16xi32>], vector<16xf32>,
        %add3A_1290 = arith.constant 16 : i32
        %add3A_1291 = vector.broadcast %add3A_1290 : i32 to vector<16xi32>
        %add3A_1292 = arith.addi %iota3A, %add3A_1291 : vector<16xi32>
        tpu.vector_store_idx %arg33[%broadcast_in_dim3A_1284, %add3A_1292], %gather3A_1289 : memref<1664x32xf32, #tpu.memory_space<vmem>>[vector<16xi32>, vector<16xi32>], vector<16xf32>,
        %add3A_1293 = arith.constant 1152 : i32
        %add3A_1294 = arith.addi %add3A_1293, %scan3A_1004 : i32
        %broadcast_in_dim3A_1295 = vector.broadcast %add3A_1294 : i32 to vector<16xi32>
        %mul3A_1296 = arith.constant 26 : i32
        %mul3A_1297 = arith.muli %scan3A_1004, %mul3A_1296 : i32
        %add3A_1298 = arith.constant 18 : i32
        %add3A_1299 = arith.addi %mul3A_1297, %add3A_1298 : i32
        %broadcast_in_dim3A_1300 = vector.broadcast %add3A_1299 : i32 to vector<16xi32>
        %gather3A_1301 = tpu.vector_load_idx %arg32[%broadcast_in_dim3A_1295, %iota3A] : memref<1664x32xf32, #tpu.memory_space<vmem>>[vector<16xi32>, vector<16xi32>], vector<16xf32>,
        %add3A_1302 = arith.constant 16 : i32
        %add3A_1303 = vector.broadcast %add3A_1302 : i32 to vector<16xi32>
        %add3A_1304 = arith.addi %iota3A, %add3A_1303 : vector<16xi32>
        %gather3A_1305 = tpu.vector_load_idx %arg32[%broadcast_in_dim3A_1295, %add3A_1304] : memref<1664x32xf32, #tpu.memory_space<vmem>>[vector<16xi32>, vector<16xi32>], vector<16xf32>,
        tpu.vector_store_idx %arg33[%broadcast_in_dim3A_1300, %iota3A], %gather3A_1301 : memref<1664x32xf32, #tpu.memory_space<vmem>>[vector<16xi32>, vector<16xi32>], vector<16xf32>,
        %add3A_1306 = arith.constant 16 : i32
        %add3A_1307 = vector.broadcast %add3A_1306 : i32 to vector<16xi32>
        %add3A_1308 = arith.addi %iota3A, %add3A_1307 : vector<16xi32>
        tpu.vector_store_idx %arg33[%broadcast_in_dim3A_1300, %add3A_1308], %gather3A_1305 : memref<1664x32xf32, #tpu.memory_space<vmem>>[vector<16xi32>, vector<16xi32>], vector<16xf32>,
        %add3A_1309 = arith.constant 1216 : i32
        %add3A_1310 = arith.addi %add3A_1309, %scan3A_1004 : i32
        %broadcast_in_dim3A_1311 = vector.broadcast %add3A_1310 : i32 to vector<16xi32>
        %mul3A_1312 = arith.constant 26 : i32
        %mul3A_1313 = arith.muli %scan3A_1004, %mul3A_1312 : i32
        %add3A_1314 = arith.constant 19 : i32
        %add3A_1315 = arith.addi %mul3A_1313, %add3A_1314 : i32
        %broadcast_in_dim3A_1316 = vector.broadcast %add3A_1315 : i32 to vector<16xi32>
        %gather3A_1317 = tpu.vector_load_idx %arg32[%broadcast_in_dim3A_1311, %iota3A] : memref<1664x32xf32, #tpu.memory_space<vmem>>[vector<16xi32>, vector<16xi32>], vector<16xf32>,
        %add3A_1318 = arith.constant 16 : i32
        %add3A_1319 = vector.broadcast %add3A_1318 : i32 to vector<16xi32>
        %add3A_1320 = arith.addi %iota3A, %add3A_1319 : vector<16xi32>
        %gather3A_1321 = tpu.vector_load_idx %arg32[%broadcast_in_dim3A_1311, %add3A_1320] : memref<1664x32xf32, #tpu.memory_space<vmem>>[vector<16xi32>, vector<16xi32>], vector<16xf32>,
        tpu.vector_store_idx %arg33[%broadcast_in_dim3A_1316, %iota3A], %gather3A_1317 : memref<1664x32xf32, #tpu.memory_space<vmem>>[vector<16xi32>, vector<16xi32>], vector<16xf32>,
        %add3A_1322 = arith.constant 16 : i32
        %add3A_1323 = vector.broadcast %add3A_1322 : i32 to vector<16xi32>
        %add3A_1324 = arith.addi %iota3A, %add3A_1323 : vector<16xi32>
        tpu.vector_store_idx %arg33[%broadcast_in_dim3A_1316, %add3A_1324], %gather3A_1321 : memref<1664x32xf32, #tpu.memory_space<vmem>>[vector<16xi32>, vector<16xi32>], vector<16xf32>,
        %add3A_1325 = arith.constant 1280 : i32
        %add3A_1326 = arith.addi %add3A_1325, %scan3A_1004 : i32
        %broadcast_in_dim3A_1327 = vector.broadcast %add3A_1326 : i32 to vector<16xi32>
        %mul3A_1328 = arith.constant 26 : i32
        %mul3A_1329 = arith.muli %scan3A_1004, %mul3A_1328 : i32
        %add3A_1330 = arith.constant 20 : i32
        %add3A_1331 = arith.addi %mul3A_1329, %add3A_1330 : i32
        %broadcast_in_dim3A_1332 = vector.broadcast %add3A_1331 : i32 to vector<16xi32>
        %gather3A_1333 = tpu.vector_load_idx %arg32[%broadcast_in_dim3A_1327, %iota3A] : memref<1664x32xf32, #tpu.memory_space<vmem>>[vector<16xi32>, vector<16xi32>], vector<16xf32>,
        %add3A_1334 = arith.constant 16 : i32
        %add3A_1335 = vector.broadcast %add3A_1334 : i32 to vector<16xi32>
        %add3A_1336 = arith.addi %iota3A, %add3A_1335 : vector<16xi32>
        %gather3A_1337 = tpu.vector_load_idx %arg32[%broadcast_in_dim3A_1327, %add3A_1336] : memref<1664x32xf32, #tpu.memory_space<vmem>>[vector<16xi32>, vector<16xi32>], vector<16xf32>,
        tpu.vector_store_idx %arg33[%broadcast_in_dim3A_1332, %iota3A], %gather3A_1333 : memref<1664x32xf32, #tpu.memory_space<vmem>>[vector<16xi32>, vector<16xi32>], vector<16xf32>,
        %add3A_1338 = arith.constant 16 : i32
        %add3A_1339 = vector.broadcast %add3A_1338 : i32 to vector<16xi32>
        %add3A_1340 = arith.addi %iota3A, %add3A_1339 : vector<16xi32>
        tpu.vector_store_idx %arg33[%broadcast_in_dim3A_1332, %add3A_1340], %gather3A_1337 : memref<1664x32xf32, #tpu.memory_space<vmem>>[vector<16xi32>, vector<16xi32>], vector<16xf32>,
        %add3A_1341 = arith.constant 1344 : i32
        %add3A_1342 = arith.addi %add3A_1341, %scan3A_1004 : i32
        %broadcast_in_dim3A_1343 = vector.broadcast %add3A_1342 : i32 to vector<16xi32>
        %mul3A_1344 = arith.constant 26 : i32
        %mul3A_1345 = arith.muli %scan3A_1004, %mul3A_1344 : i32
        %add3A_1346 = arith.constant 21 : i32
        %add3A_1347 = arith.addi %mul3A_1345, %add3A_1346 : i32
        %broadcast_in_dim3A_1348 = vector.broadcast %add3A_1347 : i32 to vector<16xi32>
        %gather3A_1349 = tpu.vector_load_idx %arg32[%broadcast_in_dim3A_1343, %iota3A] : memref<1664x32xf32, #tpu.memory_space<vmem>>[vector<16xi32>, vector<16xi32>], vector<16xf32>,
        %add3A_1350 = arith.constant 16 : i32
        %add3A_1351 = vector.broadcast %add3A_1350 : i32 to vector<16xi32>
        %add3A_1352 = arith.addi %iota3A, %add3A_1351 : vector<16xi32>
        %gather3A_1353 = tpu.vector_load_idx %arg32[%broadcast_in_dim3A_1343, %add3A_1352] : memref<1664x32xf32, #tpu.memory_space<vmem>>[vector<16xi32>, vector<16xi32>], vector<16xf32>,
        tpu.vector_store_idx %arg33[%broadcast_in_dim3A_1348, %iota3A], %gather3A_1349 : memref<1664x32xf32, #tpu.memory_space<vmem>>[vector<16xi32>, vector<16xi32>], vector<16xf32>,
        %add3A_1354 = arith.constant 16 : i32
        %add3A_1355 = vector.broadcast %add3A_1354 : i32 to vector<16xi32>
        %add3A_1356 = arith.addi %iota3A, %add3A_1355 : vector<16xi32>
        tpu.vector_store_idx %arg33[%broadcast_in_dim3A_1348, %add3A_1356], %gather3A_1353 : memref<1664x32xf32, #tpu.memory_space<vmem>>[vector<16xi32>, vector<16xi32>], vector<16xf32>,
        %add3A_1357 = arith.constant 1408 : i32
        %add3A_1358 = arith.addi %add3A_1357, %scan3A_1004 : i32
        %broadcast_in_dim3A_1359 = vector.broadcast %add3A_1358 : i32 to vector<16xi32>
        %mul3A_1360 = arith.constant 26 : i32
        %mul3A_1361 = arith.muli %scan3A_1004, %mul3A_1360 : i32
        %add3A_1362 = arith.constant 22 : i32
        %add3A_1363 = arith.addi %mul3A_1361, %add3A_1362 : i32
        %broadcast_in_dim3A_1364 = vector.broadcast %add3A_1363 : i32 to vector<16xi32>
        %gather3A_1365 = tpu.vector_load_idx %arg32[%broadcast_in_dim3A_1359, %iota3A] : memref<1664x32xf32, #tpu.memory_space<vmem>>[vector<16xi32>, vector<16xi32>], vector<16xf32>,
        %add3A_1366 = arith.constant 16 : i32
        %add3A_1367 = vector.broadcast %add3A_1366 : i32 to vector<16xi32>
        %add3A_1368 = arith.addi %iota3A, %add3A_1367 : vector<16xi32>
        %gather3A_1369 = tpu.vector_load_idx %arg32[%broadcast_in_dim3A_1359, %add3A_1368] : memref<1664x32xf32, #tpu.memory_space<vmem>>[vector<16xi32>, vector<16xi32>], vector<16xf32>,
        tpu.vector_store_idx %arg33[%broadcast_in_dim3A_1364, %iota3A], %gather3A_1365 : memref<1664x32xf32, #tpu.memory_space<vmem>>[vector<16xi32>, vector<16xi32>], vector<16xf32>,
        %add3A_1370 = arith.constant 16 : i32
        %add3A_1371 = vector.broadcast %add3A_1370 : i32 to vector<16xi32>
        %add3A_1372 = arith.addi %iota3A, %add3A_1371 : vector<16xi32>
        tpu.vector_store_idx %arg33[%broadcast_in_dim3A_1364, %add3A_1372], %gather3A_1369 : memref<1664x32xf32, #tpu.memory_space<vmem>>[vector<16xi32>, vector<16xi32>], vector<16xf32>,
        %add3A_1373 = arith.constant 1472 : i32
        %add3A_1374 = arith.addi %add3A_1373, %scan3A_1004 : i32
        %broadcast_in_dim3A_1375 = vector.broadcast %add3A_1374 : i32 to vector<16xi32>
        %mul3A_1376 = arith.constant 26 : i32
        %mul3A_1377 = arith.muli %scan3A_1004, %mul3A_1376 : i32
        %add3A_1378 = arith.constant 23 : i32
        %add3A_1379 = arith.addi %mul3A_1377, %add3A_1378 : i32
        %broadcast_in_dim3A_1380 = vector.broadcast %add3A_1379 : i32 to vector<16xi32>
        %gather3A_1381 = tpu.vector_load_idx %arg32[%broadcast_in_dim3A_1375, %iota3A] : memref<1664x32xf32, #tpu.memory_space<vmem>>[vector<16xi32>, vector<16xi32>], vector<16xf32>,
        %add3A_1382 = arith.constant 16 : i32
        %add3A_1383 = vector.broadcast %add3A_1382 : i32 to vector<16xi32>
        %add3A_1384 = arith.addi %iota3A, %add3A_1383 : vector<16xi32>
        %gather3A_1385 = tpu.vector_load_idx %arg32[%broadcast_in_dim3A_1375, %add3A_1384] : memref<1664x32xf32, #tpu.memory_space<vmem>>[vector<16xi32>, vector<16xi32>], vector<16xf32>,
        tpu.vector_store_idx %arg33[%broadcast_in_dim3A_1380, %iota3A], %gather3A_1381 : memref<1664x32xf32, #tpu.memory_space<vmem>>[vector<16xi32>, vector<16xi32>], vector<16xf32>,
        %add3A_1386 = arith.constant 16 : i32
        %add3A_1387 = vector.broadcast %add3A_1386 : i32 to vector<16xi32>
        %add3A_1388 = arith.addi %iota3A, %add3A_1387 : vector<16xi32>
        tpu.vector_store_idx %arg33[%broadcast_in_dim3A_1380, %add3A_1388], %gather3A_1385 : memref<1664x32xf32, #tpu.memory_space<vmem>>[vector<16xi32>, vector<16xi32>], vector<16xf32>,
        %add3A_1389 = arith.constant 1536 : i32
        %add3A_1390 = arith.addi %add3A_1389, %scan3A_1004 : i32
        %broadcast_in_dim3A_1391 = vector.broadcast %add3A_1390 : i32 to vector<16xi32>
        %mul3A_1392 = arith.constant 26 : i32
        %mul3A_1393 = arith.muli %scan3A_1004, %mul3A_1392 : i32
        %add3A_1394 = arith.constant 24 : i32
        %add3A_1395 = arith.addi %mul3A_1393, %add3A_1394 : i32
        %broadcast_in_dim3A_1396 = vector.broadcast %add3A_1395 : i32 to vector<16xi32>
        %gather3A_1397 = tpu.vector_load_idx %arg32[%broadcast_in_dim3A_1391, %iota3A] : memref<1664x32xf32, #tpu.memory_space<vmem>>[vector<16xi32>, vector<16xi32>], vector<16xf32>,
        %add3A_1398 = arith.constant 16 : i32
        %add3A_1399 = vector.broadcast %add3A_1398 : i32 to vector<16xi32>
        %add3A_1400 = arith.addi %iota3A, %add3A_1399 : vector<16xi32>
        %gather3A_1401 = tpu.vector_load_idx %arg32[%broadcast_in_dim3A_1391, %add3A_1400] : memref<1664x32xf32, #tpu.memory_space<vmem>>[vector<16xi32>, vector<16xi32>], vector<16xf32>,
        tpu.vector_store_idx %arg33[%broadcast_in_dim3A_1396, %iota3A], %gather3A_1397 : memref<1664x32xf32, #tpu.memory_space<vmem>>[vector<16xi32>, vector<16xi32>], vector<16xf32>,
        %add3A_1402 = arith.constant 16 : i32
        %add3A_1403 = vector.broadcast %add3A_1402 : i32 to vector<16xi32>
        %add3A_1404 = arith.addi %iota3A, %add3A_1403 : vector<16xi32>
        tpu.vector_store_idx %arg33[%broadcast_in_dim3A_1396, %add3A_1404], %gather3A_1401 : memref<1664x32xf32, #tpu.memory_space<vmem>>[vector<16xi32>, vector<16xi32>], vector<16xf32>,
        %add3A_1405 = arith.constant 1600 : i32
        %add3A_1406 = arith.addi %add3A_1405, %scan3A_1004 : i32
        %broadcast_in_dim3A_1407 = vector.broadcast %add3A_1406 : i32 to vector<16xi32>
        %mul3A_1408 = arith.constant 26 : i32
        %mul3A_1409 = arith.muli %scan3A_1004, %mul3A_1408 : i32
        %add3A_1410 = arith.constant 25 : i32
        %add3A_1411 = arith.addi %mul3A_1409, %add3A_1410 : i32
        %broadcast_in_dim3A_1412 = vector.broadcast %add3A_1411 : i32 to vector<16xi32>
        %gather3A_1413 = tpu.vector_load_idx %arg32[%broadcast_in_dim3A_1407, %iota3A] : memref<1664x32xf32, #tpu.memory_space<vmem>>[vector<16xi32>, vector<16xi32>], vector<16xf32>,
        %add3A_1414 = arith.constant 16 : i32
        %add3A_1415 = vector.broadcast %add3A_1414 : i32 to vector<16xi32>
        %add3A_1416 = arith.addi %iota3A, %add3A_1415 : vector<16xi32>
        %gather3A_1417 = tpu.vector_load_idx %arg32[%broadcast_in_dim3A_1407, %add3A_1416] : memref<1664x32xf32, #tpu.memory_space<vmem>>[vector<16xi32>, vector<16xi32>], vector<16xf32>,
        tpu.vector_store_idx %arg33[%broadcast_in_dim3A_1412, %iota3A], %gather3A_1413 : memref<1664x32xf32, #tpu.memory_space<vmem>>[vector<16xi32>, vector<16xi32>], vector<16xf32>,
        %add3A_1418 = arith.constant 16 : i32
        %add3A_1419 = vector.broadcast %add3A_1418 : i32 to vector<16xi32>
        %add3A_1420 = arith.addi %iota3A, %add3A_1419 : vector<16xi32>
        tpu.vector_store_idx %arg33[%broadcast_in_dim3A_1412, %add3A_1420], %gather3A_1417 : memref<1664x32xf32, #tpu.memory_space<vmem>>[vector<16xi32>, vector<16xi32>], vector<16xf32>,
      }
      %scan3A_1001 = arith.constant 64 : i32
      %mul3A_1002 = arith.constant 26 : i32
      %mul3A_1003 = arith.muli %add3A_11, %mul3A_1002 : i32
      "tpu.region"() ({
        %run_scoped3A = tpu.sem_alloc : memref<!tpu.dma_semaphore, #tpu.memory_space<semaphore_mem>>
        %dma_start3A_1004 = arith.constant 0 : i32
        %dma_start3A_1005 = tpu.memref_slice %arg29[%mul3A_1003, %dma_start3A_1004] : memref<425984x32xf32, #tpu.memory_space<hbm>> -> memref<1664x32xf32, #tpu.memory_space<hbm>>
        %dma_start3A_1006 = arith.constant 0 : i32
        %dma_start3A_1007 = tpu.memref_slice %arg29[%mul3A_1003, %dma_start3A_1006] : memref<425984x32xf32, #tpu.memory_space<hbm>> -> memref<1664x32xf32, #tpu.memory_space<hbm>>
        tpu.enqueue_dma source(%arg33 : memref<1664x32xf32, #tpu.memory_space<vmem>>) target(%dma_start3A_1007 : memref<1664x32xf32, #tpu.memory_space<hbm>>) target_semaphore(%run_scoped3A : memref<!tpu.dma_semaphore, #tpu.memory_space<semaphore_mem>>)
        %dma_wait3A_1008 = arith.constant 0 : i32
        %dma_wait3A_1009 = tpu.memref_slice %arg29[%mul3A_1003, %dma_wait3A_1008] : memref<425984x32xf32, #tpu.memory_space<hbm>> -> memref<1664x32xf32, #tpu.memory_space<hbm>>
        %dma_wait3A_1010 = arith.constant 0 : i32
        %dma_wait3A_1011 = tpu.memref_slice %arg29[%mul3A_1003, %dma_wait3A_1010] : memref<425984x32xf32, #tpu.memory_space<hbm>> -> memref<1664x32xf32, #tpu.memory_space<hbm>>
        tpu.wait_dma2 semaphore(%run_scoped3A : memref<!tpu.dma_semaphore, #tpu.memory_space<semaphore_mem>>) src(%arg33 : memref<1664x32xf32, #tpu.memory_space<vmem>>) dst(%dma_wait3A_1011 : memref<1664x32xf32, #tpu.memory_space<hbm>>)
        tpu.yield
      }) : () -> ()
    }
    %scan3A_5 = arith.constant 8 : i32
    return
  }
}

module attributes {stable_mosaic.version = 14 : i64} {
  func.func @_stats_body(%arg0: memref<16384x13xf32, #tpu.memory_space<vmem>>, %arg1: memref<13xf32, #tpu.memory_space<vmem>>, %arg2: memref<13xf32, #tpu.memory_space<vmem>>, %arg3: memref<2x13xf32, #tpu.memory_space<vmem>>) attributes {dimension_semantics = [], scalar_prefetch = 0 : i64, scratch_operands = 0 : i64, tpu.core_type = #tpu.core_type<tc>} {
    %get3A = arith.constant 0 : index
    %get3A_0 = arith.constant 0 : index
    %get3A_1 = vector.load %arg0[%get3A, %get3A_0] : memref<16384x13xf32, #tpu.memory_space<vmem>>, vector<16384x13xf32>
    %reduce_sum3A = arith.constant dense<0.000000e+00> : vector<13xf32>
    %reduce_sum3A_2 = vector.multi_reduction <add>, %get3A_1, %reduce_sum3A [0] : vector<16384x13xf32> to vector<13xf32>
    %div3A = arith.constant 1.638400e+04 : f32
    %div3A_3 = vector.broadcast %div3A : f32 to vector<13xf32>
    %div3A_4 = arith.divf %reduce_sum3A_2, %div3A_3 : vector<13xf32>
    %broadcast_in_dim3A = vector.shape_cast %div3A_4 : vector<13xf32> to vector<1x13xf32>
    %sub3A = vector.broadcast %broadcast_in_dim3A : vector<1x13xf32> to vector<16384x13xf32>
    %sub3A_5 = arith.subf %get3A_1, %sub3A : vector<16384x13xf32>
    %integer_pow3A = arith.mulf %sub3A_5, %sub3A_5 : vector<16384x13xf32>
    %reduce_sum3A_6 = arith.constant dense<0.000000e+00> : vector<13xf32>
    %reduce_sum3A_7 = vector.multi_reduction <add>, %integer_pow3A, %reduce_sum3A_6 [0] : vector<16384x13xf32> to vector<13xf32>
    %div3A_8 = arith.constant 1.638400e+04 : f32
    %div3A_9 = vector.broadcast %div3A_8 : f32 to vector<13xf32>
    %div3A_10 = arith.divf %reduce_sum3A_7, %div3A_9 : vector<13xf32>
    %get3A_11 = arith.constant 0 : index
    %get3A_12 = vector.load %arg1[%get3A_11] : memref<13xf32, #tpu.memory_space<vmem>>, vector<13xf32>
    %add3A = arith.constant 9.99999974E-6 : f32
    %add3A_13 = vector.broadcast %add3A : f32 to vector<13xf32>
    %add3A_14 = arith.addf %div3A_10, %add3A_13 : vector<13xf32>
    %rsqrt3A = math.rsqrt %add3A_14 : vector<13xf32>
    %mul3A = arith.mulf %get3A_12, %rsqrt3A : vector<13xf32>
    %get3A_15 = arith.constant 0 : index
    %get3A_16 = vector.load %arg2[%get3A_15] : memref<13xf32, #tpu.memory_space<vmem>>, vector<13xf32>
    %mul3A_17 = arith.mulf %div3A_4, %mul3A : vector<13xf32>
    %sub3A_18 = arith.subf %get3A_16, %mul3A_17 : vector<13xf32>
    %stack3A = vector.shape_cast %mul3A : vector<13xf32> to vector<1x13xf32>
    %stack3A_19 = vector.shape_cast %sub3A_18 : vector<13xf32> to vector<1x13xf32>
    %stack3A_20 = tpu.concatenate %stack3A, %stack3A_19 in 0 : vector<1x13xf32>, vector<1x13xf32> -> vector<2x13xf32>
    %swap3A = arith.constant 0 : index
    %swap3A_21 = arith.constant 0 : index
    %swap3A_22 = vector.load %arg3[%swap3A, %swap3A_21] : memref<2x13xf32, #tpu.memory_space<vmem>>, vector<2x13xf32>
    tpu.vector_store %arg3[%swap3A, %swap3A_21], %stack3A_20 {strides = array<i32>} : memref<2x13xf32, #tpu.memory_space<vmem>>, vector<2x13xf32>,
    return
  }
}

module attributes {stable_mosaic.version = 14 : i64} {
  func.func @_cont_body(%arg0: i32, %arg1: memref<512x13xf32, #tpu.memory_space<vmem>>, %arg2: memref<2x13xf32, #tpu.memory_space<vmem>>, %arg3: memref<13x32xf32, #tpu.memory_space<vmem>>, %arg4: memref<13x32xf32, #tpu.memory_space<vmem>>, %arg5: memref<512x13x32xf32, #tpu.memory_space<vmem>>) attributes {dimension_semantics = [#tpu.dimension_semantics<arbitrary>], iteration_bounds = array<i64: 32>, scalar_prefetch = 0 : i64, scratch_operands = 0 : i64, tpu.core_type = #tpu.core_type<tc>, window_params = [{transform_indices = @transform_0, window_bounds = array<i64: 512, 13>}, {pipeline_mode = #tpu.pipeline_mode<synchronous>, transform_indices = @transform_1, window_bounds = array<i64: 2, 13>}, {pipeline_mode = #tpu.pipeline_mode<synchronous>, transform_indices = @transform_2, window_bounds = array<i64: 13, 32>}, {pipeline_mode = #tpu.pipeline_mode<synchronous>, transform_indices = @transform_3, window_bounds = array<i64: 13, 32>}, {transform_indices = @transform_4, window_bounds = array<i64: 512, 13, 32>}]} {
    %get3A = arith.constant 0 : index
    %get3A_0 = arith.constant 0 : index
    %get3A_1 = vector.load %arg1[%get3A, %get3A_0] : memref<512x13xf32, #tpu.memory_space<vmem>>, vector<512x13xf32>
    %get3A_2 = arith.constant 0 : index
    %get3A_3 = arith.constant 0 : index
    %get3A_4 = vector.load %arg2[%get3A_2, %get3A_3] : memref<2x13xf32, #tpu.memory_space<vmem>>, vector<1x13xf32>
    %get3A_5 = vector.shape_cast %get3A_4 : vector<1x13xf32> to vector<13xf32>
    %broadcast_in_dim3A = vector.shape_cast %get3A_5 : vector<13xf32> to vector<1x13xf32>
    %mul3A = vector.broadcast %broadcast_in_dim3A : vector<1x13xf32> to vector<512x13xf32>
    %mul3A_6 = arith.mulf %get3A_1, %mul3A : vector<512x13xf32>
    %get3A_7 = arith.constant 1 : index
    %get3A_8 = arith.constant 0 : index
    %get3A_9 = vector.load %arg2[%get3A_7, %get3A_8] : memref<2x13xf32, #tpu.memory_space<vmem>>, vector<1x13xf32>
    %get3A_10 = vector.shape_cast %get3A_9 : vector<1x13xf32> to vector<13xf32>
    %broadcast_in_dim3A_11 = vector.shape_cast %get3A_10 : vector<13xf32> to vector<1x13xf32>
    %add3A = vector.broadcast %broadcast_in_dim3A_11 : vector<1x13xf32> to vector<512x13xf32>
    %add3A_12 = arith.addf %mul3A_6, %add3A : vector<512x13xf32>
    %get3A_13 = arith.constant 0 : index
    %get3A_14 = arith.constant 0 : index
    %get3A_15 = vector.load %arg3[%get3A_13, %get3A_14] : memref<13x32xf32, #tpu.memory_space<vmem>>, vector<13x32xf32>
    %broadcast_in_dim3A_16 = vector.shape_cast %get3A_15 : vector<13x32xf32> to vector<1x13x32xf32>
    %broadcast_in_dim3A_17 = vector.shape_cast %add3A_12 : vector<512x13xf32> to vector<512x13x1xf32>
    %mul3A_18 = vector.broadcast %broadcast_in_dim3A_16 : vector<1x13x32xf32> to vector<512x13x32xf32>
    %mul3A_19 = vector.broadcast %broadcast_in_dim3A_17 : vector<512x13x1xf32> to vector<512x13x32xf32>
    %mul3A_20 = arith.mulf %mul3A_18, %mul3A_19 : vector<512x13x32xf32>
    %get3A_21 = arith.constant 0 : index
    %get3A_22 = arith.constant 0 : index
    %get3A_23 = vector.load %arg4[%get3A_21, %get3A_22] : memref<13x32xf32, #tpu.memory_space<vmem>>, vector<13x32xf32>
    %broadcast_in_dim3A_24 = vector.shape_cast %get3A_23 : vector<13x32xf32> to vector<1x13x32xf32>
    %add3A_25 = vector.broadcast %broadcast_in_dim3A_24 : vector<1x13x32xf32> to vector<512x13x32xf32>
    %add3A_26 = arith.addf %mul3A_20, %add3A_25 : vector<512x13x32xf32>
    %swap3A = arith.constant 0 : index
    %swap3A_27 = arith.constant 0 : index
    %swap3A_28 = arith.constant 0 : index
    %swap3A_29 = vector.load %arg5[%swap3A, %swap3A_27, %swap3A_28] : memref<512x13x32xf32, #tpu.memory_space<vmem>>, vector<512x13x32xf32>
    tpu.vector_store %arg5[%swap3A, %swap3A_27, %swap3A_28], %add3A_26 {strides = array<i32>} : memref<512x13x32xf32, #tpu.memory_space<vmem>>, vector<512x13x32xf32>,
    return
  }
  func.func @transform_0(%arg0: i32) -> (i32, i32) {
    %c0_i32 = arith.constant 0 : i32
    %c0_i32_0 = arith.constant 0 : i32
    return %arg0, %c0_i32 : i32, i32
  }
  func.func @transform_1(%arg0: i32) -> (i32, i32) {
    %c0_i32 = arith.constant 0 : i32
    %c0_i32_0 = arith.constant 0 : i32
    %c0_i32_1 = arith.constant 0 : i32
    return %c0_i32, %c0_i32_0 : i32, i32
  }
  func.func @transform_2(%arg0: i32) -> (i32, i32) {
    %c0_i32 = arith.constant 0 : i32
    %c0_i32_0 = arith.constant 0 : i32
    %c0_i32_1 = arith.constant 0 : i32
    return %c0_i32, %c0_i32_0 : i32, i32
  }
  func.func @transform_3(%arg0: i32) -> (i32, i32) {
    %c0_i32 = arith.constant 0 : i32
    %c0_i32_0 = arith.constant 0 : i32
    %c0_i32_1 = arith.constant 0 : i32
    return %c0_i32, %c0_i32_0 : i32, i32
  }
  func.func @transform_4(%arg0: i32) -> (i32, i32, i32) {
    %c0_i32 = arith.constant 0 : i32
    %c0_i32_0 = arith.constant 0 : i32
    %c0_i32_1 = arith.constant 0 : i32
    return %arg0, %c0_i32, %c0_i32_0 : i32, i32, i32
  }
}

</mosaic_0001>

<sc_bundles>
// kernel: sc_embedding_gather.3.cloned.1.call-start
scs
__scs_entry_jumppad:
0x0: {  	(pc) =	sbr.rel $0x88, $3  }
0x1: {  	(tag) =	ssettag $0x0;
	lr =	simm.s32 $0x1  }
0x2: {  	[smem:$0x3F9A] =	sst lr;
	_ =	strace $0xD0000000  }
0x3: {  	_ = 	snop  }
0x4: {  	_ = 	snop  }
0x5: {  	_ = 	snop  }
0x6: {  	_ = 	snop  }
0x7: {  	_ = 	snop  }
__scs_overlays_trampoline_lowered:
0x8: {  	[smem:$0x3FA9] =	sst s0  }
0x9: {  	[smem:$0x3FAA] =	sst s1  }
0xa: {  	[smem:$0x3FAB] =	sst s2  }
0xb: {  	[smem:$0x3FAC] =	sst s3  }
0xc: {  	[smem:$0x3FAD] =	sst s4  }
0xd: {  	[smem:$0x3FAE] =	sst s5  }
0xe: {  	[smem:$0x3FAF] =	sst s6  }
0xf: {  	[smem:$0x3FB0] =	sst s7  }
0x10: {  	[smem:$0x3FB1] =	sst s8  }
0x11: {  	[smem:$0x3FB2] =	sst s9;
	s0 =	simm.s32 @!p0 $0x0  }
0x12: {  	s1 =	sld [smem:$0x3F98];
	s0 =	simm.s32 @p0 $0x1  }
0x13: {  	[smem:$0x3FB3] =	sst s0;
	s0 =	simm.s32 @!p1 $0x0  }
0x14: {  	s2 =	sld [smem:$0x3F97];
	s0 =	simm.s32 @p1 $0x1  }
0x15: {  	[smem:$0x3FB4] =	sst s0;
	s0 =	simm.s32 @!p2 $0x0  }
0x16: {  	s3 =	sld [smem:$0x3FDB];
	s0 =	simm.s32 @p2 $0x1  }
0x17: {  	s4 =	simm.s32 $0x1BF5;
	[smem:$0x3FB6] =	sst s0  }
0x18: {  	s0 =	sld [smem:$0x3F99];
	_ =	swait.ge [sflag:s4], $0x0  }
0x19: {  	s7 =	sld [smem:$0x3F9A]  }
0x1a: {  	s8 =	sadd.s32 $0xFFFFE003, lr  }
0x1b: {  	s9 =	sadd.s32 $0xFFFFFEF7, lr;
	s5 =	simm.s32 $0xFFFFFFFF;
	p2 =	slt.u32 s8, $0xFFFFF086  }
0x1c: {  	p1 =	slt.u32 s9, $0xF7A;
	s5 =	simm.s32 @!p2 $0x0  }
0x1d: {  	s5 =	simm.s32 @p1 $0x1;
	p0 =	seq.s32 s7, s2  }
0x1e: {  	s7 =	smul.u32 @!p0 $0xF7A, s2;
	p2 =	seq.s32 @!p0 s5, $0x0  }
0x1f: {  	s9 =	smul.u32 $0xF7A, s1;
	s8 =	simm.s32 @!p0 $0x1BF5;
	p2 =	por !p2, p0  }
0x20: {  	[sflag:s8] =	ssyncset.s32 @!p0 $0xFFFFF086;
	s6 =	sadd.s32 @!p0 s3, s7;
	s7 =	simm.s32 @!p0 $0x108  }
0x21: {  	s3 =	sadd.s32 s3, s9;
	s6 =	sadd.s32 @!p0 $0x88, s6;
	s7 =	simm.s32 @p2 $0x1082  }
0x22: {  	[simem:s7], [sflag:s8] =	dma.local @!p0 [hbm:s6], $0xF7A  }
0x23: {  	s9 =	sor.u32 $0xD0000000, s2;
	s6 =	simm.s32 $0x108;
	_ =	swait.ge @!p0 [sflag:s8], $0x0  }
0x24: {  	s3 =	sadd.s32 $0x88, s3;
	s6 =	simm.s32 @!p1 $0x1082;
	[sflag:s4] =	ssyncset.s32 $0xFFFFF086  }
0x25: {  	[simem:s6], [sflag:s4] =	dma.local [hbm:s3], $0xF7A  }
0x26: {  	[smem:$0x3F9A] =	sst s1;
	(tag) =	ssettag s2;
	_ =	strace s9  }
0x27: {  	s1 =	sld [smem:$0x3FAA]  }
0x28: {  	s2 =	sld [smem:$0x3FAB]  }
0x29: {  	s4 =	sld [smem:$0x3FAD]  }
0x2a: {  	p0 =	seq.s32 s5, $0x0;
	s5 =	sld [smem:$0x3FAE]  }
0x2b: {  	s6 =	sld [smem:$0x3FAF]  }
0x2c: {  	s7 =	sld [smem:$0x3FB0]  }
0x2d: {  	s3 =	simm.s32 $0x108;
	s8 =	sld [smem:$0x3FB1]  }
0x2e: {  	s3 =	simm.s32 @!p0 $0x1082;
	s9 =	sld [smem:$0x3FB2]  }
0x2f: {  	lr =	sadd.s32 s0, s3;
	s0 =	sld [smem:$0x3FA9]  }
0x30: {  	s3 =	sld [smem:$0x3FAC]  }
0x31: {  	[smem:$0x3FB5] =	sst s10  }
0x32: {  	s10 =	sld [smem:$0x3FB3];
	_ =	sdelay $0x3  }
0x33: {  	p0 =	seq.s32 s10, $0x1;
	s10 =	sld [smem:$0x3FB5];
	_ =	sdelay $0x3  }
0x34: {  	[smem:$0x3FB5] =	sst s10  }
0x35: {  	s10 =	sld [smem:$0x3FB4];
	_ =	sdelay $0x3  }
0x36: {  	p1 =	seq.s32 s10, $0x1;
	s10 =	sld [smem:$0x3FB5];
	_ =	sdelay $0x3  }
0x37: {  	[smem:$0x3FB5] =	sst s10  }
0x38: {  	s10 =	sld [smem:$0x3FB6]  }
0x39: {  	_ = 	snop;
	(pc) =	sbr.ind lr, $3  }
0x3a: {  	_ = 	snop  }
0x3b: {  	_ = 	snop  }
0x3c: {  	p2 =	seq.s32 s10, $0x1;
	s10 =	sld [smem:$0x3FB5]  }
0x3d: {  	_ =	shalt  }
0x3e: {  	_ =	shalt  }
0x3f: {  	_ =	shalt  }
0x40: {  	_ =	shalt  }
0x41: {  	_ =	shalt  }
0x42: {  	_ =	shalt  }
0x43: {  	_ =	shalt  }
0x44: {  	_ =	shalt  }
0x45: {  	_ =	shalt  }
0x46: {  	_ =	shalt  }
0x47: {  	_ =	shalt  }
0x48: {  	_ =	shalt  }
0x49: {  	_ =	shalt  }
0x4a: {  	_ =	shalt  }
0x4b: {  	_ =	shalt  }
0x4c: {  	_ =	shalt  }
0x4d: {  	_ =	shalt  }
0x4e: {  	_ =	shalt  }
0x4f: {  	_ =	shalt  }
0x50: {  	_ =	shalt  }
0x51: {  	_ =	shalt  }
0x52: {  	_ =	shalt  }
0x53: {  	_ =	shalt  }
0x54: {  	_ =	shalt  }
0x55: {  	_ =	shalt  }
0x56: {  	_ =	shalt  }
0x57: {  	_ =	shalt  }
0x58: {  	_ =	shalt  }
0x59: {  	_ =	shalt  }
0x5a: {  	_ =	shalt  }
0x5b: {  	_ =	shalt  }
0x5c: {  	_ =	shalt  }
0x5d: {  	_ =	shalt  }
0x5e: {  	_ =	shalt  }
0x5f: {  	_ =	shalt  }
0x60: {  	_ =	shalt  }
0x61: {  	_ =	shalt  }
0x62: {  	_ =	shalt  }
0x63: {  	_ =	shalt  }
0x64: {  	_ =	shalt  }
0x65: {  	_ =	shalt  }
0x66: {  	_ =	shalt  }
0x67: {  	_ =	shalt  }
0x68: {  	_ =	shalt  }
0x69: {  	_ =	shalt  }
0x6a: {  	_ =	shalt  }
0x6b: {  	_ =	shalt  }
0x6c: {  	_ =	shalt  }
0x6d: {  	_ =	shalt  }
0x6e: {  	_ =	shalt  }
0x6f: {  	_ =	shalt  }
0x70: {  	_ =	shalt  }
0x71: {  	_ =	shalt  }
0x72: {  	_ =	shalt  }
0x73: {  	_ =	shalt  }
0x74: {  	_ =	shalt  }
0x75: {  	_ =	shalt  }
0x76: {  	_ =	shalt  }
0x77: {  	_ =	shalt  }
0x78: {  	_ =	shalt  }
0x79: {  	_ =	shalt  }
0x7a: {  	_ =	shalt  }
0x7b: {  	_ =	shalt  }
0x7c: {  	_ =	shalt  }
0x7d: {  	_ =	shalt  }
0x7e: {  	_ =	shalt  }
0x7f: {  	_ =	shalt  }
0x80: {  	_ =	shalt  }
0x81: {  	_ =	shalt  }
0x82: {  	_ =	shalt  }
0x83: {  	_ =	shalt  }
0x84: {  	_ =	shalt  }
0x85: {  	_ =	shalt  }
0x86: {  	_ =	shalt  }
0x87: {  	_ =	shalt  }
.Lfunc_end0:
.L_simem_size_0:
called_computation.1_lowered:
.L_overlay_start_0:
0x88: {  	s2 =	sld [smem:$0x3FD9]  }
0x89: {  	s3 =	sld [smem:$0x3FFE];
	_ =	sdelay $0x1  }
0x8a: {  	s1 =	srdreg.scid  }
0x8b: {  	s0 =	sand.u32 $0x1, s1  }
0x8c: {  	s17 =	sshll.u32 s0, $0xA;
	s2 =	sadd.s32 s3, s2  }
0x8d: {  	s2 =	sadd.s32 s2, s17  }
0x8e: {  	[smem:$0x3FC1] =	sst s2  }
0x8f: {  	_ = 	snop  }
0x90: {  	s2 =	sld [smem:$0x3FD0];
	(tm) =	ssettm $0x1  }
0x91: {  	s18 =	sld [smem:$0x3FFB];
	_ =	sdelay $0x3  }
0x92: {  	_ =	strace s18  }
0x93: {  	s3 =	sld [smem:$0x3FFC];
	_ =	sdelay $0x3  }
0x94: {  	_ =	strace s3  }
0x95: {  	s3 =	sld [smem:$0x3FFD];
	_ =	sdelay $0x3  }
0x96: {  	_ =	strace s3  }
0x97: {  	_ =	strace $0x8FFFFFFF  }
0x98: {  	s19 =	sld [smem:$0x3FDB];
	_ =	sdelay $0x1  }
0x99: {  	s4 =	simm.s32 $_scs_section_size  }
0x9a: {  	s5 =	simm.s32 $_size__tile_overlayer_lowered;
	s6 =	simm.s32 $_tile_overlayer_lowered  }
0x9b: {  	s22 =	simm.s32 $0x1BFF;
	s21 =	sshll.u32 s6, $0x1;
	s3 =	sadd.s32 s4, s19  }
0x9c: {  	s7 =	simm.s32 $0x0;
	s20 =	sshll.u32 s5, $0x1;
	s5 =	sadd.s32 s21, s3  }
0x9d: {  	[timem:s7], [sflag:s22] =	dma.local [hbm:s5], s20  }
0x9e: {  	_ =	swait.ge [sflag:s22], s20  }
0x9f: {  	s4 =	ssub.s32 $0x0, s20;
	[sflag:s22] =	ssyncset.done $0x0  }
0xa0: {  	[sflag:s22] =	ssyncadd.s32 s4;
	_ =	sdelay $0x1  }
0xa1: {  	s23 =	simm.s32 $0x1B8B  }
0xa2: {  	_ =	swait.ge [sflag:s23], $0x1  }
0xa3: {  	[sflag:s23] =	ssyncset.done $0x0  }
0xa4: {  	s25 =	simm.s32 $0x1B8E;
	s24 =	sld [smem:$0x3FFE];
	[sflag:s23] =	ssyncadd.s32 $0xFFFFFFFF  }
0xa5: {  	s26 =	simm.s32 $execute0_lowered;
	[smem:$0x3FD2] =	sst s25  }
0xa6: {  	s5 =	sshll.u32 s26, $0x1;
	_ =	strace $0x80000046;
	[dreg:$0x1] =	wrdreg $0xFFFFFFFF  }
0xa7: {  	s28 =	simm.s32 $_size_execute0_lowered;
	s3 =	sadd.s32 s3, s5;
	[dreg:$0x0] =	wrdreg $0x0  }
0xa8: {  	s5 =	sshll.u32 s28, $0x1;
	[dreg:$0x2] =	wrdreg s3  }
0xa9: {  	[dreg:$0x3] =	wrdreg s5  }
0xaa: {  	[dreg:$0x4] =	wrdreg $0xC0  }
0xab: {  	_ =	task [dreg:s7], $0x5FFFF  }
0xac: {  	[dreg:$0x1] =	wrdreg $0xFFFFFFFF  }
0xad: {  	[dreg:$0x0] =	wrdreg $0x60  }
0xae: {  	[dreg:$0x2] =	wrdreg s24  }
0xaf: {  	[dreg:$0x3] =	wrdreg s2  }
0xb0: {  	[dreg:$0x4] =	wrdreg $0x9  }
0xb1: {  	_ =	task.clear_ibuf [dreg:s7], $0x5FFFF;
	_ =	strace $0x90000046  }
0xb2: {  	s29 =	simm.s32 $0x9;
	_ =	strace $0x80000048  }
0xb3: {  	_ =	swait.ge [sflag:s29], $0x1  }
0xb4: {  	[sflag:s29] =	ssyncadd.s32 $0xFFFFFFFF  }
0xb5: {  	_ =	strace $0x90000048  }
0xb6: {  	_ =	sfence  }
0xb7: {  	s30 =	sld [smem:$0x0];
	_ =	sdelay $0x2  }
0xb8: {  	s31 =	sshll.u32 s1, $0xD;
	s1 =	sshrl.u32 s1, $0x2  }
0xb9: {  	s3 =	sand.u32 $0x4000, s31;
	s1 =	sadd.s32 s1, s30  }
0xba: {  	s0 =	sor.u32 s3, s0;
	s1 =	sshll.u32 s1, $0x11  }
0xbb: {  	s0 =	sor.u32 s1, s0  }
0xbc: {  	s0 =	sadd.s32 $0x8F2B, s0  }
0xbd: {  	[sflag:s0] =	ssyncadd.remote.s32 $0x1  }
0xbe: {  	_ =	sfence.sel $0xFFFF  }
0xbf: {  	[dreg:$0x0] =	wrdreg $0xFFFFFFFF;
	(pc) =	sbr.abs _section_cstart, $3  }
0xc0: {  	[dreg:$0x1] =	wrdreg $0xFFFFFFFF  }
0xc1: {  	_ =	task.clear_ibuf [dreg:s7], $0x2FFFF;
	_ =	strace $0x9FFFFFFF  }
0xc2: {  	(tm) =	ssettm $0x7FFFFFFF  }
0xc3: {  	_ =	shalt  }
tec
execute0_lowered:
.L_overlay_start_1:
0x0: {  	(tag) =	ssettag $0x1  }
0x1: {  	s0 =	rddreg [dreg:$0x0];
	s1 =	simm.s32 $0x0  }
0x2: {  	[smem:$0x7FF] =	sst s1;
	s3 =	sadd.s32 $0xA06000, s0  }
0x3: {  	s4 =	sadd.s32 $0x8E0C00, s0;
	_ =	strace $0x80000047;
	[dreg:$0x14] =	wrdreg s3  }
0x4: {  	s5 =	sadd.s32 $0x81D400, s0;
	[dreg:$0x15] =	wrdreg s4  }
0x5: {  	s6 =	sadd.s32 $0x7BB800, s0;
	[dreg:$0x16] =	wrdreg s5  }
0x6: {  	s7 =	sadd.s32 $0x759C00, s0;
	[dreg:$0x17] =	wrdreg s6  }
0x7: {  	s8 =	sadd.s32 $0x87F000, s0;
	[dreg:$0x18] =	wrdreg s7  }
0x8: {  	s9 =	sadd.s32 $0x6F8000, s0;
	[dreg:$0x19] =	wrdreg s8  }
0x9: {  	s10 =	sadd.s32 $0x696400, s0;
	[dreg:$0x1a] =	wrdreg s9  }
0xa: {  	v0 =	vlaneseq.u32;
	s11 =	sadd.s32 $0x326800, s0;
	[dreg:$0x1b] =	wrdreg s10  }
0xb: {  	s12 =	sadd.s32 $0x2C4C00, s0;
	v1 =	vmul.u32 $0x20, v0;
	v3 =	vor.u32 $0x10, v0;
	v9 =	vor.u32 $0x40, v0;
	[dreg:$0x1c] =	wrdreg s11  }
0xc: {  	s13 =	sadd.s32 $0x263000, s0;
	v11 =	vor.u32 $0x50, v0;
	v13 =	vor.u32 $0x60, v0;
	v15 =	vor.u32 $0x70, v0;
	[dreg:$0x1d] =	wrdreg s12  }
0xd: {  	s14 =	sadd.s32 $0x201400, s0;
	v17 =	vor.u32 $0x80, v0;
	v19 =	vor.u32 $0x90, v0;
	v21 =	vor.u32 $0xA0, v0;
	[dreg:$0x1e] =	wrdreg s13  }
0xe: {  	s2 =	sadd.s32 $0x19F800, s0;
	v23 =	vor.u32 $0xB0, v0;
	v25 =	vor.u32 $0xC0, v0;
	v27 =	vor.u32 $0xD0, v0;
	[dreg:$0x1f] =	wrdreg s14  }
0xf: {  	s16 =	sadd.s32 $0x13DC00, s0;
	v29 =	vor.u32 $0xE0, v0;
	v31 =	vor.u32 $0xF0, v0;
	v33 =	vor.u32 $0x100, v0;
	[smem:$0x7ED] =	sst s2  }
0x10: {  	s17 =	sadd.s32 $0xDC000, s0;
	v35 =	vor.u32 $0x110, v0;
	v37 =	vor.u32 $0x120, v0;
	v39 =	vor.u32 $0x130, v0;
	[smem:$0x7EE] =	sst s16  }
0x11: {  	s18 =	sadd.s32 $0x7A400, s0;
	v41 =	vor.u32 $0x140, v0;
	v43 =	vor.u32 $0x150, v0;
	v45 =	vor.u32 $0x160, v0;
	[smem:$0x7EF] =	sst s17  }
0x12: {  	s20 =	sadd.s32 $0x942800, s0;
	v47 =	vor.u32 $0x170, v0;
	v49 =	vor.u32 $0x180, v0;
	v51 =	vor.u32 $0x190, v0;
	[smem:$0x7F0] =	sst s18  }
0x13: {  	s23 =	sadd.s32 $0x5D2C00, s0;
	v53 =	vor.u32 $0x1A0, v0;
	v55 =	vor.u32 $0x1B0, v0;
	v57 =	vor.u32 $0x1C0, v0;
	[smem:$0x7F2] =	sst s20  }
0x14: {  	s24 =	sadd.s32 $0x50F400, s0;
	v59 =	vor.u32 $0x1D0, v0;
	v61 =	vor.u32 $0x1E0, v0;
	v63 =	vor.u32 $0x1F0, v0;
	[smem:$0x7F4] =	sst s23  }
0x15: {  	s15 =	srdreg.scid;
	s25 =	sadd.s32 $0x4AD800, s0;
	[smem:$0x7F6] =	sst s24;
	v2 =	vor.u32 $0x200, v1;
	v10 =	vor.u32 $0x201, v1;
	v12 =	vor.u32 $0x401, v1  }
0x16: {  	s26 =	sadd.s32 $0x571000, s0;
	s28 =	sadd.s32 $0x44BC00, s0;
	[smem:$0x7F7] =	sst s25;
	v14 =	vor.u32 $0x601, v1;
	v16 =	vor.u32 $0x2, v1;
	v18 =	vor.u32 $0x202, v1  }
0x17: {  	s29 =	sadd.s32 $0x3EA000, s0;
	s30 =	sadd.s32 $0x388400, s0;
	[smem:$0x7F8] =	sst s26;
	v20 =	vor.u32 $0x402, v1;
	v22 =	vor.u32 $0x602, v1;
	v24 =	vor.u32 $0x3, v1  }
0x18: {  	s1 =	sand.u32 $0x1, s15;
	s3 =	sadd.s32 $0x9A4400, s0;
	[smem:$0x7F9] =	sst s28;
	v26 =	vor.u32 $0x203, v1;
	v28 =	vor.u32 $0x403, v1;
	v30 =	vor.u32 $0x603, v1  }
0x19: {  	s19 =	ssub.s32 $0x2, s1;
	s4 =	sadd.s32 $0x634800, s0;
	[smem:$0x7FA] =	sst s29;
	v32 =	vor.u32 $0x4, v1;
	v34 =	vor.u32 $0x204, v1;
	v36 =	vor.u32 $0x404, v1  }
0x1a: {  	s1 =	sshll.u32 s1, $0x9;
	[smem:$0x7FB] =	sst s30;
	s0 =	sadd.s32 $0x18800, s0;
	v38 =	vor.u32 $0x604, v1;
	v40 =	vor.u32 $0x5, v1;
	[tilespmem:$0x1FFA0] =	vst v2;
	v2 =	vor.u32 $0x400, v1  }
0x1b: {  	s22 =	stileid.u32;
	s5 =	simm.s32 $0xDE80;
	[smem:$0x7F1] =	sst s3;
	v42 =	vor.u32 $0x205, v1;
	v44 =	vor.u32 $0x405, v1;
	[tilespmem:$0x1FFB0] =	vst v2;
	v2 =	vor.u32 $0x20, v0  }
0x1c: {  	s21 =	sshrl.u32 s19, $0x1;
	[smem:$0x7F3] =	sst s4;
	s3 =	sshll.u32 s22, $0xA;
	v46 =	vor.u32 $0x605, v1;
	v48 =	vor.u32 $0x6, v1;
	[tilespmem:$0x1FFC0] =	vst v2;
	v2 =	vor.u32 $0x600, v1  }
0x1d: {  	[smem:$0x7FC] =	sst s0;
	v50 =	vor.u32 $0x206, v1;
	v52 =	vor.u32 $0x406, v1;
	s2 =	ssub.s32 s19, s21;
	s1 =	sor.u32 s1, s3;
	[tilespmem:$0x1FFD0] =	vst v2;
	v2 =	vor.u32 $0x30, v0  }
0x1e: {  	v54 =	vor.u32 $0x606, v1;
	v56 =	vor.u32 $0x7, v1;
	s3 =	simm.s32 $0xE80;
	[smem:$0x7F5] =	sst s1;
	s31 =	smax.u32 s2, $0x1;
	[tilespmem:$0x1FFE0] =	vst v2;
	v2 =	vor.u32 $0x1, v1  }
0x1f: {  	v58 =	vor.u32 $0x207, v1;
	v60 =	vor.u32 $0x407, v1;
	v62 =	vor.u32 $0x607, v1;
	s2 =	simm.s32 $0x2;
	s1 =	simm.s32 $0x0;
	[smem:$0x7FD] =	sst s31;
	[tilespmem:$0x1FFF0] =	vst v2  }
.LBB2_1:
0x20: {  	[smem:$0x7EC] =	sst s1;
	s0 =	simm.s32 $0x0  }
.LBB2_2:
0x21: {  	s1 =	sld [smem:$0x7F5];
	_ =	sdelay $0x1  }
0x22: {  	[smem:$0x7EA] =	sst s0;
	s20 =	sshll.u32 s0, $0x6  }
0x23: {  	s21 =	rddreg [dreg:$0x14];
	s0 =	sadd.s32 s1, s20  }
0x24: {  	[smem:$0x7EB] =	sst s0;
	s0 =	sshll.u32 s0, $0x2  }
0x25: {  	s8 =	simm.s32 $0x0;
	s0 =	sadd.s32 s21, s0  }
0x26: {  	[tilespmem:s8], [sflag:$0x2] =	stream.linear.gather [hbm4b:s0+s8], $0x800, $0x38;
	[tilespmem:$0x1AE80] =	vst v63  }
0x27: {  	_ =	swait.ge [sflag:s2], $0x800  }
0x28: {  	[sflag:s2] =	ssyncset.done $0x0  }
0x29: {  	[sflag:s2] =	ssyncadd.s32 $0xFFFFF800  }
0x2a: {  	v2 =	vld.idx.msk [tilespmem:v1+s8+$0x0], $0xffff;
	_ =	sdelay $0x3  }
0x2b: {  	s22 =	simm.s32 $0x800  }
0x2c: {  	[tilespmem:v0+s22+$0x0] =	vst.idx.msk $0xffff, v2;
	v2 =	vld [tilespmem:$0x1FFA0];
	_ =	sdelay $0x7  }
0x2d: {  	v2 =	vld.idx.msk [tilespmem:v2+s8+$0x0], $0xffff;
	_ =	sdelay $0x4  }
0x2e: {  	[tilespmem:v3+s22+$0x0] =	vst.idx.msk $0xffff, v2;
	v2 =	vld [tilespmem:$0x1FFB0];
	_ =	sdelay $0x4  }
0x2f: {  	v4 =	vld [tilespmem:$0x1FFC0];
	_ =	sdelay $0x2  }
0x30: {  	v2 =	vld.idx.msk [tilespmem:v2+s8+$0x0], $0xffff;
	_ =	sdelay $0x4  }
0x31: {  	[tilespmem:v4+s22+$0x0] =	vst.idx.msk $0xffff, v2;
	v2 =	vld [tilespmem:$0x1FFD0];
	_ =	sdelay $0x4  }
0x32: {  	v4 =	vld [tilespmem:$0x1FFE0];
	_ =	sdelay $0x2  }
0x33: {  	v2 =	vld.idx.msk [tilespmem:v2+s8+$0x0], $0xffff;
	_ =	sdelay $0x4  }
0x34: {  	[tilespmem:v4+s22+$0x0] =	vst.idx.msk $0xffff, v2;
	v2 =	vld [tilespmem:$0x1FFF0];
	_ =	sdelay $0x7  }
0x35: {  	v2 =	vld.idx.msk [tilespmem:v2+s8+$0x0], $0xffff;
	_ =	sdelay $0x4  }
0x36: {  	[tilespmem:v9+s22+$0x0] =	vst.idx.msk $0xffff, v2  }
0x37: {  	v2 =	vld.idx.msk [tilespmem:v10+s8+$0x0], $0xffff;
	_ =	sdelay $0x4  }
0x38: {  	[tilespmem:v11+s22+$0x0] =	vst.idx.msk $0xffff, v2  }
0x39: {  	v2 =	vld.idx.msk [tilespmem:v12+s8+$0x0], $0xffff;
	_ =	sdelay $0x4  }
0x3a: {  	[tilespmem:v13+s22+$0x0] =	vst.idx.msk $0xffff, v2  }
0x3b: {  	v2 =	vld.idx.msk [tilespmem:v14+s8+$0x0], $0xffff;
	_ =	sdelay $0x4  }
0x3c: {  	[tilespmem:v15+s22+$0x0] =	vst.idx.msk $0xffff, v2  }
0x3d: {  	v2 =	vld.idx.msk [tilespmem:v16+s8+$0x0], $0xffff;
	_ =	sdelay $0x4  }
0x3e: {  	[tilespmem:v17+s22+$0x0] =	vst.idx.msk $0xffff, v2  }
0x3f: {  	v2 =	vld.idx.msk [tilespmem:v18+s8+$0x0], $0xffff;
	_ =	sdelay $0x4  }
0x40: {  	[tilespmem:v19+s22+$0x0] =	vst.idx.msk $0xffff, v2  }
0x41: {  	v2 =	vld.idx.msk [tilespmem:v20+s8+$0x0], $0xffff;
	_ =	sdelay $0x4  }
0x42: {  	[tilespmem:v21+s22+$0x0] =	vst.idx.msk $0xffff, v2  }
0x43: {  	v2 =	vld.idx.msk [tilespmem:v22+s8+$0x0], $0xffff;
	_ =	sdelay $0x4  }
0x44: {  	[tilespmem:v23+s22+$0x0] =	vst.idx.msk $0xffff, v2  }
0x45: {  	v2 =	vld.idx.msk [tilespmem:v24+s8+$0x0], $0xffff;
	_ =	sdelay $0x4  }
0x46: {  	[tilespmem:v25+s22+$0x0] =	vst.idx.msk $0xffff, v2  }
0x47: {  	v2 =	vld.idx.msk [tilespmem:v26+s8+$0x0], $0xffff;
	_ =	sdelay $0x4  }
0x48: {  	[tilespmem:v27+s22+$0x0] =	vst.idx.msk $0xffff, v2  }
0x49: {  	v2 =	vld.idx.msk [tilespmem:v28+s8+$0x0], $0xffff;
	_ =	sdelay $0x4  }
0x4a: {  	[tilespmem:v29+s22+$0x0] =	vst.idx.msk $0xffff, v2  }
0x4b: {  	v2 =	vld.idx.msk [tilespmem:v30+s8+$0x0], $0xffff;
	_ =	sdelay $0x4  }
0x4c: {  	[tilespmem:v31+s22+$0x0] =	vst.idx.msk $0xffff, v2  }
0x4d: {  	v2 =	vld.idx.msk [tilespmem:v32+s8+$0x0], $0xffff;
	_ =	sdelay $0x4  }
0x4e: {  	[tilespmem:v33+s22+$0x0] =	vst.idx.msk $0xffff, v2  }
0x4f: {  	v2 =	vld.idx.msk [tilespmem:v34+s8+$0x0], $0xffff;
	_ =	sdelay $0x4  }
0x50: {  	[tilespmem:v35+s22+$0x0] =	vst.idx.msk $0xffff, v2  }
0x51: {  	v2 =	vld.idx.msk [tilespmem:v36+s8+$0x0], $0xffff;
	_ =	sdelay $0x4  }
0x52: {  	[tilespmem:v37+s22+$0x0] =	vst.idx.msk $0xffff, v2  }
0x53: {  	v2 =	vld.idx.msk [tilespmem:v38+s8+$0x0], $0xffff;
	_ =	sdelay $0x4  }
0x54: {  	[tilespmem:v39+s22+$0x0] =	vst.idx.msk $0xffff, v2  }
0x55: {  	v2 =	vld.idx.msk [tilespmem:v40+s8+$0x0], $0xffff;
	_ =	sdelay $0x4  }
0x56: {  	[tilespmem:v41+s22+$0x0] =	vst.idx.msk $0xffff, v2  }
0x57: {  	v2 =	vld.idx.msk [tilespmem:v42+s8+$0x0], $0xffff;
	_ =	sdelay $0x4  }
0x58: {  	[tilespmem:v43+s22+$0x0] =	vst.idx.msk $0xffff, v2  }
0x59: {  	v2 =	vld.idx.msk [tilespmem:v44+s8+$0x0], $0xffff;
	_ =	sdelay $0x4  }
0x5a: {  	[tilespmem:v45+s22+$0x0] =	vst.idx.msk $0xffff, v2  }
0x5b: {  	v2 =	vld.idx.msk [tilespmem:v46+s8+$0x0], $0xffff;
	_ =	sdelay $0x4  }
0x5c: {  	[tilespmem:v47+s22+$0x0] =	vst.idx.msk $0xffff, v2  }
0x5d: {  	v2 =	vld.idx.msk [tilespmem:v48+s8+$0x0], $0xffff;
	_ =	sdelay $0x4  }
0x5e: {  	[tilespmem:v49+s22+$0x0] =	vst.idx.msk $0xffff, v2  }
0x5f: {  	v2 =	vld.idx.msk [tilespmem:v50+s8+$0x0], $0xffff;
	_ =	sdelay $0x4  }
0x60: {  	[tilespmem:v51+s22+$0x0] =	vst.idx.msk $0xffff, v2  }
0x61: {  	v2 =	vld.idx.msk [tilespmem:v52+s8+$0x0], $0xffff;
	_ =	sdelay $0x4  }
0x62: {  	[tilespmem:v53+s22+$0x0] =	vst.idx.msk $0xffff, v2  }
0x63: {  	v2 =	vld.idx.msk [tilespmem:v54+s8+$0x0], $0xffff;
	_ =	sdelay $0x4  }
0x64: {  	[tilespmem:v55+s22+$0x0] =	vst.idx.msk $0xffff, v2  }
0x65: {  	v2 =	vld.idx.msk [tilespmem:v56+s8+$0x0], $0xffff;
	_ =	sdelay $0x4  }
0x66: {  	[tilespmem:v57+s22+$0x0] =	vst.idx.msk $0xffff, v2  }
0x67: {  	v2 =	vld.idx.msk [tilespmem:v58+s8+$0x0], $0xffff;
	_ =	sdelay $0x4  }
0x68: {  	[tilespmem:v59+s22+$0x0] =	vst.idx.msk $0xffff, v2  }
0x69: {  	v2 =	vld.idx.msk [tilespmem:v60+s8+$0x0], $0xffff;
	_ =	sdelay $0x4  }
0x6a: {  	[tilespmem:v61+s22+$0x0] =	vst.idx.msk $0xffff, v2  }
0x6b: {  	v2 =	vld.idx.msk [tilespmem:v62+s8+$0x0], $0xffff  }
0x6c: {  	v4 =	vor.u32 $0x8, v1;
	_ =	sdelay $0x3  }
0x6d: {  	[tilespmem:v63+s22+$0x0] =	vst.idx.msk $0xffff, v2  }
0x6e: {  	v2 =	vld.idx.msk [tilespmem:v4+s8+$0x0], $0xffff;
	v4 =	vor.u32 $0x200, v0  }
0x6f: {  	v5 =	vor.u32 $0x208, v1;
	_ =	sdelay $0x3  }
0x70: {  	[tilespmem:v4+s22+$0x0] =	vst.idx.msk $0xffff, v2  }
0x71: {  	v4 =	vor.u32 $0x210, v0;
	v2 =	vld.idx.msk [tilespmem:v5+s8+$0x0], $0xffff  }
0x72: {  	v5 =	vor.u32 $0x408, v1;
	_ =	sdelay $0x3  }
0x73: {  	[tilespmem:v4+s22+$0x0] =	vst.idx.msk $0xffff, v2  }
0x74: {  	v4 =	vor.u32 $0x220, v0;
	v2 =	vld.idx.msk [tilespmem:v5+s8+$0x0], $0xffff  }
0x75: {  	v5 =	vor.u32 $0x608, v1;
	_ =	sdelay $0x3  }
0x76: {  	[tilespmem:v4+s22+$0x0] =	vst.idx.msk $0xffff, v2  }
0x77: {  	v4 =	vor.u32 $0x230, v0;
	v2 =	vld.idx.msk [tilespmem:v5+s8+$0x0], $0xffff  }
0x78: {  	v5 =	vor.u32 $0x9, v1;
	_ =	sdelay $0x3  }
0x79: {  	[tilespmem:v4+s22+$0x0] =	vst.idx.msk $0xffff, v2  }
0x7a: {  	v4 =	vor.u32 $0x240, v0;
	v2 =	vld.idx.msk [tilespmem:v5+s8+$0x0], $0xffff  }
0x7b: {  	v5 =	vor.u32 $0x209, v1;
	_ =	sdelay $0x3  }
0x7c: {  	[tilespmem:v4+s22+$0x0] =	vst.idx.msk $0xffff, v2  }
0x7d: {  	v4 =	vor.u32 $0x250, v0;
	v2 =	vld.idx.msk [tilespmem:v5+s8+$0x0], $0xffff  }
0x7e: {  	v5 =	vor.u32 $0x409, v1;
	_ =	sdelay $0x3  }
0x7f: {  	[tilespmem:v4+s22+$0x0] =	vst.idx.msk $0xffff, v2  }
0x80: {  	v4 =	vor.u32 $0x260, v0;
	v2 =	vld.idx.msk [tilespmem:v5+s8+$0x0], $0xffff  }
0x81: {  	v5 =	vor.u32 $0x609, v1;
	_ =	sdelay $0x3  }
0x82: {  	[tilespmem:v4+s22+$0x0] =	vst.idx.msk $0xffff, v2  }
0x83: {  	v4 =	vor.u32 $0x270, v0;
	v2 =	vld.idx.msk [tilespmem:v5+s8+$0x0], $0xffff  }
0x84: {  	v5 =	vor.u32 $0xA, v1;
	_ =	sdelay $0x3  }
0x85: {  	[tilespmem:v4+s22+$0x0] =	vst.idx.msk $0xffff, v2  }
0x86: {  	v4 =	vor.u32 $0x280, v0;
	v2 =	vld.idx.msk [tilespmem:v5+s8+$0x0], $0xffff  }
0x87: {  	v5 =	vor.u32 $0x20A, v1;
	_ =	sdelay $0x3  }
0x88: {  	[tilespmem:v4+s22+$0x0] =	vst.idx.msk $0xffff, v2  }
0x89: {  	v4 =	vor.u32 $0x290, v0;
	v2 =	vld.idx.msk [tilespmem:v5+s8+$0x0], $0xffff  }
0x8a: {  	v5 =	vor.u32 $0x40A, v1;
	_ =	sdelay $0x3  }
0x8b: {  	[tilespmem:v4+s22+$0x0] =	vst.idx.msk $0xffff, v2  }
0x8c: {  	v4 =	vor.u32 $0x2A0, v0;
	v2 =	vld.idx.msk [tilespmem:v5+s8+$0x0], $0xffff  }
0x8d: {  	v5 =	vor.u32 $0x60A, v1;
	_ =	sdelay $0x3  }
0x8e: {  	[tilespmem:v4+s22+$0x0] =	vst.idx.msk $0xffff, v2  }
0x8f: {  	v4 =	vor.u32 $0x2B0, v0;
	v2 =	vld.idx.msk [tilespmem:v5+s8+$0x0], $0xffff  }
0x90: {  	v5 =	vor.u32 $0xB, v1;
	_ =	sdelay $0x3  }
0x91: {  	[tilespmem:v4+s22+$0x0] =	vst.idx.msk $0xffff, v2  }
0x92: {  	v4 =	vor.u32 $0x2C0, v0;
	v2 =	vld.idx.msk [tilespmem:v5+s8+$0x0], $0xffff  }
0x93: {  	v5 =	vor.u32 $0x20B, v1;
	_ =	sdelay $0x3  }
0x94: {  	[tilespmem:v4+s22+$0x0] =	vst.idx.msk $0xffff, v2  }
0x95: {  	v4 =	vor.u32 $0x2D0, v0;
	v2 =	vld.idx.msk [tilespmem:v5+s8+$0x0], $0xffff  }
0x96: {  	v5 =	vor.u32 $0x40B, v1;
	_ =	sdelay $0x3  }
0x97: {  	[tilespmem:v4+s22+$0x0] =	vst.idx.msk $0xffff, v2  }
0x98: {  	v4 =	vor.u32 $0x2E0, v0;
	v2 =	vld.idx.msk [tilespmem:v5+s8+$0x0], $0xffff  }
0x99: {  	v5 =	vor.u32 $0x60B, v1;
	_ =	sdelay $0x3  }
0x9a: {  	[tilespmem:v4+s22+$0x0] =	vst.idx.msk $0xffff, v2  }
0x9b: {  	v4 =	vor.u32 $0x2F0, v0;
	v2 =	vld.idx.msk [tilespmem:v5+s8+$0x0], $0xffff  }
0x9c: {  	v5 =	vor.u32 $0xC, v1;
	_ =	sdelay $0x3  }
0x9d: {  	[tilespmem:v4+s22+$0x0] =	vst.idx.msk $0xffff, v2  }
0x9e: {  	v4 =	vor.u32 $0x300, v0;
	v2 =	vld.idx.msk [tilespmem:v5+s8+$0x0], $0xffff  }
0x9f: {  	v5 =	vor.u32 $0x20C, v1;
	_ =	sdelay $0x3  }
0xa0: {  	[tilespmem:v4+s22+$0x0] =	vst.idx.msk $0xffff, v2  }
0xa1: {  	v4 =	vor.u32 $0x310, v0;
	v2 =	vld.idx.msk [tilespmem:v5+s8+$0x0], $0xffff  }
0xa2: {  	v5 =	vor.u32 $0x40C, v1;
	_ =	sdelay $0x3  }
0xa3: {  	[tilespmem:v4+s22+$0x0] =	vst.idx.msk $0xffff, v2  }
0xa4: {  	v4 =	vor.u32 $0x320, v0;
	v2 =	vld.idx.msk [tilespmem:v5+s8+$0x0], $0xffff  }
0xa5: {  	v5 =	vor.u32 $0x60C, v1;
	_ =	sdelay $0x3  }
0xa6: {  	[tilespmem:v4+s22+$0x0] =	vst.idx.msk $0xffff, v2  }
0xa7: {  	v4 =	vor.u32 $0x330, v0;
	v2 =	vld.idx.msk [tilespmem:v5+s8+$0x0], $0xffff  }
0xa8: {  	v5 =	vor.u32 $0xD, v1;
	_ =	sdelay $0x3  }
0xa9: {  	[tilespmem:v4+s22+$0x0] =	vst.idx.msk $0xffff, v2  }
0xaa: {  	v4 =	vor.u32 $0x340, v0;
	v2 =	vld.idx.msk [tilespmem:v5+s8+$0x0], $0xffff  }
0xab: {  	v5 =	vor.u32 $0x20D, v1;
	_ =	sdelay $0x3  }
0xac: {  	[tilespmem:v4+s22+$0x0] =	vst.idx.msk $0xffff, v2  }
0xad: {  	v4 =	vor.u32 $0x350, v0;
	v2 =	vld.idx.msk [tilespmem:v5+s8+$0x0], $0xffff  }
0xae: {  	v5 =	vor.u32 $0x40D, v1;
	_ =	sdelay $0x3  }
0xaf: {  	[tilespmem:v4+s22+$0x0] =	vst.idx.msk $0xffff, v2  }
0xb0: {  	v4 =	vor.u32 $0x360, v0;
	v2 =	vld.idx.msk [tilespmem:v5+s8+$0x0], $0xffff  }
0xb1: {  	v5 =	vor.u32 $0x60D, v1;
	_ =	sdelay $0x3  }
0xb2: {  	[tilespmem:v4+s22+$0x0] =	vst.idx.msk $0xffff, v2  }
0xb3: {  	v4 =	vor.u32 $0x370, v0;
	v2 =	vld.idx.msk [tilespmem:v5+s8+$0x0], $0xffff  }
0xb4: {  	v5 =	vor.u32 $0xE, v1;
	_ =	sdelay $0x3  }
0xb5: {  	[tilespmem:v4+s22+$0x0] =	vst.idx.msk $0xffff, v2  }
0xb6: {  	v4 =	vor.u32 $0x380, v0;
	v2 =	vld.idx.msk [tilespmem:v5+s8+$0x0], $0xffff  }
0xb7: {  	v5 =	vor.u32 $0x20E, v1;
	_ =	sdelay $0x3  }
0xb8: {  	[tilespmem:v4+s22+$0x0] =	vst.idx.msk $0xffff, v2  }
0xb9: {  	v4 =	vor.u32 $0x390, v0;
	v2 =	vld.idx.msk [tilespmem:v5+s8+$0x0], $0xffff  }
0xba: {  	v5 =	vor.u32 $0x40E, v1;
	_ =	sdelay $0x3  }
0xbb: {  	[tilespmem:v4+s22+$0x0] =	vst.idx.msk $0xffff, v2  }
0xbc: {  	v4 =	vor.u32 $0x3A0, v0;
	v2 =	vld.idx.msk [tilespmem:v5+s8+$0x0], $0xffff  }
0xbd: {  	v5 =	vor.u32 $0x60E, v1;
	_ =	sdelay $0x3  }
0xbe: {  	[tilespmem:v4+s22+$0x0] =	vst.idx.msk $0xffff, v2  }
0xbf: {  	v4 =	vor.u32 $0x3B0, v0;
	v2 =	vld.idx.msk [tilespmem:v5+s8+$0x0], $0xffff  }
0xc0: {  	v5 =	vor.u32 $0xF, v1;
	_ =	sdelay $0x3  }
0xc1: {  	[tilespmem:v4+s22+$0x0] =	vst.idx.msk $0xffff, v2  }
0xc2: {  	v4 =	vor.u32 $0x3C0, v0;
	v2 =	vld.idx.msk [tilespmem:v5+s8+$0x0], $0xffff  }
0xc3: {  	v5 =	vor.u32 $0x20F, v1;
	_ =	sdelay $0x3  }
0xc4: {  	[tilespmem:v4+s22+$0x0] =	vst.idx.msk $0xffff, v2  }
0xc5: {  	v4 =	vor.u32 $0x3D0, v0;
	v2 =	vld.idx.msk [tilespmem:v5+s8+$0x0], $0xffff  }
0xc6: {  	v5 =	vor.u32 $0x40F, v1;
	_ =	sdelay $0x3  }
0xc7: {  	[tilespmem:v4+s22+$0x0] =	vst.idx.msk $0xffff, v2  }
0xc8: {  	v4 =	vor.u32 $0x3E0, v0;
	v2 =	vld.idx.msk [tilespmem:v5+s8+$0x0], $0xffff  }
0xc9: {  	v5 =	vor.u32 $0x60F, v1;
	_ =	sdelay $0x3  }
0xca: {  	[tilespmem:v4+s22+$0x0] =	vst.idx.msk $0xffff, v2  }
0xcb: {  	v4 =	vor.u32 $0x3F0, v0;
	v2 =	vld.idx.msk [tilespmem:v5+s8+$0x0], $0xffff  }
0xcc: {  	v5 =	vor.u32 $0x10, v1;
	_ =	sdelay $0x3  }
0xcd: {  	[tilespmem:v4+s22+$0x0] =	vst.idx.msk $0xffff, v2  }
0xce: {  	v4 =	vor.u32 $0x400, v0;
	v2 =	vld.idx.msk [tilespmem:v5+s8+$0x0], $0xffff  }
0xcf: {  	v5 =	vor.u32 $0x210, v1;
	_ =	sdelay $0x3  }
0xd0: {  	[tilespmem:v4+s22+$0x0] =	vst.idx.msk $0xffff, v2  }
0xd1: {  	v4 =	vor.u32 $0x410, v0;
	v2 =	vld.idx.msk [tilespmem:v5+s8+$0x0], $0xffff  }
0xd2: {  	v5 =	vor.u32 $0x410, v1;
	_ =	sdelay $0x3  }
0xd3: {  	[tilespmem:v4+s22+$0x0] =	vst.idx.msk $0xffff, v2  }
0xd4: {  	v4 =	vor.u32 $0x420, v0;
	v2 =	vld.idx.msk [tilespmem:v5+s8+$0x0], $0xffff  }
0xd5: {  	v5 =	vor.u32 $0x610, v1;
	_ =	sdelay $0x3  }
0xd6: {  	[tilespmem:v4+s22+$0x0] =	vst.idx.msk $0xffff, v2  }
0xd7: {  	v4 =	vor.u32 $0x430, v0;
	v2 =	vld.idx.msk [tilespmem:v5+s8+$0x0], $0xffff  }
0xd8: {  	v5 =	vor.u32 $0x11, v1;
	_ =	sdelay $0x3  }
0xd9: {  	[tilespmem:v4+s22+$0x0] =	vst.idx.msk $0xffff, v2  }
0xda: {  	v4 =	vor.u32 $0x440, v0;
	v2 =	vld.idx.msk [tilespmem:v5+s8+$0x0], $0xffff  }
0xdb: {  	v5 =	vor.u32 $0x211, v1;
	_ =	sdelay $0x3  }
0xdc: {  	[tilespmem:v4+s22+$0x0] =	vst.idx.msk $0xffff, v2  }
0xdd: {  	v4 =	vor.u32 $0x450, v0;
	v2 =	vld.idx.msk [tilespmem:v5+s8+$0x0], $0xffff  }
0xde: {  	v5 =	vor.u32 $0x411, v1;
	_ =	sdelay $0x3  }
0xdf: {  	[tilespmem:v4+s22+$0x0] =	vst.idx.msk $0xffff, v2  }
0xe0: {  	v4 =	vor.u32 $0x460, v0;
	v2 =	vld.idx.msk [tilespmem:v5+s8+$0x0], $0xffff  }
0xe1: {  	v5 =	vor.u32 $0x611, v1;
	_ =	sdelay $0x3  }
0xe2: {  	[tilespmem:v4+s22+$0x0] =	vst.idx.msk $0xffff, v2  }
0xe3: {  	v4 =	vor.u32 $0x470, v0;
	v2 =	vld.idx.msk [tilespmem:v5+s8+$0x0], $0xffff  }
0xe4: {  	v5 =	vor.u32 $0x12, v1;
	_ =	sdelay $0x3  }
0xe5: {  	[tilespmem:v4+s22+$0x0] =	vst.idx.msk $0xffff, v2  }
0xe6: {  	v4 =	vor.u32 $0x480, v0;
	v2 =	vld.idx.msk [tilespmem:v5+s8+$0x0], $0xffff  }
0xe7: {  	v5 =	vor.u32 $0x212, v1;
	_ =	sdelay $0x3  }
0xe8: {  	[tilespmem:v4+s22+$0x0] =	vst.idx.msk $0xffff, v2  }
0xe9: {  	v4 =	vor.u32 $0x490, v0;
	v2 =	vld.idx.msk [tilespmem:v5+s8+$0x0], $0xffff  }
0xea: {  	v5 =	vor.u32 $0x412, v1;
	_ =	sdelay $0x3  }
0xeb: {  	[tilespmem:v4+s22+$0x0] =	vst.idx.msk $0xffff, v2  }
0xec: {  	v4 =	vor.u32 $0x4A0, v0;
	v2 =	vld.idx.msk [tilespmem:v5+s8+$0x0], $0xffff  }
0xed: {  	v5 =	vor.u32 $0x612, v1;
	_ =	sdelay $0x3  }
0xee: {  	[tilespmem:v4+s22+$0x0] =	vst.idx.msk $0xffff, v2  }
0xef: {  	v4 =	vor.u32 $0x4B0, v0;
	v2 =	vld.idx.msk [tilespmem:v5+s8+$0x0], $0xffff  }
0xf0: {  	v5 =	vor.u32 $0x13, v1;
	_ =	sdelay $0x3  }
0xf1: {  	[tilespmem:v4+s22+$0x0] =	vst.idx.msk $0xffff, v2  }
0xf2: {  	v4 =	vor.u32 $0x4C0, v0;
	v2 =	vld.idx.msk [tilespmem:v5+s8+$0x0], $0xffff  }
0xf3: {  	v5 =	vor.u32 $0x213, v1;
	_ =	sdelay $0x3  }
0xf4: {  	[tilespmem:v4+s22+$0x0] =	vst.idx.msk $0xffff, v2  }
0xf5: {  	v4 =	vor.u32 $0x4D0, v0;
	v2 =	vld.idx.msk [tilespmem:v5+s8+$0x0], $0xffff  }
0xf6: {  	v5 =	vor.u32 $0x413, v1;
	_ =	sdelay $0x3  }
0xf7: {  	[tilespmem:v4+s22+$0x0] =	vst.idx.msk $0xffff, v2  }
0xf8: {  	v4 =	vor.u32 $0x4E0, v0;
	v2 =	vld.idx.msk [tilespmem:v5+s8+$0x0], $0xffff  }
0xf9: {  	v5 =	vor.u32 $0x613, v1;
	_ =	sdelay $0x3  }
0xfa: {  	[tilespmem:v4+s22+$0x0] =	vst.idx.msk $0xffff, v2  }
0xfb: {  	v4 =	vor.u32 $0x4F0, v0;
	v2 =	vld.idx.msk [tilespmem:v5+s8+$0x0], $0xffff  }
0xfc: {  	v5 =	vor.u32 $0x14, v1;
	_ =	sdelay $0x3  }
0xfd: {  	[tilespmem:v4+s22+$0x0] =	vst.idx.msk $0xffff, v2  }
0xfe: {  	v4 =	vor.u32 $0x500, v0;
	v2 =	vld.idx.msk [tilespmem:v5+s8+$0x0], $0xffff  }
0xff: {  	v5 =	vor.u32 $0x214, v1;
	_ =	sdelay $0x3  }
0x100: {  	[tilespmem:v4+s22+$0x0] =	vst.idx.msk $0xffff, v2  }
0x101: {  	v4 =	vor.u32 $0x510, v0;
	v2 =	vld.idx.msk [tilespmem:v5+s8+$0x0], $0xffff  }
0x102: {  	v5 =	vor.u32 $0x414, v1;
	_ =	sdelay $0x3  }
0x103: {  	[tilespmem:v4+s22+$0x0] =	vst.idx.msk $0xffff, v2  }
0x104: {  	v4 =	vor.u32 $0x520, v0;
	v2 =	vld.idx.msk [tilespmem:v5+s8+$0x0], $0xffff  }
0x105: {  	v5 =	vor.u32 $0x614, v1;
	_ =	sdelay $0x3  }
0x106: {  	[tilespmem:v4+s22+$0x0] =	vst.idx.msk $0xffff, v2  }
0x107: {  	v4 =	vor.u32 $0x530, v0;
	v2 =	vld.idx.msk [tilespmem:v5+s8+$0x0], $0xffff  }
0x108: {  	v5 =	vor.u32 $0x15, v1;
	_ =	sdelay $0x3  }
0x109: {  	[tilespmem:v4+s22+$0x0] =	vst.idx.msk $0xffff, v2  }
0x10a: {  	v4 =	vor.u32 $0x540, v0;
	v2 =	vld.idx.msk [tilespmem:v5+s8+$0x0], $0xffff  }
0x10b: {  	v5 =	vor.u32 $0x215, v1;
	_ =	sdelay $0x3  }
0x10c: {  	[tilespmem:v4+s22+$0x0] =	vst.idx.msk $0xffff, v2  }
0x10d: {  	v4 =	vor.u32 $0x550, v0;
	v2 =	vld.idx.msk [tilespmem:v5+s8+$0x0], $0xffff  }
0x10e: {  	v5 =	vor.u32 $0x415, v1;
	_ =	sdelay $0x3  }
0x10f: {  	[tilespmem:v4+s22+$0x0] =	vst.idx.msk $0xffff, v2  }
0x110: {  	v4 =	vor.u32 $0x560, v0;
	v2 =	vld.idx.msk [tilespmem:v5+s8+$0x0], $0xffff  }
0x111: {  	v5 =	vor.u32 $0x615, v1;
	_ =	sdelay $0x3  }
0x112: {  	[tilespmem:v4+s22+$0x0] =	vst.idx.msk $0xffff, v2  }
0x113: {  	v4 =	vor.u32 $0x570, v0;
	v2 =	vld.idx.msk [tilespmem:v5+s8+$0x0], $0xffff  }
0x114: {  	v5 =	vor.u32 $0x16, v1;
	_ =	sdelay $0x3  }
0x115: {  	[tilespmem:v4+s22+$0x0] =	vst.idx.msk $0xffff, v2  }
0x116: {  	v4 =	vor.u32 $0x580, v0;
	v2 =	vld.idx.msk [tilespmem:v5+s8+$0x0], $0xffff  }
0x117: {  	v5 =	vor.u32 $0x216, v1;
	_ =	sdelay $0x3  }
0x118: {  	[tilespmem:v4+s22+$0x0] =	vst.idx.msk $0xffff, v2  }
0x119: {  	v4 =	vor.u32 $0x590, v0;
	v2 =	vld.idx.msk [tilespmem:v5+s8+$0x0], $0xffff  }
0x11a: {  	v5 =	vor.u32 $0x416, v1;
	_ =	sdelay $0x3  }
0x11b: {  	[tilespmem:v4+s22+$0x0] =	vst.idx.msk $0xffff, v2  }
0x11c: {  	v4 =	vor.u32 $0x5A0, v0;
	v2 =	vld.idx.msk [tilespmem:v5+s8+$0x0], $0xffff  }
0x11d: {  	v5 =	vor.u32 $0x616, v1;
	_ =	sdelay $0x3  }
0x11e: {  	[tilespmem:v4+s22+$0x0] =	vst.idx.msk $0xffff, v2  }
0x11f: {  	v4 =	vor.u32 $0x5B0, v0;
	v2 =	vld.idx.msk [tilespmem:v5+s8+$0x0], $0xffff  }
0x120: {  	v5 =	vor.u32 $0x17, v1;
	_ =	sdelay $0x3  }
0x121: {  	[tilespmem:v4+s22+$0x0] =	vst.idx.msk $0xffff, v2  }
0x122: {  	v4 =	vor.u32 $0x5C0, v0;
	v2 =	vld.idx.msk [tilespmem:v5+s8+$0x0], $0xffff  }
0x123: {  	v5 =	vor.u32 $0x217, v1;
	_ =	sdelay $0x3  }
0x124: {  	[tilespmem:v4+s22+$0x0] =	vst.idx.msk $0xffff, v2  }
0x125: {  	v4 =	vor.u32 $0x5D0, v0;
	v2 =	vld.idx.msk [tilespmem:v5+s8+$0x0], $0xffff  }
0x126: {  	v5 =	vor.u32 $0x417, v1;
	_ =	sdelay $0x3  }
0x127: {  	[tilespmem:v4+s22+$0x0] =	vst.idx.msk $0xffff, v2  }
0x128: {  	v4 =	vor.u32 $0x5E0, v0;
	v2 =	vld.idx.msk [tilespmem:v5+s8+$0x0], $0xffff  }
0x129: {  	v5 =	vor.u32 $0x617, v1;
	_ =	sdelay $0x3  }
0x12a: {  	[tilespmem:v4+s22+$0x0] =	vst.idx.msk $0xffff, v2  }
0x12b: {  	v4 =	vor.u32 $0x5F0, v0;
	v2 =	vld.idx.msk [tilespmem:v5+s8+$0x0], $0xffff  }
0x12c: {  	v5 =	vor.u32 $0x18, v1;
	_ =	sdelay $0x3  }
0x12d: {  	[tilespmem:v4+s22+$0x0] =	vst.idx.msk $0xffff, v2  }
0x12e: {  	v4 =	vor.u32 $0x600, v0;
	v2 =	vld.idx.msk [tilespmem:v5+s8+$0x0], $0xffff  }
0x12f: {  	v5 =	vor.u32 $0x218, v1;
	_ =	sdelay $0x3  }
0x130: {  	[tilespmem:v4+s22+$0x0] =	vst.idx.msk $0xffff, v2  }
0x131: {  	v4 =	vor.u32 $0x610, v0;
	v2 =	vld.idx.msk [tilespmem:v5+s8+$0x0], $0xffff  }
0x132: {  	v5 =	vor.u32 $0x418, v1;
	_ =	sdelay $0x3  }
0x133: {  	[tilespmem:v4+s22+$0x0] =	vst.idx.msk $0xffff, v2  }
0x134: {  	v4 =	vor.u32 $0x620, v0;
	v2 =	vld.idx.msk [tilespmem:v5+s8+$0x0], $0xffff  }
0x135: {  	v5 =	vor.u32 $0x618, v1;
	_ =	sdelay $0x3  }
0x136: {  	[tilespmem:v4+s22+$0x0] =	vst.idx.msk $0xffff, v2  }
0x137: {  	v4 =	vor.u32 $0x630, v0;
	v2 =	vld.idx.msk [tilespmem:v5+s8+$0x0], $0xffff  }
0x138: {  	v5 =	vor.u32 $0x19, v1;
	_ =	sdelay $0x3  }
0x139: {  	[tilespmem:v4+s22+$0x0] =	vst.idx.msk $0xffff, v2  }
0x13a: {  	v4 =	vor.u32 $0x640, v0;
	v2 =	vld.idx.msk [tilespmem:v5+s8+$0x0], $0xffff  }
0x13b: {  	v5 =	vor.u32 $0x219, v1;
	_ =	sdelay $0x3  }
0x13c: {  	[tilespmem:v4+s22+$0x0] =	vst.idx.msk $0xffff, v2  }
0x13d: {  	v4 =	vor.u32 $0x650, v0;
	v2 =	vld.idx.msk [tilespmem:v5+s8+$0x0], $0xffff  }
0x13e: {  	v5 =	vor.u32 $0x419, v1;
	_ =	sdelay $0x3  }
0x13f: {  	[tilespmem:v4+s22+$0x0] =	vst.idx.msk $0xffff, v2  }
0x140: {  	v4 =	vor.u32 $0x660, v0;
	v2 =	vld.idx.msk [tilespmem:v5+s8+$0x0], $0xffff  }
0x141: {  	v5 =	vor.u32 $0x619, v1;
	_ =	sdelay $0x3  }
0x142: {  	[tilespmem:v4+s22+$0x0] =	vst.idx.msk $0xffff, v2  }
0x143: {  	v4 =	vor.u32 $0x670, v0;
	v2 =	vld.idx.msk [tilespmem:v5+s8+$0x0], $0xffff;
	_ =	sdelay $0x3  }
0x144: {  	s23 =	rddreg [dreg:$0x15]  }
0x145: {  	s24 =	rddreg [dreg:$0x19];
	s2 =	simm.s32 $0x40;
	[tilespmem:v4+s22+$0x0] =	vst.idx.msk $0xffff, v2  }
0x146: {  	[tilespmem:s3], [sflag:$0x1] =	stream.indirect.gather [hbm4b:s23+s2], $0x20, s22, s2, $0xb8;
	[tilespmem:$0x1AE80] =	vst v63  }
0x147: {  	s25 =	simm.s32 $0x840;
	s4 =	simm.s32 $0x1680;
	s26 =	rddreg [dreg:$0x16]  }
0x148: {  	[tilespmem:s4], [sflag:$0x1] =	stream.indirect.gather [hbm4b:s24+s2], $0x20, s25, s2, $0xb8;
	[tilespmem:$0x1AE80] =	vst v63  }
0x149: {  	s30 =	simm.s32 $0x880;
	s31 =	simm.s32 $0x1E80;
	s11 =	rddreg [dreg:$0x1a]  }
0x14a: {  	[tilespmem:s31], [sflag:$0x1] =	stream.indirect.gather [hbm4b:s26+s2], $0x20, s30, s2, $0xb8;
	[tilespmem:$0x1AE80] =	vst v63  }
0x14b: {  	s6 =	simm.s32 $0x8C0;
	s7 =	simm.s32 $0x2680;
	s4 =	rddreg [dreg:$0x17]  }
0x14c: {  	[tilespmem:s7], [sflag:$0x1] =	stream.indirect.gather [hbm4b:s4+s2], $0x20, s6, s2, $0xb8;
	[tilespmem:$0x1AE80] =	vst v63  }
0x14d: {  	s9 =	simm.s32 $0x900;
	s10 =	simm.s32 $0x2E80;
	s8 =	rddreg [dreg:$0x18]  }
0x14e: {  	[tilespmem:s10], [sflag:$0x1] =	stream.indirect.gather [hbm4b:s8+s2], $0x20, s9, s2, $0xb8;
	[tilespmem:$0x1AE80] =	vst v63  }
0x14f: {  	s12 =	simm.s32 $0x940;
	s13 =	simm.s32 $0x3680;
	s14 =	rddreg [dreg:$0x1b]  }
0x150: {  	[tilespmem:s13], [sflag:$0x1] =	stream.indirect.gather [hbm4b:s11+s2], $0x20, s12, s2, $0xb8;
	[tilespmem:$0x1AE80] =	vst v63  }
0x151: {  	s15 =	simm.s32 $0x980;
	s16 =	simm.s32 $0x3E80;
	s17 =	rddreg [dreg:$0x1c]  }
0x152: {  	[tilespmem:s16], [sflag:$0x1] =	stream.indirect.gather [hbm4b:s14+s2], $0x20, s15, s2, $0xb8;
	[tilespmem:$0x1AE80] =	vst v63  }
0x153: {  	s18 =	simm.s32 $0x9C0;
	s19 =	simm.s32 $0x4680;
	s20 =	rddreg [dreg:$0x1d]  }
0x154: {  	[tilespmem:s19], [sflag:$0x1] =	stream.indirect.gather [hbm4b:s17+s2], $0x20, s18, s2, $0xb8;
	[tilespmem:$0x1AE80] =	vst v63  }
0x155: {  	s21 =	simm.s32 $0xA00;
	s22 =	simm.s32 $0x4E80;
	s23 =	rddreg [dreg:$0x1e]  }
0x156: {  	[tilespmem:s22], [sflag:$0x1] =	stream.indirect.gather [hbm4b:s20+s2], $0x20, s21, s2, $0xb8;
	[tilespmem:$0x1AE80] =	vst v63  }
0x157: {  	s24 =	simm.s32 $0xA40;
	s25 =	simm.s32 $0x5680;
	s26 =	rddreg [dreg:$0x1f]  }
0x158: {  	[tilespmem:s25], [sflag:$0x1] =	stream.indirect.gather [hbm4b:s23+s2], $0x20, s24, s2, $0xb8;
	[tilespmem:$0x1AE80] =	vst v63  }
0x159: {  	s30 =	simm.s32 $0xA80;
	s31 =	simm.s32 $0x5E80;
	s4 =	sld [smem:$0x7ED]  }
0x15a: {  	[tilespmem:s31], [sflag:$0x1] =	stream.indirect.gather [hbm4b:s26+s2], $0x20, s30, s2, $0xb8;
	[tilespmem:$0x1AE80] =	vst v63  }
0x15b: {  	s6 =	simm.s32 $0xAC0;
	s7 =	simm.s32 $0x6680;
	s8 =	sld [smem:$0x7EE]  }
0x15c: {  	[tilespmem:s7], [sflag:$0x1] =	stream.indirect.gather [hbm4b:s4+s2], $0x20, s6, s2, $0xb8;
	[tilespmem:$0x1AE80] =	vst v63  }
0x15d: {  	s9 =	simm.s32 $0xB00;
	s10 =	simm.s32 $0x6E80;
	s11 =	sld [smem:$0x7EF]  }
0x15e: {  	[tilespmem:s10], [sflag:$0x1] =	stream.indirect.gather [hbm4b:s8+s2], $0x20, s9, s2, $0xb8;
	[tilespmem:$0x1AE80] =	vst v63  }
0x15f: {  	s12 =	simm.s32 $0xB40;
	s13 =	simm.s32 $0x7680;
	s14 =	sld [smem:$0x7F0]  }
0x160: {  	[tilespmem:s13], [sflag:$0x1] =	stream.indirect.gather [hbm4b:s11+s2], $0x20, s12, s2, $0xb8;
	[tilespmem:$0x1AE80] =	vst v63  }
0x161: {  	s15 =	simm.s32 $0xB80;
	s16 =	simm.s32 $0x7E80;
	s17 =	sld [smem:$0x7F1]  }
0x162: {  	[tilespmem:s16], [sflag:$0x1] =	stream.indirect.gather [hbm4b:s14+s2], $0x20, s15, s2, $0xb8;
	[tilespmem:$0x1AE80] =	vst v63  }
0x163: {  	s18 =	simm.s32 $0xBC0;
	s19 =	simm.s32 $0x8680;
	s20 =	sld [smem:$0x7F2]  }
0x164: {  	[tilespmem:s19], [sflag:$0x1] =	stream.indirect.gather [hbm4b:s17+s2], $0x20, s18, s2, $0xb8;
	[tilespmem:$0x1AE80] =	vst v63  }
0x165: {  	s21 =	simm.s32 $0xC00;
	s22 =	simm.s32 $0x8E80;
	s23 =	sld [smem:$0x7F3]  }
0x166: {  	[tilespmem:s22], [sflag:$0x1] =	stream.indirect.gather [hbm4b:s20+s2], $0x20, s21, s2, $0xb8;
	[tilespmem:$0x1AE80] =	vst v63  }
0x167: {  	s24 =	simm.s32 $0xC40;
	s25 =	simm.s32 $0x9680;
	s26 =	sld [smem:$0x7F4]  }
0x168: {  	[tilespmem:s25], [sflag:$0x1] =	stream.indirect.gather [hbm4b:s23+s2], $0x20, s24, s2, $0xb8;
	[tilespmem:$0x1AE80] =	vst v63  }
0x169: {  	s30 =	simm.s32 $0xC80;
	s31 =	simm.s32 $0x9E80;
	s6 =	sld [smem:$0x7F8]  }
0x16a: {  	[tilespmem:s31], [sflag:$0x1] =	stream.indirect.gather [hbm4b:s26+s2], $0x20, s30, s2, $0xb8;
	[tilespmem:$0x1AE80] =	vst v63  }
0x16b: {  	s7 =	simm.s32 $0xCC0;
	s8 =	simm.s32 $0xA680;
	s9 =	sld [smem:$0x7F6]  }
0x16c: {  	[tilespmem:s8], [sflag:$0x1] =	stream.indirect.gather [hbm4b:s6+s2], $0x20, s7, s2, $0xb8;
	[tilespmem:$0x1AE80] =	vst v63  }
0x16d: {  	s10 =	simm.s32 $0xD00;
	s11 =	simm.s32 $0xAE80;
	s12 =	sld [smem:$0x7F7]  }
0x16e: {  	[tilespmem:s11], [sflag:$0x1] =	stream.indirect.gather [hbm4b:s9+s2], $0x20, s10, s2, $0xb8;
	[tilespmem:$0x1AE80] =	vst v63  }
0x16f: {  	s13 =	simm.s32 $0xD40;
	s14 =	simm.s32 $0xB680;
	s15 =	sld [smem:$0x7F9]  }
0x170: {  	[tilespmem:s14], [sflag:$0x1] =	stream.indirect.gather [hbm4b:s12+s2], $0x20, s13, s2, $0xb8;
	[tilespmem:$0x1AE80] =	vst v63  }
0x171: {  	s16 =	simm.s32 $0xD80;
	s17 =	simm.s32 $0xBE80;
	s18 =	sld [smem:$0x7FA]  }
0x172: {  	[tilespmem:s17], [sflag:$0x1] =	stream.indirect.gather [hbm4b:s15+s2], $0x20, s16, s2, $0xb8;
	[tilespmem:$0x1AE80] =	vst v63  }
0x173: {  	s19 =	simm.s32 $0xDC0;
	s20 =	simm.s32 $0xC680;
	s21 =	sld [smem:$0x7FB]  }
0x174: {  	[tilespmem:s20], [sflag:$0x1] =	stream.indirect.gather [hbm4b:s18+s2], $0x20, s19, s2, $0xb8;
	[tilespmem:$0x1AE80] =	vst v63  }
0x175: {  	s22 =	simm.s32 $0xE00;
	s23 =	simm.s32 $0xCE80;
	s24 =	sld [smem:$0x7FC]  }
0x176: {  	[tilespmem:s23], [sflag:$0x1] =	stream.indirect.gather [hbm4b:s21+s2], $0x20, s22, s2, $0xb8;
	[tilespmem:$0x1AE80] =	vst v63  }
0x177: {  	s25 =	simm.s32 $0xE40;
	s26 =	simm.s32 $0xD680;
	s30 =	simm.s32 $0x1  }
0x178: {  	[tilespmem:s26], [sflag:$0x1] =	stream.indirect.gather [hbm4b:s24+s2], $0x20, s25, s2, $0xb8;
	[tilespmem:$0x1AE80] =	vst v63  }
0x179: {  	_ =	swait.ge [sflag:s30], $0x800  }
0x17a: {  	[sflag:s30] =	ssyncset.done $0x0  }
0x17b: {  	[sflag:s30] =	ssyncadd.s32 $0xFFFFF800  }
0x17c: {  	_ =	swait.ge [sflag:s30], $0x800  }
0x17d: {  	[sflag:s30] =	ssyncset.done $0x0  }
0x17e: {  	[sflag:s30] =	ssyncadd.s32 $0xFFFFF800  }
0x17f: {  	_ =	swait.ge [sflag:s30], $0x800  }
0x180: {  	[sflag:s30] =	ssyncset.done $0x0  }
0x181: {  	[sflag:s30] =	ssyncadd.s32 $0xFFFFF800  }
0x182: {  	_ =	swait.ge [sflag:s30], $0x800  }
0x183: {  	[sflag:s30] =	ssyncset.done $0x0  }
0x184: {  	[sflag:s30] =	ssyncadd.s32 $0xFFFFF800  }
0x185: {  	_ =	swait.ge [sflag:s30], $0x800  }
0x186: {  	[sflag:s30] =	ssyncset.done $0x0  }
0x187: {  	[sflag:s30] =	ssyncadd.s32 $0xFFFFF800  }
0x188: {  	_ =	swait.ge [sflag:s30], $0x800  }
0x189: {  	[sflag:s30] =	ssyncset.done $0x0  }
0x18a: {  	[sflag:s30] =	ssyncadd.s32 $0xFFFFF800  }
0x18b: {  	_ =	swait.ge [sflag:s30], $0x800  }
0x18c: {  	[sflag:s30] =	ssyncset.done $0x0  }
0x18d: {  	[sflag:s30] =	ssyncadd.s32 $0xFFFFF800  }
0x18e: {  	_ =	swait.ge [sflag:s30], $0x800  }
0x18f: {  	[sflag:s30] =	ssyncset.done $0x0  }
0x190: {  	[sflag:s30] =	ssyncadd.s32 $0xFFFFF800  }
0x191: {  	_ =	swait.ge [sflag:s30], $0x800  }
0x192: {  	[sflag:s30] =	ssyncset.done $0x0  }
0x193: {  	[sflag:s30] =	ssyncadd.s32 $0xFFFFF800  }
0x194: {  	_ =	swait.ge [sflag:s30], $0x800  }
0x195: {  	[sflag:s30] =	ssyncset.done $0x0  }
0x196: {  	[sflag:s30] =	ssyncadd.s32 $0xFFFFF800  }
0x197: {  	_ =	swait.ge [sflag:s30], $0x800  }
0x198: {  	[sflag:s30] =	ssyncset.done $0x0  }
0x199: {  	[sflag:s30] =	ssyncadd.s32 $0xFFFFF800  }
0x19a: {  	_ =	swait.ge [sflag:s30], $0x800  }
0x19b: {  	[sflag:s30] =	ssyncset.done $0x0  }
0x19c: {  	[sflag:s30] =	ssyncadd.s32 $0xFFFFF800  }
0x19d: {  	_ =	swait.ge [sflag:s30], $0x800  }
0x19e: {  	[sflag:s30] =	ssyncset.done $0x0  }
0x19f: {  	[sflag:s30] =	ssyncadd.s32 $0xFFFFF800  }
0x1a0: {  	_ =	swait.ge [sflag:s30], $0x800  }
0x1a1: {  	[sflag:s30] =	ssyncset.done $0x0  }
0x1a2: {  	[sflag:s30] =	ssyncadd.s32 $0xFFFFF800  }
0x1a3: {  	_ =	swait.ge [sflag:s30], $0x800  }
0x1a4: {  	[sflag:s30] =	ssyncset.done $0x0  }
0x1a5: {  	[sflag:s30] =	ssyncadd.s32 $0xFFFFF800  }
0x1a6: {  	_ =	swait.ge [sflag:s30], $0x800  }
0x1a7: {  	[sflag:s30] =	ssyncset.done $0x0  }
0x1a8: {  	[sflag:s30] =	ssyncadd.s32 $0xFFFFF800  }
0x1a9: {  	_ =	swait.ge [sflag:s30], $0x800  }
0x1aa: {  	[sflag:s30] =	ssyncset.done $0x0  }
0x1ab: {  	[sflag:s30] =	ssyncadd.s32 $0xFFFFF800  }
0x1ac: {  	_ =	swait.ge [sflag:s30], $0x800  }
0x1ad: {  	[sflag:s30] =	ssyncset.done $0x0  }
0x1ae: {  	[sflag:s30] =	ssyncadd.s32 $0xFFFFF800  }
0x1af: {  	_ =	swait.ge [sflag:s30], $0x800  }
0x1b0: {  	[sflag:s30] =	ssyncset.done $0x0  }
0x1b1: {  	[sflag:s30] =	ssyncadd.s32 $0xFFFFF800  }
0x1b2: {  	_ =	swait.ge [sflag:s30], $0x800  }
0x1b3: {  	[sflag:s30] =	ssyncset.done $0x0  }
0x1b4: {  	[sflag:s30] =	ssyncadd.s32 $0xFFFFF800  }
0x1b5: {  	_ =	swait.ge [sflag:s30], $0x800  }
0x1b6: {  	[sflag:s30] =	ssyncset.done $0x0  }
0x1b7: {  	[sflag:s30] =	ssyncadd.s32 $0xFFFFF800  }
0x1b8: {  	_ =	swait.ge [sflag:s30], $0x800  }
0x1b9: {  	[sflag:s30] =	ssyncset.done $0x0  }
0x1ba: {  	[sflag:s30] =	ssyncadd.s32 $0xFFFFF800  }
0x1bb: {  	_ =	swait.ge [sflag:s30], $0x800  }
0x1bc: {  	[sflag:s30] =	ssyncset.done $0x0  }
0x1bd: {  	[sflag:s30] =	ssyncadd.s32 $0xFFFFF800  }
0x1be: {  	_ =	swait.ge [sflag:s30], $0x800  }
0x1bf: {  	[sflag:s30] =	ssyncset.done $0x0  }
0x1c0: {  	[sflag:s30] =	ssyncadd.s32 $0xFFFFF800  }
0x1c1: {  	s31 =	simm.s32 $0x0;
	_ =	swait.ge [sflag:s30], $0x800  }
0x1c2: {  	v2 =	vor.u32 s31, v0;
	[sflag:s30] =	ssyncset.done $0x0  }
0x1c3: {  	v4 =	vor.u32 s31, v3;
	[sflag:s30] =	ssyncadd.s32 $0xFFFFF800  }
0x1c4: {  	_ =	swait.ge [sflag:s30], $0x800  }
0x1c5: {  	[sflag:s30] =	ssyncset.done $0x0  }
0x1c6: {  	s1 =	simm.s32 $0x0;
	[sflag:s30] =	ssyncadd.s32 $0xFFFFF800  }
0x1c7: {  	v5 =	vor.u32 s1, v0;
	v2 =	vld.idx.msk [tilespmem:v2+s3+$0x0], $0xffff  }
0x1c8: {  	v6 =	vor.u32 s1, v3;
	s2 =	simm.s32 $0x800;
	v4 =	vld.idx.msk [tilespmem:v4+s3+$0x0], $0xffff  }
0x1c9: {  	v7 =	vor.u32 s2, v0  }
0x1ca: {  	v8 =	vor.u32 s2, v3;
	_ =	sdelay $0x1  }
0x1cb: {  	[tilespmem:v5+s5+$0x0] =	vst.idx.msk $0xffff, v2  }
0x1cc: {  	s4 =	simm.s32 $0x20;
	[tilespmem:v6+s5+$0x0] =	vst.idx.msk $0xffff, v4  }
0x1cd: {  	v4 =	vor.u32 s4, v0;
	v2 =	vld.idx.msk [tilespmem:v7+s3+$0x0], $0xffff  }
0x1ce: {  	s6 =	simm.s32 $0x1000;
	v6 =	vor.u32 s4, v3;
	v5 =	vld.idx.msk [tilespmem:v8+s3+$0x0], $0xffff  }
0x1cf: {  	v7 =	vor.u32 s6, v0  }
0x1d0: {  	v8 =	vor.u32 s6, v3;
	_ =	sdelay $0x1  }
0x1d1: {  	[tilespmem:v4+s5+$0x0] =	vst.idx.msk $0xffff, v2  }
0x1d2: {  	s7 =	simm.s32 $0x40;
	[tilespmem:v6+s5+$0x0] =	vst.idx.msk $0xffff, v5  }
0x1d3: {  	v4 =	vor.u32 s7, v0;
	v2 =	vld.idx.msk [tilespmem:v7+s3+$0x0], $0xffff  }
0x1d4: {  	s8 =	simm.s32 $0x1800;
	v6 =	vor.u32 s7, v3;
	v5 =	vld.idx.msk [tilespmem:v8+s3+$0x0], $0xffff  }
0x1d5: {  	v7 =	vor.u32 s8, v0  }
0x1d6: {  	v8 =	vor.u32 s8, v3;
	_ =	sdelay $0x1  }
0x1d7: {  	[tilespmem:v4+s5+$0x0] =	vst.idx.msk $0xffff, v2  }
0x1d8: {  	s9 =	simm.s32 $0x60;
	[tilespmem:v6+s5+$0x0] =	vst.idx.msk $0xffff, v5  }
0x1d9: {  	v4 =	vor.u32 s9, v0;
	v2 =	vld.idx.msk [tilespmem:v7+s3+$0x0], $0xffff  }
0x1da: {  	s10 =	simm.s32 $0x2000;
	v6 =	vor.u32 s9, v3;
	v5 =	vld.idx.msk [tilespmem:v8+s3+$0x0], $0xffff  }
0x1db: {  	v7 =	vor.u32 s10, v0  }
0x1dc: {  	v8 =	vor.u32 s10, v3;
	_ =	sdelay $0x1  }
0x1dd: {  	[tilespmem:v4+s5+$0x0] =	vst.idx.msk $0xffff, v2  }
0x1de: {  	s11 =	simm.s32 $0x80;
	[tilespmem:v6+s5+$0x0] =	vst.idx.msk $0xffff, v5  }
0x1df: {  	v4 =	vor.u32 s11, v0;
	v2 =	vld.idx.msk [tilespmem:v7+s3+$0x0], $0xffff  }
0x1e0: {  	s12 =	simm.s32 $0x2800;
	v6 =	vor.u32 s11, v3;
	v5 =	vld.idx.msk [tilespmem:v8+s3+$0x0], $0xffff  }
0x1e1: {  	v7 =	vor.u32 s12, v0  }
0x1e2: {  	v8 =	vor.u32 s12, v3;
	_ =	sdelay $0x1  }
0x1e3: {  	[tilespmem:v4+s5+$0x0] =	vst.idx.msk $0xffff, v2  }
0x1e4: {  	s13 =	simm.s32 $0xA0;
	[tilespmem:v6+s5+$0x0] =	vst.idx.msk $0xffff, v5  }
0x1e5: {  	v4 =	vor.u32 s13, v0;
	v2 =	vld.idx.msk [tilespmem:v7+s3+$0x0], $0xffff  }
0x1e6: {  	s14 =	simm.s32 $0x3000;
	v6 =	vor.u32 s13, v3;
	v5 =	vld.idx.msk [tilespmem:v8+s3+$0x0], $0xffff  }
0x1e7: {  	v7 =	vor.u32 s14, v0  }
0x1e8: {  	v8 =	vor.u32 s14, v3;
	_ =	sdelay $0x1  }
0x1e9: {  	[tilespmem:v4+s5+$0x0] =	vst.idx.msk $0xffff, v2  }
0x1ea: {  	s15 =	simm.s32 $0xC0;
	[tilespmem:v6+s5+$0x0] =	vst.idx.msk $0xffff, v5  }
0x1eb: {  	v4 =	vor.u32 s15, v0;
	v2 =	vld.idx.msk [tilespmem:v7+s3+$0x0], $0xffff  }
0x1ec: {  	s16 =	simm.s32 $0x3800;
	v6 =	vor.u32 s15, v3;
	v5 =	vld.idx.msk [tilespmem:v8+s3+$0x0], $0xffff  }
0x1ed: {  	v7 =	vor.u32 s16, v0  }
0x1ee: {  	v8 =	vor.u32 s16, v3;
	_ =	sdelay $0x1  }
0x1ef: {  	[tilespmem:v4+s5+$0x0] =	vst.idx.msk $0xffff, v2  }
0x1f0: {  	s17 =	simm.s32 $0xE0;
	[tilespmem:v6+s5+$0x0] =	vst.idx.msk $0xffff, v5  }
0x1f1: {  	v4 =	vor.u32 s17, v0;
	v2 =	vld.idx.msk [tilespmem:v7+s3+$0x0], $0xffff  }
0x1f2: {  	s18 =	simm.s32 $0x4000;
	v6 =	vor.u32 s17, v3;
	v5 =	vld.idx.msk [tilespmem:v8+s3+$0x0], $0xffff  }
0x1f3: {  	v7 =	vor.u32 s18, v0  }
0x1f4: {  	v8 =	vor.u32 s18, v3;
	_ =	sdelay $0x1  }
0x1f5: {  	[tilespmem:v4+s5+$0x0] =	vst.idx.msk $0xffff, v2  }
0x1f6: {  	s19 =	simm.s32 $0x100;
	[tilespmem:v6+s5+$0x0] =	vst.idx.msk $0xffff, v5  }
0x1f7: {  	v4 =	vor.u32 s19, v0;
	v2 =	vld.idx.msk [tilespmem:v7+s3+$0x0], $0xffff  }
0x1f8: {  	s20 =	simm.s32 $0x4800;
	v6 =	vor.u32 s19, v3;
	v5 =	vld.idx.msk [tilespmem:v8+s3+$0x0], $0xffff  }
0x1f9: {  	v7 =	vor.u32 s20, v0  }
0x1fa: {  	v8 =	vor.u32 s20, v3;
	_ =	sdelay $0x1  }
0x1fb: {  	[tilespmem:v4+s5+$0x0] =	vst.idx.msk $0xffff, v2  }
0x1fc: {  	s21 =	simm.s32 $0x120;
	[tilespmem:v6+s5+$0x0] =	vst.idx.msk $0xffff, v5  }
0x1fd: {  	v4 =	vor.u32 s21, v0;
	v2 =	vld.idx.msk [tilespmem:v7+s3+$0x0], $0xffff  }
0x1fe: {  	s22 =	simm.s32 $0x5000;
	v6 =	vor.u32 s21, v3;
	v5 =	vld.idx.msk [tilespmem:v8+s3+$0x0], $0xffff  }
0x1ff: {  	v7 =	vor.u32 s22, v0  }
0x200: {  	v8 =	vor.u32 s22, v3;
	_ =	sdelay $0x1  }
0x201: {  	[tilespmem:v4+s5+$0x0] =	vst.idx.msk $0xffff, v2  }
0x202: {  	s23 =	simm.s32 $0x140;
	[tilespmem:v6+s5+$0x0] =	vst.idx.msk $0xffff, v5  }
0x203: {  	v4 =	vor.u32 s23, v0;
	v2 =	vld.idx.msk [tilespmem:v7+s3+$0x0], $0xffff  }
0x204: {  	s24 =	simm.s32 $0x5800;
	v6 =	vor.u32 s23, v3;
	v5 =	vld.idx.msk [tilespmem:v8+s3+$0x0], $0xffff  }
0x205: {  	v7 =	vor.u32 s24, v0  }
0x206: {  	v8 =	vor.u32 s24, v3;
	_ =	sdelay $0x1  }
0x207: {  	[tilespmem:v4+s5+$0x0] =	vst.idx.msk $0xffff, v2  }
0x208: {  	s25 =	simm.s32 $0x160;
	[tilespmem:v6+s5+$0x0] =	vst.idx.msk $0xffff, v5  }
0x209: {  	v4 =	vor.u32 s25, v0;
	v2 =	vld.idx.msk [tilespmem:v7+s3+$0x0], $0xffff  }
0x20a: {  	s26 =	simm.s32 $0x6000;
	v6 =	vor.u32 s25, v3;
	v5 =	vld.idx.msk [tilespmem:v8+s3+$0x0], $0xffff  }
0x20b: {  	v7 =	vor.u32 s26, v0  }
0x20c: {  	v8 =	vor.u32 s26, v3;
	_ =	sdelay $0x1  }
0x20d: {  	[tilespmem:v4+s5+$0x0] =	vst.idx.msk $0xffff, v2  }
0x20e: {  	s30 =	simm.s32 $0x180;
	[tilespmem:v6+s5+$0x0] =	vst.idx.msk $0xffff, v5  }
0x20f: {  	v4 =	vor.u32 s30, v0;
	v2 =	vld.idx.msk [tilespmem:v7+s3+$0x0], $0xffff  }
0x210: {  	s31 =	simm.s32 $0x6800;
	v6 =	vor.u32 s30, v3;
	v5 =	vld.idx.msk [tilespmem:v8+s3+$0x0], $0xffff  }
0x211: {  	v7 =	vor.u32 s31, v0  }
0x212: {  	v8 =	vor.u32 s31, v3;
	_ =	sdelay $0x1  }
0x213: {  	[tilespmem:v4+s5+$0x0] =	vst.idx.msk $0xffff, v2  }
0x214: {  	s2 =	simm.s32 $0x1A0;
	[tilespmem:v6+s5+$0x0] =	vst.idx.msk $0xffff, v5  }
0x215: {  	v4 =	vor.u32 s2, v0;
	v2 =	vld.idx.msk [tilespmem:v7+s3+$0x0], $0xffff  }
0x216: {  	s4 =	simm.s32 $0x7000;
	v6 =	vor.u32 s2, v3;
	v5 =	vld.idx.msk [tilespmem:v8+s3+$0x0], $0xffff  }
0x217: {  	v7 =	vor.u32 s4, v0  }
0x218: {  	v8 =	vor.u32 s4, v3;
	_ =	sdelay $0x1  }
0x219: {  	[tilespmem:v4+s5+$0x0] =	vst.idx.msk $0xffff, v2  }
0x21a: {  	s6 =	simm.s32 $0x1C0;
	[tilespmem:v6+s5+$0x0] =	vst.idx.msk $0xffff, v5  }
0x21b: {  	v4 =	vor.u32 s6, v0;
	v2 =	vld.idx.msk [tilespmem:v7+s3+$0x0], $0xffff  }
0x21c: {  	s7 =	simm.s32 $0x7800;
	v6 =	vor.u32 s6, v3;
	v5 =	vld.idx.msk [tilespmem:v8+s3+$0x0], $0xffff  }
0x21d: {  	v7 =	vor.u32 s7, v0  }
0x21e: {  	v8 =	vor.u32 s7, v3;
	_ =	sdelay $0x1  }
0x21f: {  	[tilespmem:v4+s5+$0x0] =	vst.idx.msk $0xffff, v2  }
0x220: {  	s8 =	simm.s32 $0x1E0;
	[tilespmem:v6+s5+$0x0] =	vst.idx.msk $0xffff, v5  }
0x221: {  	v4 =	vor.u32 s8, v0;
	v2 =	vld.idx.msk [tilespmem:v7+s3+$0x0], $0xffff  }
0x222: {  	s9 =	simm.s32 $0x8000;
	v6 =	vor.u32 s8, v3;
	v5 =	vld.idx.msk [tilespmem:v8+s3+$0x0], $0xffff  }
0x223: {  	v7 =	vor.u32 s9, v0  }
0x224: {  	v8 =	vor.u32 s9, v3;
	_ =	sdelay $0x1  }
0x225: {  	[tilespmem:v4+s5+$0x0] =	vst.idx.msk $0xffff, v2  }
0x226: {  	s10 =	simm.s32 $0x200;
	[tilespmem:v6+s5+$0x0] =	vst.idx.msk $0xffff, v5  }
0x227: {  	v4 =	vor.u32 s10, v0;
	v2 =	vld.idx.msk [tilespmem:v7+s3+$0x0], $0xffff  }
0x228: {  	s11 =	simm.s32 $0x8800;
	v6 =	vor.u32 s10, v3;
	v5 =	vld.idx.msk [tilespmem:v8+s3+$0x0], $0xffff  }
0x229: {  	v7 =	vor.u32 s11, v0  }
0x22a: {  	v8 =	vor.u32 s11, v3;
	_ =	sdelay $0x1  }
0x22b: {  	[tilespmem:v4+s5+$0x0] =	vst.idx.msk $0xffff, v2  }
0x22c: {  	s12 =	simm.s32 $0x220;
	[tilespmem:v6+s5+$0x0] =	vst.idx.msk $0xffff, v5  }
0x22d: {  	v4 =	vor.u32 s12, v0;
	v2 =	vld.idx.msk [tilespmem:v7+s3+$0x0], $0xffff  }
0x22e: {  	s13 =	simm.s32 $0x9000;
	v6 =	vor.u32 s12, v3;
	v5 =	vld.idx.msk [tilespmem:v8+s3+$0x0], $0xffff  }
0x22f: {  	v7 =	vor.u32 s13, v0  }
0x230: {  	v8 =	vor.u32 s13, v3;
	_ =	sdelay $0x1  }
0x231: {  	[tilespmem:v4+s5+$0x0] =	vst.idx.msk $0xffff, v2  }
0x232: {  	s14 =	simm.s32 $0x240;
	[tilespmem:v6+s5+$0x0] =	vst.idx.msk $0xffff, v5  }
0x233: {  	v4 =	vor.u32 s14, v0;
	v2 =	vld.idx.msk [tilespmem:v7+s3+$0x0], $0xffff  }
0x234: {  	s15 =	simm.s32 $0x9800;
	v6 =	vor.u32 s14, v3;
	v5 =	vld.idx.msk [tilespmem:v8+s3+$0x0], $0xffff  }
0x235: {  	v7 =	vor.u32 s15, v0  }
0x236: {  	v8 =	vor.u32 s15, v3;
	_ =	sdelay $0x1  }
0x237: {  	[tilespmem:v4+s5+$0x0] =	vst.idx.msk $0xffff, v2  }
0x238: {  	s16 =	simm.s32 $0x260;
	[tilespmem:v6+s5+$0x0] =	vst.idx.msk $0xffff, v5  }
0x239: {  	v4 =	vor.u32 s16, v0;
	v2 =	vld.idx.msk [tilespmem:v7+s3+$0x0], $0xffff  }
0x23a: {  	s17 =	simm.s32 $0xA000;
	v6 =	vor.u32 s16, v3;
	v5 =	vld.idx.msk [tilespmem:v8+s3+$0x0], $0xffff  }
0x23b: {  	v7 =	vor.u32 s17, v0  }
0x23c: {  	v8 =	vor.u32 s17, v3;
	_ =	sdelay $0x1  }
0x23d: {  	[tilespmem:v4+s5+$0x0] =	vst.idx.msk $0xffff, v2  }
0x23e: {  	s18 =	simm.s32 $0x280;
	[tilespmem:v6+s5+$0x0] =	vst.idx.msk $0xffff, v5  }
0x23f: {  	v4 =	vor.u32 s18, v0;
	v2 =	vld.idx.msk [tilespmem:v7+s3+$0x0], $0xffff  }
0x240: {  	s19 =	simm.s32 $0xA800;
	v6 =	vor.u32 s18, v3;
	v5 =	vld.idx.msk [tilespmem:v8+s3+$0x0], $0xffff  }
0x241: {  	v7 =	vor.u32 s19, v0  }
0x242: {  	v8 =	vor.u32 s19, v3;
	_ =	sdelay $0x1  }
0x243: {  	[tilespmem:v4+s5+$0x0] =	vst.idx.msk $0xffff, v2  }
0x244: {  	s20 =	simm.s32 $0x2A0;
	[tilespmem:v6+s5+$0x0] =	vst.idx.msk $0xffff, v5  }
0x245: {  	v4 =	vor.u32 s20, v0;
	v2 =	vld.idx.msk [tilespmem:v7+s3+$0x0], $0xffff  }
0x246: {  	s21 =	simm.s32 $0xB000;
	v6 =	vor.u32 s20, v3;
	v5 =	vld.idx.msk [tilespmem:v8+s3+$0x0], $0xffff  }
0x247: {  	v7 =	vor.u32 s21, v0  }
0x248: {  	v8 =	vor.u32 s21, v3;
	_ =	sdelay $0x1  }
0x249: {  	[tilespmem:v4+s5+$0x0] =	vst.idx.msk $0xffff, v2  }
0x24a: {  	s22 =	simm.s32 $0x2C0;
	[tilespmem:v6+s5+$0x0] =	vst.idx.msk $0xffff, v5  }
0x24b: {  	v4 =	vor.u32 s22, v0;
	v2 =	vld.idx.msk [tilespmem:v7+s3+$0x0], $0xffff  }
0x24c: {  	s23 =	simm.s32 $0xB800;
	v6 =	vor.u32 s22, v3;
	v5 =	vld.idx.msk [tilespmem:v8+s3+$0x0], $0xffff  }
0x24d: {  	v7 =	vor.u32 s23, v0  }
0x24e: {  	v8 =	vor.u32 s23, v3;
	_ =	sdelay $0x1  }
0x24f: {  	[tilespmem:v4+s5+$0x0] =	vst.idx.msk $0xffff, v2  }
0x250: {  	s24 =	simm.s32 $0x2E0;
	[tilespmem:v6+s5+$0x0] =	vst.idx.msk $0xffff, v5  }
0x251: {  	v4 =	vor.u32 s24, v0;
	v2 =	vld.idx.msk [tilespmem:v7+s3+$0x0], $0xffff  }
0x252: {  	s25 =	simm.s32 $0xC000;
	v6 =	vor.u32 s24, v3;
	v5 =	vld.idx.msk [tilespmem:v8+s3+$0x0], $0xffff  }
0x253: {  	v7 =	vor.u32 s25, v0  }
0x254: {  	v8 =	vor.u32 s25, v3;
	_ =	sdelay $0x1  }
0x255: {  	[tilespmem:v4+s5+$0x0] =	vst.idx.msk $0xffff, v2  }
0x256: {  	s26 =	simm.s32 $0x300;
	[tilespmem:v6+s5+$0x0] =	vst.idx.msk $0xffff, v5  }
0x257: {  	v4 =	vor.u32 s26, v0;
	v2 =	vld.idx.msk [tilespmem:v7+s3+$0x0], $0xffff  }
0x258: {  	s30 =	simm.s32 $0xC800;
	v6 =	vor.u32 s26, v3;
	v5 =	vld.idx.msk [tilespmem:v8+s3+$0x0], $0xffff  }
0x259: {  	v7 =	vor.u32 s30, v0;
	_ =	sdelay $0x2  }
0x25a: {  	[tilespmem:v4+s5+$0x0] =	vst.idx.msk $0xffff, v2  }
0x25b: {  	s31 =	simm.s32 $0x320;
	v2 =	vor.u32 s30, v3;
	[tilespmem:v6+s5+$0x0] =	vst.idx.msk $0xffff, v5  }
0x25c: {  	s29 =	simm.s32 $0x1020;
	v6 =	vor.u32 s31, v0;
	v4 =	vld.idx.msk [tilespmem:v7+s3+$0x0], $0xffff  }
0x25d: {  	s28 =	simm.s32 $0x5820;
	s0 =	simm.s32 $0x820;
	s1 =	simm.s32 $0x340  }
0x25e: {  	s2 =	simm.s32 $0x4820;
	s8 =	simm.s32 $0x660;
	s9 =	simm.s32 $0x20  }
0x25f: {  	s10 =	simm.s32 $0x2;
	s11 =	simm.s32 $0x33;
	s14 =	simm.s32 $0x7020  }
0x260: {  	s17 =	simm.s32 $0x3020;
	s19 =	simm.s32 $0x2820;
	s20 =	simm.s32 $0x5020;
	v5 =	vor.u32 s31, v3;
	v2 =	vld.idx.msk [tilespmem:v2+s3+$0x0], $0xffff  }
0x261: {  	s21 =	simm.s32 $0x6820;
	s23 =	simm.s32 $0x2020;
	s24 =	simm.s32 $0x6020;
	[tilespmem:v6+s5+$0x0] =	vst.idx.msk $0xffff, v4;
	v6 =	vor.u32 s9, v0;
	v4 =	vor.u32 s9, v3  }
.LBB2_3:
0x262: {  	_ =	sdelay $0x2  }
0x263: {  	[tilespmem:v5+s5+$0x0] =	vst.idx.msk $0xffff, v2  }
0x264: {  	v5 =	vor.u32 s1, v0;
	v2 =	vld.idx.msk [tilespmem:v6+s3+$0x0], $0xffff  }
0x265: {  	v4 =	vld.idx.msk [tilespmem:v4+s3+$0x0], $0xffff;
	v6 =	vor.u32 s1, v3  }
0x266: {  	v7 =	vor.u32 s0, v0  }
0x267: {  	v8 =	vor.u32 s0, v3;
	_ =	sdelay $0x1  }
0x268: {  	[tilespmem:v5+s5+$0x0] =	vst.idx.msk $0xffff, v2  }
0x269: {  	s1 =	sadd.s32 $0xFFFFFD00, s8;
	[tilespmem:v6+s5+$0x0] =	vst.idx.msk $0xffff, v4  }
0x26a: {  	v5 =	vor.u32 s1, v0;
	v2 =	vld.idx.msk [tilespmem:v7+s3+$0x0], $0xffff  }
0x26b: {  	v6 =	vor.u32 s1, v3;
	v4 =	vld.idx.msk [tilespmem:v8+s3+$0x0], $0xffff  }
0x26c: {  	v7 =	vor.u32 s29, v0  }
0x26d: {  	v8 =	vor.u32 s29, v3  }
0x26e: {  	s13 =	sadd.s32 $0xFFFFFF00, s8  }
0x26f: {  	[dreg:$0x13] =	wrdreg s13;
	s13 =	sadd.s32 $0xFFFFFF20, s8;
	[tilespmem:v5+s5+$0x0] =	vst.idx.msk $0xffff, v2  }
0x270: {  	s31 =	sadd.s32 $0xFFFFFD20, s8;
	[dreg:$0x12] =	wrdreg s13;
	s13 =	sadd.s32 $0xFFFFFF40, s8;
	[tilespmem:v6+s5+$0x0] =	vst.idx.msk $0xffff, v4  }
0x271: {  	[dreg:$0x10] =	wrdreg s13;
	s13 =	sadd.s32 $0xFFFFFF60, s8;
	v5 =	vor.u32 s31, v0;
	v2 =	vld.idx.msk [tilespmem:v7+s3+$0x0], $0xffff  }
0x272: {  	[dreg:$0xe] =	wrdreg s13;
	s13 =	sadd.s32 $0xFFFFFF80, s8;
	v6 =	vor.u32 s31, v3;
	s31 =	sadd.s32 $0x1800, s9;
	v4 =	vld.idx.msk [tilespmem:v8+s3+$0x0], $0xffff  }
0x273: {  	[dreg:$0xc] =	wrdreg s13;
	s13 =	sadd.s32 $0xFFFFFFA0, s8;
	v7 =	vor.u32 s31, v0  }
0x274: {  	[dreg:$0xb] =	wrdreg s13;
	s13 =	sadd.s32 $0xFFFFFFC0, s8;
	v8 =	vor.u32 s31, v3  }
0x275: {  	[dreg:$0x9] =	wrdreg s13;
	s13 =	sadd.s32 $0xFFFFFFE0, s8  }
0x276: {  	[dreg:$0x7] =	wrdreg s13;
	s13 =	smov.u32 s10;
	[tilespmem:v5+s5+$0x0] =	vst.idx.msk $0xffff, v2  }
0x277: {  	[dreg:$0x5] =	wrdreg s13;
	s13 =	sadd.s32 $0xFFFFFD40, s8;
	[tilespmem:v6+s5+$0x0] =	vst.idx.msk $0xffff, v4  }
0x278: {  	v5 =	vor.u32 s13, v0;
	v2 =	vld.idx.msk [tilespmem:v7+s3+$0x0], $0xffff  }
0x279: {  	v6 =	vor.u32 s13, v3;
	v4 =	vld.idx.msk [tilespmem:v8+s3+$0x0], $0xffff  }
0x27a: {  	v7 =	vor.u32 s23, v0  }
0x27b: {  	v8 =	vor.u32 s23, v3;
	_ =	sdelay $0x1  }
0x27c: {  	s26 =	sadd.s32 $0xC000, s9;
	[tilespmem:v5+s5+$0x0] =	vst.idx.msk $0xffff, v2  }
0x27d: {  	[dreg:$0x4] =	wrdreg s26;
	s26 =	sadd.s32 $0xFFFFFD60, s8;
	[tilespmem:v6+s5+$0x0] =	vst.idx.msk $0xffff, v4  }
0x27e: {  	v5 =	vor.u32 s26, v0;
	v2 =	vld.idx.msk [tilespmem:v7+s3+$0x0], $0xffff  }
0x27f: {  	v6 =	vor.u32 s26, v3;
	v4 =	vld.idx.msk [tilespmem:v8+s3+$0x0], $0xffff  }
0x280: {  	v7 =	vor.u32 s19, v0  }
0x281: {  	v8 =	vor.u32 s19, v3;
	_ =	sdelay $0x1  }
0x282: {  	s30 =	sadd.s32 $0xC800, s9;
	[tilespmem:v5+s5+$0x0] =	vst.idx.msk $0xffff, v2  }
0x283: {  	[dreg:$0x3] =	wrdreg s30;
	s30 =	sadd.s32 $0xFFFFFD80, s8;
	[tilespmem:v6+s5+$0x0] =	vst.idx.msk $0xffff, v4  }
0x284: {  	v5 =	vor.u32 s30, v0;
	v2 =	vld.idx.msk [tilespmem:v7+s3+$0x0], $0xffff  }
0x285: {  	v6 =	vor.u32 s30, v3;
	v4 =	vld.idx.msk [tilespmem:v8+s3+$0x0], $0xffff  }
0x286: {  	v7 =	vor.u32 s17, v0  }
0x287: {  	v8 =	vor.u32 s17, v3;
	_ =	sdelay $0x1  }
0x288: {  	s25 =	sadd.s32 $0xB800, s9;
	[tilespmem:v5+s5+$0x0] =	vst.idx.msk $0xffff, v2  }
0x289: {  	[dreg:$0x6] =	wrdreg s25;
	s25 =	sadd.s32 $0xFFFFFDA0, s8;
	[tilespmem:v6+s5+$0x0] =	vst.idx.msk $0xffff, v4  }
0x28a: {  	v5 =	vor.u32 s25, v0;
	v2 =	vld.idx.msk [tilespmem:v7+s3+$0x0], $0xffff  }
0x28b: {  	s26 =	sadd.s32 $0x3800, s9;
	v6 =	vor.u32 s25, v3;
	v4 =	vld.idx.msk [tilespmem:v8+s3+$0x0], $0xffff  }
0x28c: {  	v7 =	vor.u32 s26, v0  }
0x28d: {  	v8 =	vor.u32 s26, v3;
	_ =	sdelay $0x1  }
0x28e: {  	s22 =	sadd.s32 $0xB000, s9;
	[tilespmem:v5+s5+$0x0] =	vst.idx.msk $0xffff, v2  }
0x28f: {  	[dreg:$0x8] =	wrdreg s22;
	s22 =	sadd.s32 $0xFFFFFDC0, s8;
	[tilespmem:v6+s5+$0x0] =	vst.idx.msk $0xffff, v4  }
0x290: {  	v5 =	vor.u32 s22, v0;
	v2 =	vld.idx.msk [tilespmem:v7+s3+$0x0], $0xffff  }
0x291: {  	s30 =	sadd.s32 $0x4000, s9;
	v6 =	vor.u32 s22, v3;
	v4 =	vld.idx.msk [tilespmem:v8+s3+$0x0], $0xffff  }
0x292: {  	v7 =	vor.u32 s30, v0  }
0x293: {  	v8 =	vor.u32 s30, v3;
	_ =	sdelay $0x1  }
0x294: {  	[tilespmem:v5+s5+$0x0] =	vst.idx.msk $0xffff, v2  }
0x295: {  	s31 =	sadd.s32 $0xFFFFFDE0, s8;
	[tilespmem:v6+s5+$0x0] =	vst.idx.msk $0xffff, v4  }
0x296: {  	v5 =	vor.u32 s31, v0;
	v2 =	vld.idx.msk [tilespmem:v7+s3+$0x0], $0xffff  }
0x297: {  	v6 =	vor.u32 s31, v3;
	v4 =	vld.idx.msk [tilespmem:v8+s3+$0x0], $0xffff  }
0x298: {  	v7 =	vor.u32 s2, v0  }
0x299: {  	v8 =	vor.u32 s2, v3;
	_ =	sdelay $0x1  }
0x29a: {  	s18 =	sadd.s32 $0xA800, s9;
	[tilespmem:v5+s5+$0x0] =	vst.idx.msk $0xffff, v2  }
0x29b: {  	[dreg:$0xa] =	wrdreg s18;
	s18 =	sadd.s32 $0xFFFFFE00, s8;
	[tilespmem:v6+s5+$0x0] =	vst.idx.msk $0xffff, v4  }
0x29c: {  	v5 =	vor.u32 s18, v0;
	v2 =	vld.idx.msk [tilespmem:v7+s3+$0x0], $0xffff  }
0x29d: {  	v6 =	vor.u32 s18, v3;
	v4 =	vld.idx.msk [tilespmem:v8+s3+$0x0], $0xffff  }
0x29e: {  	v7 =	vor.u32 s20, v0  }
0x29f: {  	v8 =	vor.u32 s20, v3;
	_ =	sdelay $0x1  }
0x2a0: {  	[tilespmem:v5+s5+$0x0] =	vst.idx.msk $0xffff, v2  }
0x2a1: {  	s2 =	sadd.s32 $0xFFFFFE20, s8;
	[tilespmem:v6+s5+$0x0] =	vst.idx.msk $0xffff, v4  }
0x2a2: {  	v5 =	vor.u32 s2, v0;
	v2 =	vld.idx.msk [tilespmem:v7+s3+$0x0], $0xffff  }
0x2a3: {  	v6 =	vor.u32 s2, v3;
	v4 =	vld.idx.msk [tilespmem:v8+s3+$0x0], $0xffff  }
0x2a4: {  	v7 =	vor.u32 s28, v0  }
0x2a5: {  	v8 =	vor.u32 s28, v3;
	_ =	sdelay $0x1  }
0x2a6: {  	s15 =	sadd.s32 $0x9000, s9;
	[tilespmem:v5+s5+$0x0] =	vst.idx.msk $0xffff, v2  }
0x2a7: {  	[dreg:$0xf] =	wrdreg s15;
	s15 =	sadd.s32 $0xFFFFFE40, s8;
	[tilespmem:v6+s5+$0x0] =	vst.idx.msk $0xffff, v4  }
0x2a8: {  	v5 =	vor.u32 s15, v0;
	v2 =	vld.idx.msk [tilespmem:v7+s3+$0x0], $0xffff  }
0x2a9: {  	v6 =	vor.u32 s15, v3;
	v4 =	vld.idx.msk [tilespmem:v8+s3+$0x0], $0xffff  }
0x2aa: {  	v7 =	vor.u32 s24, v0  }
0x2ab: {  	v8 =	vor.u32 s24, v3;
	_ =	sdelay $0x1  }
0x2ac: {  	s16 =	sadd.s32 $0x9800, s9;
	[tilespmem:v5+s5+$0x0] =	vst.idx.msk $0xffff, v2  }
0x2ad: {  	[dreg:$0xd] =	wrdreg s16;
	s16 =	sadd.s32 $0xFFFFFE60, s8;
	[tilespmem:v6+s5+$0x0] =	vst.idx.msk $0xffff, v4  }
0x2ae: {  	v5 =	vor.u32 s16, v0;
	v2 =	vld.idx.msk [tilespmem:v7+s3+$0x0], $0xffff  }
0x2af: {  	v6 =	vor.u32 s16, v3;
	v4 =	vld.idx.msk [tilespmem:v8+s3+$0x0], $0xffff  }
0x2b0: {  	v7 =	vor.u32 s21, v0  }
0x2b1: {  	v8 =	vor.u32 s21, v3;
	_ =	sdelay $0x1  }
0x2b2: {  	[tilespmem:v5+s5+$0x0] =	vst.idx.msk $0xffff, v2  }
0x2b3: {  	s0 =	sadd.s32 $0xFFFFFE80, s8;
	[tilespmem:v6+s5+$0x0] =	vst.idx.msk $0xffff, v4  }
0x2b4: {  	v5 =	vor.u32 s0, v0;
	v2 =	vld.idx.msk [tilespmem:v7+s3+$0x0], $0xffff  }
0x2b5: {  	v6 =	vor.u32 s0, v3;
	v4 =	vld.idx.msk [tilespmem:v8+s3+$0x0], $0xffff  }
0x2b6: {  	v7 =	vor.u32 s14, v0  }
0x2b7: {  	v8 =	vor.u32 s14, v3;
	_ =	sdelay $0x1  }
0x2b8: {  	s4 =	sadd.s32 $0x8800, s9;
	[tilespmem:v5+s5+$0x0] =	vst.idx.msk $0xffff, v2  }
0x2b9: {  	[dreg:$0x11] =	wrdreg s4;
	s4 =	sadd.s32 $0xFFFFFEA0, s8;
	[tilespmem:v6+s5+$0x0] =	vst.idx.msk $0xffff, v4  }
0x2ba: {  	v5 =	vor.u32 s4, v0;
	v2 =	vld.idx.msk [tilespmem:v7+s3+$0x0], $0xffff  }
0x2bb: {  	s12 =	sadd.s32 $0x7800, s9;
	v6 =	vor.u32 s4, v3;
	v4 =	vld.idx.msk [tilespmem:v8+s3+$0x0], $0xffff  }
0x2bc: {  	v7 =	vor.u32 s12, v0  }
0x2bd: {  	v8 =	vor.u32 s12, v3;
	_ =	sdelay $0x1  }
0x2be: {  	[tilespmem:v5+s5+$0x0] =	vst.idx.msk $0xffff, v2  }
0x2bf: {  	s6 =	sadd.s32 $0xFFFFFEC0, s8;
	[tilespmem:v6+s5+$0x0] =	vst.idx.msk $0xffff, v4  }
0x2c0: {  	v5 =	vor.u32 s6, v0;
	v2 =	vld.idx.msk [tilespmem:v7+s3+$0x0], $0xffff  }
0x2c1: {  	v6 =	vor.u32 s6, v3;
	s6 =	sadd.s32 $0x8000, s9;
	v4 =	vld.idx.msk [tilespmem:v8+s3+$0x0], $0xffff  }
0x2c2: {  	v7 =	vor.u32 s6, v0  }
0x2c3: {  	v8 =	vor.u32 s6, v3;
	_ =	sdelay $0x1  }
0x2c4: {  	[tilespmem:v5+s5+$0x0] =	vst.idx.msk $0xffff, v2  }
0x2c5: {  	s7 =	sadd.s32 $0xFFFFFEE0, s8;
	[tilespmem:v6+s5+$0x0] =	vst.idx.msk $0xffff, v4  }
0x2c6: {  	v5 =	vor.u32 s7, v0;
	v2 =	vld.idx.msk [tilespmem:v7+s3+$0x0], $0xffff  }
0x2c7: {  	v6 =	vor.u32 s7, v3;
	s7 =	rddreg [dreg:$0x11];
	v4 =	vld.idx.msk [tilespmem:v8+s3+$0x0], $0xffff  }
0x2c8: {  	v7 =	vor.u32 s7, v0  }
0x2c9: {  	v8 =	vor.u32 s7, v3;
	_ =	sdelay $0x1  }
0x2ca: {  	[tilespmem:v5+s5+$0x0] =	vst.idx.msk $0xffff, v2  }
0x2cb: {  	s12 =	rddreg [dreg:$0x13];
	[tilespmem:v6+s5+$0x0] =	vst.idx.msk $0xffff, v4  }
0x2cc: {  	v5 =	vor.u32 s12, v0;
	v2 =	vld.idx.msk [tilespmem:v7+s3+$0x0], $0xffff  }
0x2cd: {  	s13 =	rddreg [dreg:$0xf];
	v6 =	vor.u32 s12, v3;
	v4 =	vld.idx.msk [tilespmem:v8+s3+$0x0], $0xffff  }
0x2ce: {  	v7 =	vor.u32 s13, v0  }
0x2cf: {  	v8 =	vor.u32 s13, v3;
	_ =	sdelay $0x1  }
0x2d0: {  	[tilespmem:v5+s5+$0x0] =	vst.idx.msk $0xffff, v2  }
0x2d1: {  	s14 =	rddreg [dreg:$0x12];
	[tilespmem:v6+s5+$0x0] =	vst.idx.msk $0xffff, v4  }
0x2d2: {  	v5 =	vor.u32 s14, v0;
	v2 =	vld.idx.msk [tilespmem:v7+s3+$0x0], $0xffff  }
0x2d3: {  	s15 =	rddreg [dreg:$0xd];
	v6 =	vor.u32 s14, v3;
	v4 =	vld.idx.msk [tilespmem:v8+s3+$0x0], $0xffff  }
0x2d4: {  	v7 =	vor.u32 s15, v0  }
0x2d5: {  	v8 =	vor.u32 s15, v3;
	_ =	sdelay $0x1  }
0x2d6: {  	[tilespmem:v5+s5+$0x0] =	vst.idx.msk $0xffff, v2  }
0x2d7: {  	s16 =	rddreg [dreg:$0x10];
	[tilespmem:v6+s5+$0x0] =	vst.idx.msk $0xffff, v4  }
0x2d8: {  	v5 =	vor.u32 s16, v0;
	v2 =	vld.idx.msk [tilespmem:v7+s3+$0x0], $0xffff  }
0x2d9: {  	s17 =	sadd.s32 $0xA000, s9;
	v6 =	vor.u32 s16, v3;
	v4 =	vld.idx.msk [tilespmem:v8+s3+$0x0], $0xffff  }
0x2da: {  	v7 =	vor.u32 s17, v0  }
0x2db: {  	v8 =	vor.u32 s17, v3;
	_ =	sdelay $0x1  }
0x2dc: {  	[tilespmem:v5+s5+$0x0] =	vst.idx.msk $0xffff, v2  }
0x2dd: {  	s18 =	rddreg [dreg:$0xe];
	[tilespmem:v6+s5+$0x0] =	vst.idx.msk $0xffff, v4  }
0x2de: {  	v5 =	vor.u32 s18, v0;
	v2 =	vld.idx.msk [tilespmem:v7+s3+$0x0], $0xffff  }
0x2df: {  	s19 =	rddreg [dreg:$0xa];
	v6 =	vor.u32 s18, v3;
	v4 =	vld.idx.msk [tilespmem:v8+s3+$0x0], $0xffff  }
0x2e0: {  	v7 =	vor.u32 s19, v0  }
0x2e1: {  	v8 =	vor.u32 s19, v3;
	_ =	sdelay $0x1  }
0x2e2: {  	[tilespmem:v5+s5+$0x0] =	vst.idx.msk $0xffff, v2  }
0x2e3: {  	s20 =	rddreg [dreg:$0xc];
	[tilespmem:v6+s5+$0x0] =	vst.idx.msk $0xffff, v4  }
0x2e4: {  	v5 =	vor.u32 s20, v0;
	v2 =	vld.idx.msk [tilespmem:v7+s3+$0x0], $0xffff  }
0x2e5: {  	s21 =	rddreg [dreg:$0x8];
	v6 =	vor.u32 s20, v3;
	v4 =	vld.idx.msk [tilespmem:v8+s3+$0x0], $0xffff  }
0x2e6: {  	v7 =	vor.u32 s21, v0  }
0x2e7: {  	v8 =	vor.u32 s21, v3;
	_ =	sdelay $0x1  }
0x2e8: {  	[tilespmem:v5+s5+$0x0] =	vst.idx.msk $0xffff, v2  }
0x2e9: {  	s22 =	rddreg [dreg:$0xb];
	[tilespmem:v6+s5+$0x0] =	vst.idx.msk $0xffff, v4  }
0x2ea: {  	v5 =	vor.u32 s22, v0;
	v2 =	vld.idx.msk [tilespmem:v7+s3+$0x0], $0xffff  }
0x2eb: {  	s23 =	rddreg [dreg:$0x6];
	v6 =	vor.u32 s22, v3;
	v4 =	vld.idx.msk [tilespmem:v8+s3+$0x0], $0xffff  }
0x2ec: {  	v7 =	vor.u32 s23, v0  }
0x2ed: {  	v8 =	vor.u32 s23, v3;
	_ =	sdelay $0x1  }
0x2ee: {  	[tilespmem:v5+s5+$0x0] =	vst.idx.msk $0xffff, v2  }
0x2ef: {  	s24 =	rddreg [dreg:$0x9];
	[tilespmem:v6+s5+$0x0] =	vst.idx.msk $0xffff, v4  }
0x2f0: {  	v5 =	vor.u32 s24, v0;
	v2 =	vld.idx.msk [tilespmem:v7+s3+$0x0], $0xffff  }
0x2f1: {  	s25 =	rddreg [dreg:$0x4];
	v6 =	vor.u32 s24, v3;
	v4 =	vld.idx.msk [tilespmem:v8+s3+$0x0], $0xffff  }
0x2f2: {  	v7 =	vor.u32 s25, v0  }
0x2f3: {  	v8 =	vor.u32 s25, v3;
	_ =	sdelay $0x1  }
0x2f4: {  	[tilespmem:v5+s5+$0x0] =	vst.idx.msk $0xffff, v2  }
0x2f5: {  	s26 =	rddreg [dreg:$0x7];
	[tilespmem:v6+s5+$0x0] =	vst.idx.msk $0xffff, v4  }
0x2f6: {  	v5 =	vor.u32 s26, v0;
	v2 =	vld.idx.msk [tilespmem:v7+s3+$0x0], $0xffff  }
0x2f7: {  	s30 =	rddreg [dreg:$0x3];
	v6 =	vor.u32 s26, v3;
	v4 =	vld.idx.msk [tilespmem:v8+s3+$0x0], $0xffff  }
0x2f8: {  	v7 =	vor.u32 s30, v0  }
0x2f9: {  	v8 =	vor.u32 s30, v3;
	_ =	sdelay $0x1  }
0x2fa: {  	[tilespmem:v5+s5+$0x0] =	vst.idx.msk $0xffff, v2  }
0x2fb: {  	[tilespmem:v6+s5+$0x0] =	vst.idx.msk $0xffff, v4  }
0x2fc: {  	s31 =	rddreg [dreg:$0x5];
	v7 =	vld.idx.msk [tilespmem:v7+s3+$0x0], $0xffff  }
0x2fd: {  	p0 =	sne.s32 s10, $0x3F;
	s11 =	sadd.s32 $0x1A, s11;
	s9 =	sshll.u32 s31, $0x5;
	v2 =	vld.idx.msk [tilespmem:v8+s3+$0x0], $0xffff;
	v8 =	vor.u32 s8, v0  }
.Ltmp0:
0x2fe: {  	s10 =	sadd.s32 $0x1, s10;
	s0 =	sadd.s32 $0x800, s9;
	(pc) =	sbr.rel @p0 .LBB2_3-.Ltmp0, $4  }
0x2ff: {  	s29 =	sadd.s32 $0x1000, s9;
	s2 =	sadd.s32 $0x4800, s9;
	s28 =	sadd.s32 $0x5800, s9  }
0x300: {  	s14 =	sadd.s32 $0x7000, s9;
	s17 =	sadd.s32 $0x3000, s9;
	s19 =	sadd.s32 $0x2800, s9  }
0x301: {  	s20 =	sadd.s32 $0x5000, s9;
	s21 =	sadd.s32 $0x6800, s9;
	v5 =	vor.u32 s8, v3;
	s8 =	sshll.u32 s11, $0x5  }
0x302: {  	s23 =	sadd.s32 $0x2000, s9;
	s24 =	sadd.s32 $0x6000, s9;
	v6 =	vor.u32 s9, v0;
	v4 =	vor.u32 s9, v3;
	s1 =	sadd.s32 $0xFFFFFCE0, s8;
	[tilespmem:v8+s5+$0x0] =	vst.idx.msk $0xffff, v7  }
0x303: {  	_ =	sdelay $0x3  }
0x304: {  	[tilespmem:v5+s5+$0x0] =	vst.idx.msk $0xffff, v2  }
0x305: {  	v5 =	vor.u32 s1, v0;
	v2 =	vld.idx.msk [tilespmem:v6+s3+$0x0], $0xffff  }
0x306: {  	v6 =	vor.u32 s1, v3;
	v4 =	vld.idx.msk [tilespmem:v4+s3+$0x0], $0xffff  }
0x307: {  	v7 =	vor.u32 s0, v0  }
0x308: {  	v8 =	vor.u32 s0, v3;
	_ =	sdelay $0x1  }
0x309: {  	[tilespmem:v5+s5+$0x0] =	vst.idx.msk $0xffff, v2  }
0x30a: {  	s10 =	sadd.s32 $0xFFFFFD00, s8;
	[tilespmem:v6+s5+$0x0] =	vst.idx.msk $0xffff, v4  }
0x30b: {  	v4 =	vor.u32 s10, v0;
	v2 =	vld.idx.msk [tilespmem:v7+s3+$0x0], $0xffff  }
0x30c: {  	v5 =	vor.u32 s10, v3;
	v6 =	vld.idx.msk [tilespmem:v8+s3+$0x0], $0xffff  }
0x30d: {  	v7 =	vor.u32 s29, v0  }
0x30e: {  	v8 =	vor.u32 s29, v3;
	_ =	sdelay $0x1  }
0x30f: {  	[tilespmem:v4+s5+$0x0] =	vst.idx.msk $0xffff, v2  }
0x310: {  	s11 =	sadd.s32 $0xFFFFFD20, s8;
	[tilespmem:v5+s5+$0x0] =	vst.idx.msk $0xffff, v6  }
0x311: {  	v4 =	vor.u32 s11, v0;
	v2 =	vld.idx.msk [tilespmem:v7+s3+$0x0], $0xffff  }
0x312: {  	s12 =	sadd.s32 $0x1800, s9;
	v6 =	vor.u32 s11, v3;
	v5 =	vld.idx.msk [tilespmem:v8+s3+$0x0], $0xffff  }
0x313: {  	v7 =	vor.u32 s12, v0  }
0x314: {  	v8 =	vor.u32 s12, v3;
	_ =	sdelay $0x1  }
0x315: {  	[tilespmem:v4+s5+$0x0] =	vst.idx.msk $0xffff, v2  }
0x316: {  	s13 =	sadd.s32 $0xFFFFFD40, s8;
	[tilespmem:v6+s5+$0x0] =	vst.idx.msk $0xffff, v5  }
0x317: {  	v4 =	vor.u32 s13, v0;
	v2 =	vld.idx.msk [tilespmem:v7+s3+$0x0], $0xffff  }
0x318: {  	v5 =	vor.u32 s13, v3;
	v6 =	vld.idx.msk [tilespmem:v8+s3+$0x0], $0xffff  }
0x319: {  	v7 =	vor.u32 s23, v0  }
0x31a: {  	v8 =	vor.u32 s23, v3;
	_ =	sdelay $0x1  }
0x31b: {  	[tilespmem:v4+s5+$0x0] =	vst.idx.msk $0xffff, v2  }
0x31c: {  	s15 =	sadd.s32 $0xFFFFFD60, s8;
	[tilespmem:v5+s5+$0x0] =	vst.idx.msk $0xffff, v6  }
0x31d: {  	v4 =	vor.u32 s15, v0;
	v2 =	vld.idx.msk [tilespmem:v7+s3+$0x0], $0xffff  }
0x31e: {  	v5 =	vor.u32 s15, v3;
	v6 =	vld.idx.msk [tilespmem:v8+s3+$0x0], $0xffff  }
0x31f: {  	v7 =	vor.u32 s19, v0  }
0x320: {  	v8 =	vor.u32 s19, v3;
	_ =	sdelay $0x1  }
0x321: {  	[tilespmem:v4+s5+$0x0] =	vst.idx.msk $0xffff, v2  }
0x322: {  	s16 =	sadd.s32 $0xFFFFFD80, s8;
	[tilespmem:v5+s5+$0x0] =	vst.idx.msk $0xffff, v6  }
0x323: {  	v4 =	vor.u32 s16, v0;
	v2 =	vld.idx.msk [tilespmem:v7+s3+$0x0], $0xffff  }
0x324: {  	v5 =	vor.u32 s16, v3;
	v6 =	vld.idx.msk [tilespmem:v8+s3+$0x0], $0xffff  }
0x325: {  	v7 =	vor.u32 s17, v0  }
0x326: {  	v8 =	vor.u32 s17, v3;
	_ =	sdelay $0x1  }
0x327: {  	[tilespmem:v4+s5+$0x0] =	vst.idx.msk $0xffff, v2  }
0x328: {  	s17 =	sadd.s32 $0xFFFFFDA0, s8;
	[tilespmem:v5+s5+$0x0] =	vst.idx.msk $0xffff, v6  }
0x329: {  	v4 =	vor.u32 s17, v0;
	v2 =	vld.idx.msk [tilespmem:v7+s3+$0x0], $0xffff  }
0x32a: {  	s18 =	sadd.s32 $0x3800, s9;
	v6 =	vor.u32 s17, v3;
	v5 =	vld.idx.msk [tilespmem:v8+s3+$0x0], $0xffff  }
0x32b: {  	v7 =	vor.u32 s18, v0  }
0x32c: {  	v8 =	vor.u32 s18, v3;
	_ =	sdelay $0x1  }
0x32d: {  	[tilespmem:v4+s5+$0x0] =	vst.idx.msk $0xffff, v2  }
0x32e: {  	s19 =	sadd.s32 $0xFFFFFDC0, s8;
	[tilespmem:v6+s5+$0x0] =	vst.idx.msk $0xffff, v5  }
0x32f: {  	v4 =	vor.u32 s19, v0;
	v2 =	vld.idx.msk [tilespmem:v7+s3+$0x0], $0xffff  }
0x330: {  	s22 =	sadd.s32 $0x4000, s9;
	v6 =	vor.u32 s19, v3;
	v5 =	vld.idx.msk [tilespmem:v8+s3+$0x0], $0xffff  }
0x331: {  	v7 =	vor.u32 s22, v0  }
0x332: {  	v8 =	vor.u32 s22, v3;
	_ =	sdelay $0x1  }
0x333: {  	[tilespmem:v4+s5+$0x0] =	vst.idx.msk $0xffff, v2  }
0x334: {  	s23 =	sadd.s32 $0xFFFFFDE0, s8;
	[tilespmem:v6+s5+$0x0] =	vst.idx.msk $0xffff, v5  }
0x335: {  	v4 =	vor.u32 s23, v0;
	v2 =	vld.idx.msk [tilespmem:v7+s3+$0x0], $0xffff  }
0x336: {  	v5 =	vor.u32 s23, v3;
	v6 =	vld.idx.msk [tilespmem:v8+s3+$0x0], $0xffff  }
0x337: {  	v7 =	vor.u32 s2, v0  }
0x338: {  	v8 =	vor.u32 s2, v3;
	_ =	sdelay $0x1  }
0x339: {  	[tilespmem:v4+s5+$0x0] =	vst.idx.msk $0xffff, v2  }
0x33a: {  	s25 =	sadd.s32 $0xFFFFFE00, s8;
	[tilespmem:v5+s5+$0x0] =	vst.idx.msk $0xffff, v6  }
0x33b: {  	v4 =	vor.u32 s25, v0;
	v2 =	vld.idx.msk [tilespmem:v7+s3+$0x0], $0xffff  }
0x33c: {  	v5 =	vor.u32 s25, v3;
	v6 =	vld.idx.msk [tilespmem:v8+s3+$0x0], $0xffff  }
0x33d: {  	v7 =	vor.u32 s20, v0  }
0x33e: {  	v8 =	vor.u32 s20, v3;
	_ =	sdelay $0x1  }
0x33f: {  	[tilespmem:v4+s5+$0x0] =	vst.idx.msk $0xffff, v2  }
0x340: {  	s26 =	sadd.s32 $0xFFFFFE20, s8;
	[tilespmem:v5+s5+$0x0] =	vst.idx.msk $0xffff, v6  }
0x341: {  	v4 =	vor.u32 s26, v0;
	v2 =	vld.idx.msk [tilespmem:v7+s3+$0x0], $0xffff  }
0x342: {  	v5 =	vor.u32 s26, v3;
	v6 =	vld.idx.msk [tilespmem:v8+s3+$0x0], $0xffff  }
0x343: {  	v7 =	vor.u32 s28, v0  }
0x344: {  	v8 =	vor.u32 s28, v3;
	_ =	sdelay $0x1  }
0x345: {  	[tilespmem:v4+s5+$0x0] =	vst.idx.msk $0xffff, v2  }
0x346: {  	s29 =	sadd.s32 $0xFFFFFE40, s8;
	[tilespmem:v5+s5+$0x0] =	vst.idx.msk $0xffff, v6  }
0x347: {  	v4 =	vor.u32 s29, v0;
	v2 =	vld.idx.msk [tilespmem:v7+s3+$0x0], $0xffff  }
0x348: {  	v5 =	vor.u32 s29, v3;
	v6 =	vld.idx.msk [tilespmem:v8+s3+$0x0], $0xffff  }
0x349: {  	v7 =	vor.u32 s24, v0  }
0x34a: {  	v8 =	vor.u32 s24, v3;
	_ =	sdelay $0x1  }
0x34b: {  	[tilespmem:v4+s5+$0x0] =	vst.idx.msk $0xffff, v2  }
0x34c: {  	s30 =	sadd.s32 $0xFFFFFE60, s8;
	[tilespmem:v5+s5+$0x0] =	vst.idx.msk $0xffff, v6  }
0x34d: {  	v4 =	vor.u32 s30, v0;
	v2 =	vld.idx.msk [tilespmem:v7+s3+$0x0], $0xffff  }
0x34e: {  	v5 =	vor.u32 s30, v3;
	v6 =	vld.idx.msk [tilespmem:v8+s3+$0x0], $0xffff  }
0x34f: {  	v7 =	vor.u32 s21, v0  }
0x350: {  	v8 =	vor.u32 s21, v3;
	_ =	sdelay $0x1  }
0x351: {  	[tilespmem:v4+s5+$0x0] =	vst.idx.msk $0xffff, v2  }
0x352: {  	s31 =	sadd.s32 $0xFFFFFE80, s8;
	[tilespmem:v5+s5+$0x0] =	vst.idx.msk $0xffff, v6  }
0x353: {  	v4 =	vor.u32 s31, v0;
	v2 =	vld.idx.msk [tilespmem:v7+s3+$0x0], $0xffff  }
0x354: {  	v5 =	vor.u32 s31, v3;
	v6 =	vld.idx.msk [tilespmem:v8+s3+$0x0], $0xffff  }
0x355: {  	v7 =	vor.u32 s14, v0  }
0x356: {  	v8 =	vor.u32 s14, v3;
	_ =	sdelay $0x1  }
0x357: {  	[tilespmem:v4+s5+$0x0] =	vst.idx.msk $0xffff, v2  }
0x358: {  	s1 =	sadd.s32 $0xFFFFFEA0, s8;
	[tilespmem:v5+s5+$0x0] =	vst.idx.msk $0xffff, v6  }
0x359: {  	v4 =	vor.u32 s1, v0;
	v2 =	vld.idx.msk [tilespmem:v7+s3+$0x0], $0xffff  }
0x35a: {  	s2 =	sadd.s32 $0x7800, s9;
	v5 =	vor.u32 s1, v3;
	v6 =	vld.idx.msk [tilespmem:v8+s3+$0x0], $0xffff  }
0x35b: {  	v7 =	vor.u32 s2, v0  }
0x35c: {  	v8 =	vor.u32 s2, v3;
	_ =	sdelay $0x1  }
0x35d: {  	[tilespmem:v4+s5+$0x0] =	vst.idx.msk $0xffff, v2  }
0x35e: {  	s4 =	sadd.s32 $0xFFFFFEC0, s8;
	[tilespmem:v5+s5+$0x0] =	vst.idx.msk $0xffff, v6  }
0x35f: {  	v4 =	vor.u32 s4, v0;
	v2 =	vld.idx.msk [tilespmem:v7+s3+$0x0], $0xffff  }
0x360: {  	s6 =	sadd.s32 $0x8000, s9;
	v6 =	vor.u32 s4, v3;
	v5 =	vld.idx.msk [tilespmem:v8+s3+$0x0], $0xffff  }
0x361: {  	v7 =	vor.u32 s6, v0  }
0x362: {  	v8 =	vor.u32 s6, v3;
	_ =	sdelay $0x1  }
0x363: {  	[tilespmem:v4+s5+$0x0] =	vst.idx.msk $0xffff, v2  }
0x364: {  	s7 =	sadd.s32 $0xFFFFFEE0, s8;
	[tilespmem:v6+s5+$0x0] =	vst.idx.msk $0xffff, v5  }
0x365: {  	v4 =	vor.u32 s7, v0;
	v2 =	vld.idx.msk [tilespmem:v7+s3+$0x0], $0xffff  }
0x366: {  	s10 =	sadd.s32 $0x8800, s9;
	v5 =	vor.u32 s7, v3;
	v6 =	vld.idx.msk [tilespmem:v8+s3+$0x0], $0xffff  }
0x367: {  	v7 =	vor.u32 s10, v0  }
0x368: {  	v8 =	vor.u32 s10, v3;
	_ =	sdelay $0x1  }
0x369: {  	[tilespmem:v4+s5+$0x0] =	vst.idx.msk $0xffff, v2  }
0x36a: {  	s11 =	sadd.s32 $0xFFFFFF00, s8;
	[tilespmem:v5+s5+$0x0] =	vst.idx.msk $0xffff, v6  }
0x36b: {  	v4 =	vor.u32 s11, v0;
	v2 =	vld.idx.msk [tilespmem:v7+s3+$0x0], $0xffff  }
0x36c: {  	s12 =	sadd.s32 $0x9000, s9;
	v5 =	vor.u32 s11, v3;
	v6 =	vld.idx.msk [tilespmem:v8+s3+$0x0], $0xffff  }
0x36d: {  	v7 =	vor.u32 s12, v0  }
0x36e: {  	v8 =	vor.u32 s12, v3;
	_ =	sdelay $0x1  }
0x36f: {  	[tilespmem:v4+s5+$0x0] =	vst.idx.msk $0xffff, v2  }
0x370: {  	s13 =	sadd.s32 $0xFFFFFF20, s8;
	[tilespmem:v5+s5+$0x0] =	vst.idx.msk $0xffff, v6  }
0x371: {  	v4 =	vor.u32 s13, v0;
	v2 =	vld.idx.msk [tilespmem:v7+s3+$0x0], $0xffff  }
0x372: {  	s14 =	sadd.s32 $0x9800, s9;
	v5 =	vor.u32 s13, v3;
	v6 =	vld.idx.msk [tilespmem:v8+s3+$0x0], $0xffff  }
0x373: {  	v7 =	vor.u32 s14, v0  }
0x374: {  	v8 =	vor.u32 s14, v3;
	_ =	sdelay $0x1  }
0x375: {  	[tilespmem:v4+s5+$0x0] =	vst.idx.msk $0xffff, v2  }
0x376: {  	s15 =	sadd.s32 $0xFFFFFF40, s8;
	[tilespmem:v5+s5+$0x0] =	vst.idx.msk $0xffff, v6  }
0x377: {  	v4 =	vor.u32 s15, v0;
	v2 =	vld.idx.msk [tilespmem:v7+s3+$0x0], $0xffff  }
0x378: {  	s16 =	sadd.s32 $0xA000, s9;
	v6 =	vor.u32 s15, v3;
	v5 =	vld.idx.msk [tilespmem:v8+s3+$0x0], $0xffff  }
0x379: {  	v7 =	vor.u32 s16, v0  }
0x37a: {  	v8 =	vor.u32 s16, v3;
	_ =	sdelay $0x1  }
0x37b: {  	[tilespmem:v4+s5+$0x0] =	vst.idx.msk $0xffff, v2  }
0x37c: {  	s17 =	sadd.s32 $0xFFFFFF60, s8;
	[tilespmem:v6+s5+$0x0] =	vst.idx.msk $0xffff, v5  }
0x37d: {  	v4 =	vor.u32 s17, v0;
	v2 =	vld.idx.msk [tilespmem:v7+s3+$0x0], $0xffff  }
0x37e: {  	s18 =	sadd.s32 $0xA800, s9;
	v5 =	vor.u32 s17, v3;
	v6 =	vld.idx.msk [tilespmem:v8+s3+$0x0], $0xffff  }
0x37f: {  	v7 =	vor.u32 s18, v0  }
0x380: {  	v8 =	vor.u32 s18, v3;
	_ =	sdelay $0x1  }
0x381: {  	[tilespmem:v4+s5+$0x0] =	vst.idx.msk $0xffff, v2  }
0x382: {  	s19 =	sadd.s32 $0xFFFFFF80, s8;
	[tilespmem:v5+s5+$0x0] =	vst.idx.msk $0xffff, v6  }
0x383: {  	v4 =	vor.u32 s19, v0;
	v2 =	vld.idx.msk [tilespmem:v7+s3+$0x0], $0xffff  }
0x384: {  	s20 =	sadd.s32 $0xB000, s9;
	v5 =	vor.u32 s19, v3;
	v6 =	vld.idx.msk [tilespmem:v8+s3+$0x0], $0xffff  }
0x385: {  	v7 =	vor.u32 s20, v0  }
0x386: {  	v8 =	vor.u32 s20, v3;
	_ =	sdelay $0x1  }
0x387: {  	[tilespmem:v4+s5+$0x0] =	vst.idx.msk $0xffff, v2  }
0x388: {  	s21 =	sadd.s32 $0xFFFFFFA0, s8;
	[tilespmem:v5+s5+$0x0] =	vst.idx.msk $0xffff, v6  }
0x389: {  	v4 =	vor.u32 s21, v0;
	v2 =	vld.idx.msk [tilespmem:v7+s3+$0x0], $0xffff  }
0x38a: {  	s22 =	sadd.s32 $0xB800, s9;
	v5 =	vor.u32 s21, v3;
	v6 =	vld.idx.msk [tilespmem:v8+s3+$0x0], $0xffff  }
0x38b: {  	v7 =	vor.u32 s22, v0  }
0x38c: {  	v8 =	vor.u32 s22, v3;
	_ =	sdelay $0x1  }
0x38d: {  	[tilespmem:v4+s5+$0x0] =	vst.idx.msk $0xffff, v2  }
0x38e: {  	s23 =	sadd.s32 $0xFFFFFFC0, s8;
	[tilespmem:v5+s5+$0x0] =	vst.idx.msk $0xffff, v6  }
0x38f: {  	v4 =	vor.u32 s23, v0;
	v2 =	vld.idx.msk [tilespmem:v7+s3+$0x0], $0xffff  }
0x390: {  	s24 =	sadd.s32 $0xC000, s9;
	v5 =	vor.u32 s23, v3;
	v6 =	vld.idx.msk [tilespmem:v8+s3+$0x0], $0xffff  }
0x391: {  	v7 =	vor.u32 s24, v0  }
0x392: {  	v8 =	vor.u32 s24, v3;
	_ =	sdelay $0x1  }
0x393: {  	[tilespmem:v4+s5+$0x0] =	vst.idx.msk $0xffff, v2  }
0x394: {  	s25 =	sadd.s32 $0xFFFFFFE0, s8;
	[tilespmem:v5+s5+$0x0] =	vst.idx.msk $0xffff, v6  }
0x395: {  	v4 =	vor.u32 s25, v0;
	v2 =	vld.idx.msk [tilespmem:v7+s3+$0x0], $0xffff  }
0x396: {  	s26 =	sadd.s32 $0xC800, s9;
	v5 =	vor.u32 s25, v3;
	v6 =	vld.idx.msk [tilespmem:v8+s3+$0x0], $0xffff  }
0x397: {  	v7 =	vor.u32 s26, v0  }
0x398: {  	v8 =	vor.u32 s26, v3;
	_ =	sdelay $0x1  }
0x399: {  	[tilespmem:v4+s5+$0x0] =	vst.idx.msk $0xffff, v2  }
0x39a: {  	[tilespmem:v5+s5+$0x0] =	vst.idx.msk $0xffff, v6  }
0x39b: {  	v4 =	vor.u32 s8, v0;
	v2 =	vld.idx.msk [tilespmem:v7+s3+$0x0], $0xffff  }
0x39c: {  	s28 =	sld [smem:$0x7EB];
	v5 =	vor.u32 s8, v3;
	v6 =	vld.idx.msk [tilespmem:v8+s3+$0x0], $0xffff;
	_ =	sdelay $0x2  }
0x39d: {  	s0 =	smul.u32 $0x68, s28  }
0x39e: {  	s29 =	rddreg [dreg:$0x1];
	[tilespmem:v4+s5+$0x0] =	vst.idx.msk $0xffff, v2  }
0x39f: {  	s0 =	sadd.s32 s29, s0;
	s30 =	simm.s32 $0x0;
	s2 =	simm.s32 $0x2;
	[tilespmem:v5+s5+$0x0] =	vst.idx.msk $0xffff, v6  }
0x3a0: {  	[hbm4b:s0+s30] =	stream.linear.scatter [tilespmem:s5], [sflag:$0x2], $0xD000, $0x38;
	[tilespmem:$0x1AE80] =	vst v63  }
0x3a1: {  	_ =	swait.ge [sflag:s2], $0xD000  }
0x3a2: {  	s31 =	sld [smem:$0x7EA];
	_ =	sdelay $0x2  }
0x3a3: {  	s0 =	sadd.s32 $0x1, s31  }
0x3a4: {  	p0 =	sne.s32 s0, $0x8  }
.Ltmp1:
0x3a5: {  	_ = 	snop;
	(pc) =	sbr.rel @p0 .LBB2_2-.Ltmp1, $3  }
0x3a6: {  	_ =	sdelay $0x1  }
0x3a7: {  	[sflag:s2] =	ssyncset.done $0x0  }
0x3a8: {  	[sflag:s2] =	ssyncadd.s32 $0xFFFF3000  }
0x3a9: {  	s1 =	sld [smem:$0x7EC]  }
0x3aa: {  	s0 =	sld [smem:$0x7FD];
	_ =	sdelay $0x1  }
0x3ab: {  	s1 =	sadd.s32 $0x1, s1  }
0x3ac: {  	p0 =	sne.s32 s1, s0  }
.Ltmp2:
0x3ad: {  	_ = 	snop;
	(pc) =	sbr.rel @p0 .LBB2_1-.Ltmp2, $1  }
0x3ae: {  	_ =	sdelay $0x3  }
0x3af: {  	_ =	sfence.sel $0x180000  }
0x3b0: {  	[bflag:$0x0] =	sbarrier.arrive $0xFFFF  }
0x3b1: {  	_ =	strace $0x90000047  }
0x3b2: {  	s0 =	stileid.u32;
	[bflag:$0x2] =	sbarrier.arrive $0xFFFF  }
0x3b3: {  	p0 =	sne.s32 s0, $0x0;
	s0 =	rddreg [dreg:$0x2]  }
0x3b4: {  	s0 =	sadd.s32 @!p0 $0x100000, s0  }
0x3b5: {  	[sflag:s0] =	ssyncadd.tile.s32 @!p0 $0x1;
	_ =	shalt  }
.Lfunc_end2:
_tile_overlayer_lowered:
.L_overlay_start_2:
0x3b6: {  	(tag) =	ssettag $0x2  }
0x3b7: {  	s0 =	rddreg [dreg:$0x0];
	s2 =	stileid.u32  }
0x3b8: {  	s1 =	rddreg [dreg:$0x1];
	p0 =	sne.s32 s2, $0x0  }
0x3b9: {  	s3 =	rddreg [dreg:$0x2];
	[bflag:$0x3] =	sbarrier.arrive $0xFFFF;
	s2 =	simm.s32 @!p0 $0x1C02  }
0x3ba: {  	[timem:s3], [sflag:s2] =	dma.local @!p0 [hbm:s0], s1  }
0x3bb: {  	s0 =	simm.s32 @!p0 $0x2  }
0x3bc: {  	_ =	swait.ge @!p0 [sflag:s0], s1  }
0x3bd: {  	s1 =	ssub.s32 @!p0 $0x0, s1;
	[sflag:s0] =	ssyncset.done @!p0 $0x0  }
0x3be: {  	[sflag:s0] =	ssyncadd.s32 @!p0 s1  }
0x3bf: {  	[bflag:$0x3] =	sbarrier.arrive $0xFFFF  }
0x3c0: {  	_ =	shalt  }

// kernel: sparse-core-data-format-call.cloned.1.call-start
scs
called_computation_lowered:
.L_overlay_start_0:
0x0: {  	s1 =	sld [smem:$0x3FD9]  }
0x1: {  	s2 =	sld [smem:$0x3FFE];
	_ =	sdelay $0x1  }
0x2: {  	s3 =	srdreg.scid  }
0x3: {  	s0 =	sand.u32 $0x1, s3  }
0x4: {  	s17 =	sshll.u32 s0, $0xA;
	s1 =	sadd.s32 s2, s1  }
0x5: {  	s1 =	sadd.s32 s1, s17  }
0x6: {  	[smem:$0x3FC1] =	sst s1  }
0x7: {  	_ = 	snop  }
0x8: {  	(tm) =	ssettm $0x1  }
0x9: {  	s18 =	sld [smem:$0x3FFB];
	_ =	sdelay $0x3  }
0xa: {  	_ =	strace s18  }
0xb: {  	s1 =	sld [smem:$0x3FFC];
	_ =	sdelay $0x3  }
0xc: {  	_ =	strace s1  }
0xd: {  	s1 =	sld [smem:$0x3FFD];
	_ =	sdelay $0x3  }
0xe: {  	_ =	strace s1  }
0xf: {  	_ =	strace $0x8FFFFFFF  }
0x10: {  	s19 =	sld [smem:$0x3FDB];
	_ =	sdelay $0x1  }
0x11: {  	s20 =	simm.s32 $_scs_section_size  }
0x12: {  	s4 =	simm.s32 $_size__tile_overlayer_lowered;
	s5 =	simm.s32 $_tile_overlayer_lowered  }
0x13: {  	s23 =	simm.s32 $0x1BFF;
	s22 =	sshll.u32 s5, $0x1;
	s1 =	sadd.s32 s20, s19  }
0x14: {  	s6 =	simm.s32 $0x0;
	s21 =	sshll.u32 s4, $0x1;
	s4 =	sadd.s32 s22, s1  }
0x15: {  	[timem:s6], [sflag:s23] =	dma.local [hbm:s4], s21  }
0x16: {  	_ =	swait.ge [sflag:s23], s21  }
0x17: {  	s2 =	ssub.s32 $0x0, s21;
	[sflag:s23] =	ssyncset.done $0x0  }
0x18: {  	[sflag:s23] =	ssyncadd.s32 s2;
	_ =	sdelay $0x1  }
0x19: {  	s24 =	simm.s32 $0x1B8B  }
0x1a: {  	_ =	swait.ge [sflag:s24], $0x1  }
0x1b: {  	[sflag:s24] =	ssyncset.done $0x0  }
0x1c: {  	s26 =	simm.s32 $0x1B8E;
	s25 =	sld [smem:$0x3FFE];
	[sflag:s24] =	ssyncadd.s32 $0xFFFFFFFF  }
0x1d: {  	s27 =	simm.s32 $execute0_lowered;
	[smem:$0x3FD2] =	sst s26  }
0x1e: {  	s4 =	sshll.u32 s27, $0x1;
	_ =	strace $0x80000049;
	[dreg:$0x1] =	wrdreg $0xFFFFFFFF  }
0x1f: {  	s28 =	simm.s32 $_size_execute0_lowered;
	s1 =	sadd.s32 s1, s4;
	[dreg:$0x0] =	wrdreg $0x0  }
0x20: {  	s4 =	sshll.u32 s28, $0x1;
	[dreg:$0x2] =	wrdreg s1  }
0x21: {  	[dreg:$0x3] =	wrdreg s4  }
0x22: {  	[dreg:$0x4] =	wrdreg $0xC0  }
0x23: {  	_ =	task [dreg:s6], $0x5FFFF  }
0x24: {  	[dreg:$0x1] =	wrdreg $0xFFFFFFFF  }
0x25: {  	[dreg:$0x0] =	wrdreg $0x60  }
0x26: {  	[dreg:$0x2] =	wrdreg s25  }
0x27: {  	[dreg:$0x3] =	wrdreg $0x9  }
0x28: {  	_ =	task.clear_ibuf [dreg:s6], $0x4FFFF;
	_ =	strace $0x90000049  }
0x29: {  	s29 =	simm.s32 $0x9;
	_ =	strace $0x8000004B  }
0x2a: {  	_ =	swait.ge [sflag:s29], $0x1  }
0x2b: {  	[sflag:s29] =	ssyncadd.s32 $0xFFFFFFFF  }
0x2c: {  	_ =	strace $0x9000004B  }
0x2d: {  	_ =	sfence  }
0x2e: {  	s30 =	sld [smem:$0x0];
	_ =	sdelay $0x2  }
0x2f: {  	s31 =	sshll.u32 s3, $0xD;
	s3 =	sshrl.u32 s3, $0x2  }
0x30: {  	s2 =	sand.u32 $0x4000, s31;
	s1 =	sadd.s32 s3, s30  }
0x31: {  	s0 =	sor.u32 s2, s0;
	s1 =	sshll.u32 s1, $0x11  }
0x32: {  	s0 =	sor.u32 s1, s0  }
0x33: {  	s0 =	sadd.s32 $0x8F2B, s0  }
0x34: {  	[sflag:s0] =	ssyncadd.remote.s32 $0x1  }
0x35: {  	_ =	sfence.sel $0xFFFF  }
0x36: {  	[dreg:$0x0] =	wrdreg $0xFFFFFFFF;
	(pc) =	sbr.abs _section_cstart, $3  }
0x37: {  	[dreg:$0x1] =	wrdreg $0xFFFFFFFF  }
0x38: {  	_ =	task.clear_ibuf [dreg:s6], $0x2FFFF;
	_ =	strace $0x9FFFFFFF  }
0x39: {  	(tm) =	ssettm $0x7FFFFFFF  }
tec
execute0_lowered:
.L_overlay_start_1:
0x0: {  	(tag) =	ssettag $0x1  }
0x1: {  	s0 =	srdreg.scid  }
0x2: {  	s1 =	sshll.u32 s0, $0x4  }
0x3: {  	s0 =	stileid.u32;
	s1 =	sand.u32 $0x10, s1  }
0x4: {  	s1 =	sor.u32 s0, s1  }
0x5: {  	s6 =	rddreg [dreg:$0x0];
	s7 =	simm.s32 $0x2;
	s2 =	sshll.u32 s1, $0x7  }
0x6: {  	s12 =	simm.s32 $0x0;
	s8 =	simm.s32 $0x20000;
	s1 =	ssub.s32 $0x4000, s2  }
0x7: {  	s13 =	simm.s32 $0x0;
	s9 =	simm.s32 $0x0;
	s3 =	sand.u32 $0xF80, s1  }
0x8: {  	s11 =	simm.s32 $0x0;
	p0 =	sne.s32 s3, $0x0;
	s3 =	simm.s32 $0x1  }
.Ltmp0:
0x9: {  	s4 =	sshrl.u32 s1, $0xC;
	s3 =	simm.s32 @!p0 $0x0;
	(pc) =	sbr.rel .LBB1_1-.Ltmp0, $4  }
0xa: {  	s5 =	sadd.s32 $0x18800, s6;
	s1 =	rddreg [dreg:$0x1];
	s4 =	sadd.s32 s3, s4  }
0xb: {  	_ =	strace $0x8000004A;
	s3 =	simm.s32 $0x1;
	s4 =	smul.u32 $0x1A, s4  }
0xc: {  	s6 =	sadd.s32 $0x818800, s6;
	s10 =	smov.u32 s2;
	[sflag:s3] =	ssyncpa.u1 $0x0  }
0xd: {  	p0 =	por $0x0, $0x0;
	[sflag:s7] =	ssyncpa.u1 $0x0;
	s7 =	sor.u32 $0x1, s4  }
.LBB1_4:
0xe: {  	s16 =	sshll.u32 s13, $0x3;
	s17 =	sand.u32 $0x78, s13  }
0xf: {  	s30 =	sand.u32 $0xF800, s13;
	s12 =	sshll.u32 s12, $0x10;
	s16 =	sand.u32 $0x3C00, s16  }
0x10: {  	s31 =	sand.u32 $0x7, s13;
	s16 =	sor.u32 s17, s16;
	s17 =	sadd.s32 s6, s30  }
0x11: {  	s13 =	sshll.u32 s31, $0x12;
	s16 =	sshrl.u32 s16, $0x3;
	s12 =	sadd.s32 s12, s17  }
0x12: {  	[tilespmem:s15+$0x0 ss:$0x81] =	vst.msk $0xffff, v0;
	s13 =	sor.u32 $0x400, s13;
	s12 =	sadd.s32 s16, s12  }
0x13: {  	[hbm4b:s12+s13] =	stream.strided.scatter [tilespmem:s14], [sflag:$0x2], $0x1000, s8, s13, $0x20;
	[tilespmem:$0x4040] =	vst v63  }
.LBB1_5:
0x14: {  	s14 =	sadd.s32 $0x1, s9  }
0x15: {  	s12 =	sadd.s32 $0x1000, s10;
	s16 =	smov.u32 s10;
	p2 =	sgt.s32 s14, $0x19  }
0x16: {  	s16 =	smov.u32 @p2 s12  }
0x17: {  	s14 =	simm.s32 @p2 $0x0;
	p2 =	sgt.s32 s16, $0x3FFF  }
0x18: {  	s16 =	smov.u32 @p2 s2;
	p2 =	sne.s32 s11, s7  }
.Ltmp1:
0x19: {  	p1 =	slt.u32 s11, $0x2;
	(pc) =	sbr.rel @!p2 .LBB1_6-.Ltmp1, $4  }
0x1a: {  	s15 =	simm.s32 @!p1 $0x2  }
0x1b: {  	s13 =	smov.u32 s10;
	p0 =	por !p0, !p0;
	_ =	swait.ge @!p1 [sflag:s15], $0x1000  }
0x1c: {  	s12 =	smov.u32 s9;
	[sflag:s15] =	ssyncset.done @!p1 $0x0;
	s9 =	smov.u32 s14  }
0x1d: {  	s11 =	sadd.s32 $0x1, s11;
	[sflag:s15] =	ssyncadd.s32 @!p1 $0xFFFFF000;
	s10 =	smov.u32 s16  }
.LBB1_1:
0x1e: {  	p1 =	sge.u32 s11, s4  }
0x1f: {  	s31 =	sadd.s32 $0xFFFFFFFF, s11;
	s14 =	sxor.u32 @!p1 $0xFFFFFFFF, s11  }
0x20: {  	s15 =	sshll.u32 @!p1 s10, $0x9;
	s16 =	sshll.u32 @!p1 s9, $0x4;
	s17 =	simm.s32 @!p1 $0x1000  }
0x21: {  	s14 =	sshll.u32 @!p1 s14, $0xC;
	s16 =	sand.u32 @!p1 $0x1F0, s16;
	s15 =	sadd.s32 @!p1 s5, s15  }
0x22: {  	s14 =	sand.u32 @!p1 $0x1000, s14;
	s15 =	sadd.s32 @!p1 s16, s15;
	s16 =	simm.s32 @!p1 $0x20  }
0x23: {  	[tilespmem:s14], [sflag:$0x1] =	stream.strided.gather @!p1 [hbm4b:s15+s16], $0x1000, s17, s16, $0x38;
	[tilespmem:$0x4040] =	vst v63  }
0x24: {  	p1 =	sge.u32 s31, s4  }
.Ltmp2:
0x25: {  	_ = 	snop;
	(pc) =	sbr.rel @p1 .LBB1_5-.Ltmp2, $1  }
0x26: {  	_ =	sdelay $0x3  }
0x27: {  	s14 =	simm.s32 $0x1  }
0x28: {  	_ =	swait.ge [sflag:s3], $0x1000;
	s14 =	simm.s32 @!p0 $0x0  }
0x29: {  	[sflag:s3] =	ssyncset.done $0x0;
	s15 =	sshll.u32 s14, $0xC  }
0x2a: {  	[sflag:s3] =	ssyncadd.s32 $0xFFFFF000;
	s18 =	sor.u32 $0x10, s15  }
0x2b: {  	s14 =	smul.u32 $0x4080, s14;
	v1 =	vld [tilespmem:s18+$0x0]  }
0x2c: {  	s30 =	sand.u32 $0x1, s11;
	v0 =	vld [tilespmem:s18+$0xFFFFFFF0]  }
0x2d: {  	s15 =	smul.u32 $0x4080, s30;
	s14 =	sshrl.u32 s14, $0x2  }
0x2e: {  	s16 =	sor.u32 $0x2000, s14  }
0x2f: {  	s31 =	sshrl.u32 s15, $0x2;
	s15 =	sadd.s32 $0x0, s16  }
0x30: {  	s17 =	simm.s32 $0x4;
	s18 =	sadd.s32 $0x20, s18;
	s14 =	sor.u32 $0x2000, s31;
	[tilespmem:s15+$0x810 ss:$0x81] =	vst.msk $0xffff, v1  }
.LBB1_3:
0x31: {  	v1 =	vld [tilespmem:s18+$0x0];
	p1 =	sne.s32 s17, $0x1FC;
	[tilespmem:s15+$0x0 ss:$0x81] =	vst.msk $0xffff, v0;
	s15 =	smov.u32 s17;
	s17 =	sadd.s32 $0x4, s17  }
.Ltmp3:
0x32: {  	v0 =	vld [tilespmem:s18+$0xFFFFFFF0];
	(pc) =	sbr.rel @p1 .LBB1_3-.Ltmp3, $4  }
0x33: {  	_ = 	snop  }
0x34: {  	s15 =	sshra.s32 s15, $0x2  }
0x35: {  	s15 =	sadd.s32 s15, s16  }
0x36: {  	s18 =	sadd.s32 $0x20, s18;
	[tilespmem:s15+$0x810 ss:$0x81] =	vst.msk $0xffff, v1  }
.Ltmp4:
0x37: {  	_ = 	snop;
	(pc) =	sbr.rel .LBB1_4-.Ltmp4, $1  }
0x38: {  	_ =	sdelay $0x3  }
.LBB1_6:
0x39: {  	_ =	sfence.sel $0x180000  }
0x3a: {  	s2 =	simm.s32 $0x1;
	[bflag:$0x0] =	sbarrier.arrive $0xFFFF  }
0x3b: {  	s31 =	simm.s32 $0x2;
	[sflag:s2] =	ssyncpa.u1 $0x1  }
0x3c: {  	[sflag:s31] =	ssyncpa.u1 $0x1  }
0x3d: {  	p0 =	sne.s32 s0, $0x0;
	_ =	strace $0x9000004A  }
0x3e: {  	s0 =	sadd.s32 @!p0 $0x100000, s1;
	[bflag:$0x2] =	sbarrier.arrive $0xFFFF  }
0x3f: {  	[sflag:s0] =	ssyncadd.tile.s32 @!p0 $0x1;
	_ =	shalt  }
.Lfunc_end1:
_tile_overlayer_lowered:
.L_overlay_start_2:
0x40: {  	(tag) =	ssettag $0x2  }
0x41: {  	s0 =	rddreg [dreg:$0x0];
	s2 =	stileid.u32  }
0x42: {  	s1 =	rddreg [dreg:$0x1];
	p0 =	sne.s32 s2, $0x0  }
0x43: {  	s3 =	rddreg [dreg:$0x2];
	[bflag:$0x3] =	sbarrier.arrive $0xFFFF;
	s2 =	simm.s32 @!p0 $0x1C01  }
0x44: {  	[timem:s3], [sflag:s2] =	dma.local @!p0 [hbm:s0], s1  }
0x45: {  	s0 =	simm.s32 @!p0 $0x1  }
0x46: {  	_ =	swait.ge @!p0 [sflag:s0], s1  }
0x47: {  	s1 =	ssub.s32 @!p0 $0x0, s1;
	[sflag:s0] =	ssyncset.done @!p0 $0x0  }
0x48: {  	[sflag:s0] =	ssyncadd.s32 @!p0 s1  }
0x49: {  	[bflag:$0x3] =	sbarrier.arrive $0xFFFF  }
0x4a: {  	_ =	shalt  }

</sc_bundles>
